<compile_context>
chip_gen: v7x
topology: tpu7x:2x2x1
jax: 0.10.2.dev20260603
libtpu: 0.0.44.dev20260713+nightly
codegen_flags: <defaults>
</compile_context>

<pallas_src>
import functools

import jax
import jax.numpy as jnp
from jax import lax
from jax.experimental import pallas as pl
from jax.experimental.pallas import tpu as pltpu
from jax.experimental.pallas import tpu_sc as plsc

N = 10000
E = 320000
H = 64
G = 64

NC = 2
NS = 16
NW = NC * NS
EPW = E // NW
K = 100
NCH = EPW // K
NPAD = 10240
RPT = NPAD // NS

_PREC = lax.Precision.DEFAULT



def _sc_count(e4):
  mesh = plsc.VectorSubcoreMesh(core_axis_name="c", subcore_axis_name="s")

  @functools.partial(
      pl.kernel,
      mesh=mesh,
      out_type=jax.ShapeDtypeStruct((NW, N), jnp.float32),
      compiler_params=pltpu.CompilerParams(needs_layout_passes=False),
      scratch_types=[
          pltpu.VMEM((NCH, K), jnp.int32),
          pltpu.VMEM((N,), jnp.float32),
      ],
  )
  def k(e_hbm, out_hbm, idx_v, acc_v):
    c = lax.axis_index("c")
    s = lax.axis_index("s")
    w = s * NC + c
    pltpu.sync_copy(e_hbm.at[1, w], idx_v)
    zeros16 = jnp.zeros((16,), jnp.float32)

    def zbody(i, carry):
      acc_v[pl.ds(i * 16, 16)] = zeros16
      return carry

    lax.fori_loop(0, N // 16, zbody, 0)
    ones16 = jnp.ones((16,), jnp.float32)
    tail_mask = lax.iota(jnp.int32, 16) >= 12

    def body(j, carry):
      for t in range(6):
        idx = idx_v[j, pl.ds(t * 16, 16)]
        plsc.addupdate_scatter(acc_v, [idx], ones16)
      idx = idx_v[j, pl.ds(K - 16, 16)]
      plsc.addupdate_scatter(acc_v, [idx], ones16, mask=tail_mask)
      return carry

    lax.fori_loop(0, NCH, body, 0)
    pltpu.sync_copy(acc_v, out_hbm.at[w])

  return k(e4)


def _sc_agg(e4, hws, zrows):
  mesh = plsc.VectorSubcoreMesh(core_axis_name="c", subcore_axis_name="s")

  @functools.partial(
      pl.kernel,
      mesh=mesh,
      out_type=jax.ShapeDtypeStruct((NC, NPAD, H), jnp.float32),
      compiler_params=pltpu.CompilerParams(use_tc_tiling_on_sc=False),
      scratch_types=[
          pltpu.VMEM((NCH, K), jnp.int32),
          pltpu.VMEM((NCH, K), jnp.int32),
          [pltpu.VMEM((K, H), jnp.float32) for _ in range(4)],
          pltpu.VMEM_SHARED((NPAD, H), jnp.float32),
          pltpu.SemaphoreType.DMA,
          [pltpu.SemaphoreType.DMA for _ in range(4)],
          [pltpu.SemaphoreType.DMA for _ in range(4)],
      ],
  )
  def k(e_hbm, hws_hbm, z_hbm, out_hbm, src_v, dst_v, rows,
        acc_sh, sem_i, sem_g, sem_s):
    c = lax.axis_index("c")
    s = lax.axis_index("s")
    w = s * NC + c
    d0 = pltpu.async_copy(z_hbm, acc_sh.at[pl.ds(s * RPT, RPT)], sem_i)
    d1 = pltpu.async_copy(e_hbm.at[0, w], src_v, sem_i)
    d2 = pltpu.async_copy(e_hbm.at[1, w], dst_v, sem_i)
    d0.wait()
    d1.wait()
    d2.wait()
    plsc.subcore_barrier()

    def gather(j, b):
      pltpu.async_copy(hws_hbm.at[src_v.at[j]], rows[b], sem_g[b])

    def gather_wait(b):
      pltpu.make_async_copy(hws_hbm.at[src_v.at[0]], rows[b], sem_g[b]).wait()

    def scatter(j, b):
      pltpu.async_copy(rows[b], acc_sh.at[dst_v.at[j]], sem_s[b], add=True)

    def scatter_wait(b):
      pltpu.make_async_copy(rows[b], acc_sh.at[dst_v.at[0]], sem_s[b]).wait()

    for b in range(3):
      gather(b, b)

    def body(tt, carry):
      for u in range(4):
        j = 4 * tt + u
        b = u
        b2 = (u + 3) % 4
        gather_wait(b)
        scatter(j, b)
        if u == 0:
          @pl.when(tt >= 1)
          def _():
            scatter_wait(b2)
        else:
          scatter_wait(b2)
        gather(lax.rem(j + 3, NCH), b2)
      return carry

    lax.fori_loop(0, NCH // 4, body, 0)
    scatter_wait((NCH - 1) % 4)
    for b in range(3):
      gather_wait(NCH % 4 + b)
    plsc.subcore_barrier()
    pltpu.sync_copy(acc_sh.at[pl.ds(s * RPT, RPT)],
                    out_hbm.at[c, pl.ds(s * RPT, RPT)])

  return k(e4, hws, zrows)



def _blockdiag(W):
  a, b = W.shape
  z = jnp.zeros((a, b), jnp.float32)
  top = jnp.concatenate([W, z], axis=1)
  bot = jnp.concatenate([z, W], axis=1)
  return jnp.concatenate([top, bot], axis=0)


def _tc_proj(x2, W_in, b_in, W0):

  def body(x_ref, wi_ref, bi_ref, w0_ref, h0_ref, hw0_ref):
    wblk = _blockdiag(wi_ref[...])
    b2 = jnp.concatenate([bi_ref[...], bi_ref[...]])
    h0 = jax.nn.relu(
        jnp.dot(x_ref[...], wblk, preferred_element_type=jnp.float32,
                precision=_PREC) + b2[None, :])
    h0_ref[...] = h0
    hw0_ref[...] = jnp.dot(h0, _blockdiag(w0_ref[...]),
                           preferred_element_type=jnp.float32, precision=_PREC)

  return pl.pallas_call(
      body,
      out_shape=(
          jax.ShapeDtypeStruct((N // 2, 2 * H), jnp.float32),
          jax.ShapeDtypeStruct((N // 2, 2 * H), jnp.float32),
      ),
  )(x2, W_in, b_in, W0)


def _tc_dinv(cnts):

  def body(cnt_ref, dinv_ref):
    deg = jnp.sum(cnt_ref[...], axis=0) + 1.0
    dinv_ref[...] = lax.rsqrt(deg)

  return pl.pallas_call(
      body,
      out_shape=jax.ShapeDtypeStruct((N,), jnp.float32),
  )(cnts)


def _tc_layer(t_parts, hws_prev, b_prev, W_next, d128, h_res=None):
  with_res = h_res is not None

  def body(*refs):
    if with_res:
      (t_ref, hwsp_ref, b_ref, w_ref, d_ref, hres_ref,
       hn_ref, hwsn_ref) = refs
    else:
      t_ref, hwsp_ref, b_ref, w_ref, d_ref, hn_ref, hwsn_ref = refs
    d128 = d_ref[...]
    t = (t_ref[0] + t_ref[1])[:N // 2] + hwsp_ref[...]
    b2 = jnp.concatenate([b_ref[...], b_ref[...]])
    hn = jax.nn.relu(d128 * t + b2[None, :])
    if with_res:
      hn = hres_ref[...] + hn
    wblk = _blockdiag(w_ref[...])
    hwsn = jnp.dot(hn, wblk, preferred_element_type=jnp.float32,
                   precision=_PREC) * d128
    hn_ref[...] = hn
    hwsn_ref[...] = hwsn

  args = [t_parts, hws_prev, b_prev, W_next, d128]
  if with_res:
    args.append(h_res)
  return pl.pallas_call(
      body,
      out_shape=(
          jax.ShapeDtypeStruct((N // 2, 2 * H), jnp.float32),
          jax.ShapeDtypeStruct((N // 2, 2 * H), jnp.float32),
      ),
  )(*args)


def _tc_final(t_parts, hws2, b2, h2, d128, batchE, batchO, Wc1, bc1, Wc2, bc2):

  def body(t_ref, hws_ref, b_ref, h2_ref, d_ref, be_ref, bo_ref, wc1_ref,
           bc1_ref, wc2_ref, bc2_ref, out_ref):
    d128 = d_ref[...]
    t = (t_ref[0] + t_ref[1])[:N // 2] + hws_ref[...]
    bb = jnp.concatenate([b_ref[...], b_ref[...]])
    h3 = h2_ref[...] + jax.nn.relu(d128 * t + bb[None, :])
    gid = lax.broadcasted_iota(jnp.int32, (N // 2, G), 1)
    ohE = (be_ref[...][:, None] == gid).astype(jnp.float32)
    ohO = (bo_ref[...][:, None] == gid).astype(jnp.float32)
    dn = (((0,), (0,)), ((), ()))
    sums = (lax.dot_general(ohE, h3[:, :H], dn,
                            preferred_element_type=jnp.float32, precision=_PREC)
            + lax.dot_general(ohO, h3[:, H:], dn,
                              preferred_element_type=jnp.float32, precision=_PREC))
    counts = jnp.sum(ohE, axis=0) + jnp.sum(ohO, axis=0)
    pooled = sums / jnp.maximum(counts, 1.0)[:, None]
    z = jax.nn.relu(
        jnp.dot(pooled, wc1_ref[...], preferred_element_type=jnp.float32,
                precision=_PREC) + bc1_ref[...][None, :])
    out_ref[...] = jnp.dot(z, wc2_ref[...], preferred_element_type=jnp.float32,
                           precision=_PREC) + bc2_ref[...][None, :]

  return pl.pallas_call(
      body,
      out_shape=jax.ShapeDtypeStruct((G, jnp.shape(Wc2)[1]), jnp.float32),
  )(t_parts, hws2, b2, h2, d128, batchE, batchO, Wc1, bc1, Wc2, bc2)



def kernel(x, edge_index, batch, W_in, b_in, W0, b0, W1, b1, W2, b2,
           Wc1, bc1, Wc2, bc2):
  e4 = edge_index.reshape(2, NW, NCH, K)
  zrows = jnp.zeros((RPT, H), jnp.float32)
  x2 = x.reshape(N // 2, 256)
  batchE = batch[0::2]
  batchO = batch[1::2]

  cnts = _sc_count(e4)
  h0_2, hw0_2 = _tc_proj(x2, W_in, b_in, W0)
  dinv = _tc_dinv(cnts)
  d128 = jnp.reshape(jnp.broadcast_to(dinv[:, None], (N, H)), (N // 2, 2 * H))
  hws0 = hw0_2 * d128

  t0 = _sc_agg(e4, hws0.reshape(N, H), zrows)
  h1, hws1 = _tc_layer(t0.reshape(NC, NPAD // 2, 2 * H), hws0, b0, W1, d128)

  t1 = _sc_agg(e4, hws1.reshape(N, H), zrows)
  h2, hws2 = _tc_layer(t1.reshape(NC, NPAD // 2, 2 * H), hws1, b1, W2, d128,
                       h_res=h1)

  t2 = _sc_agg(e4, hws2.reshape(N, H), zrows)
  out = _tc_final(t2.reshape(NC, NPAD // 2, 2 * H), hws2, b2, h2, d128,
                  batchE, batchO, Wc1, bc1, Wc2, bc2)
  return out

# --- scband reference (transcript-rebuilt; emitter-appended) ---
"""Pipeline reference for scband-graph-neural-network-model-57423712747658 (READ-ONLY COPY).

The authoritative reference and input builder live on the scoring server;
editing this copy changes nothing except your own understanding.
"""

import jax, jax.numpy as jnp
import numpy as np

N = 10000
E = 320000
F_IN = 128
H = 64
C = 16
G = 64


def setup_inputs(seed: int = 0) -> dict:
    key = jax.random.key(seed)
    ks = jax.random.split(key, 16)
    x = jax.random.normal(ks[0], (N, F_IN), dtype=jnp.float32)
    edge_index = jax.random.randint(ks[1], (2, E), 0, N, dtype=jnp.int32)
    batch = jnp.sort(jax.random.randint(ks[2], (N,), 0, G, dtype=jnp.int32))
    def lin(k, fan_in, fan_out):
        bound = 1.0 / np.sqrt(fan_in)
        k1, k2 = jax.random.split(k)
        W = jax.random.uniform(k1, (fan_in, fan_out), minval=-bound, maxval=bound, dtype=jnp.float32)
        b = jax.random.uniform(k2, (fan_out,), minval=-bound, maxval=bound, dtype=jnp.float32)
        return W, b
    W_in, b_in = lin(ks[3], F_IN, H)
    W0, b0 = lin(ks[4], H, H)
    W1, b1 = lin(ks[5], H, H)
    W2, b2 = lin(ks[6], H, H)
    Wc1, bc1 = lin(ks[7], H, H // 2)
    Wc2, bc2 = lin(ks[8], H // 2, C)
    return {"x": x, "edge_index": edge_index, "batch": batch,
            "W_in": W_in, "b_in": b_in,
            "W0": W0, "b0": b0, "W1": W1, "b1": b1, "W2": W2, "b2": b2,
            "Wc1": Wc1, "bc1": bc1, "Wc2": Wc2, "bc2": bc2}


def _gcn_conv(h, src, dst, norm, W, b):
    # PyG GCNConv: D^{-1/2} (A + I) D^{-1/2} (h W) + b, self-loops included in src/dst/norm
    hw = h @ W
    msg = hw[src] * norm[:, None]
    agg = jnp.zeros((N, hw.shape[1]), hw.dtype).at[dst].add(msg)
    return agg + b


def reference(x, edge_index, batch, W_in, b_in, W0, b0, W1, b1, W2, b2, Wc1, bc1, Wc2, bc2):
    src = edge_index[0]
    dst = edge_index[1]
    loop = jnp.arange(N, dtype=src.dtype)
    src_f = jnp.concatenate([src, loop])
    dst_f = jnp.concatenate([dst, loop])
    deg = jnp.zeros((N,), jnp.float32).at[dst_f].add(1.0)
    dinv = jax.lax.rsqrt(deg)  # deg >= 1 due to self-loops
    norm = dinv[src_f] * dinv[dst_f]

    h = jax.nn.relu(x @ W_in + b_in)
    # layer 0 (no residual); dropout is identity in eval mode
    h_new = jax.nn.relu(_gcn_conv(h, src_f, dst_f, norm, W0, b0))
    h = h_new
    # layer 1 (residual)
    h_new = jax.nn.relu(_gcn_conv(h, src_f, dst_f, norm, W1, b1))
    h = h + h_new
    # layer 2 (residual)
    h_new = jax.nn.relu(_gcn_conv(h, src_f, dst_f, norm, W2, b2))
    h = h + h_new

    # global mean pool over graph ids
    sums = jax.ops.segment_sum(h, batch, num_segments=G)
    counts = jax.ops.segment_sum(jnp.ones((N,), jnp.float32), batch, num_segments=G)
    pooled = sums / jnp.maximum(counts, 1.0)[:, None]

    out = jax.nn.relu(pooled @ Wc1 + bc1) @ Wc2 + bc2
    return out

if __name__ == "__main__":
    import jax
    _d = setup_inputs()
    print(jax.jit(kernel)(*tuple(_d.values())))

</pallas_src>

<mosaic_0001>
#map = affine_map<(d0, d1) -> (0, 0, 0, 0)>
#map1 = affine_map<(d0, d1) -> (0, 0)>
module attributes {stable_mosaic.version = 14 : i64} {
  func.func @k(%arg0: i32, %arg1: i32, %arg2: memref<2x32x100x100xi32, #tpu.memory_space<hbm>>, %arg3: memref<32x10000xf32, #tpu.memory_space<hbm>>, %arg4: memref<100x100xi32, #tpu.memory_space<vmem>>, %arg5: memref<10000xf32, #tpu.memory_space<vmem>>) attributes {dimension_semantics = [#tpu.dimension_semantics<core_parallel>, #tpu.dimension_semantics<subcore_parallel>], iteration_bounds = array<i64: 2, 16>, scalar_prefetch = 0 : i64, scratch_operands = 2 : i64, tpu.core_type = #tpu.core_type<sc_vector_subcore>, window_params = [{transform_indices = #map}, {transform_indices = #map1}]} {
    %mul3A = arith.constant 2 : i32
    %mul3A_0 = arith.muli %arg1, %mul3A : i32
    %add3A = arith.addi %mul3A_0, %arg0 : i32
    %run_scoped3A = arith.constant 1 : i32
    "tpu.region"() ({
      %run_scoped3A_17 = tpu.sem_alloc : memref<!tpu.dma_semaphore, #tpu.memory_space<semaphore_mem>>
      %dma_start3A = arith.constant 0 : i32
      %dma_start3A_18 = arith.constant 0 : i32
      %dma_start3A_19 = tpu.memref_slice %arg2[%run_scoped3A, %add3A, %dma_start3A, %dma_start3A_18] : memref<2x32x100x100xi32, #tpu.memory_space<hbm>> -> memref<1x1x100x100xi32, #tpu.memory_space<hbm>>
      %dma_start3A_20 = tpu.memref_squeeze %dma_start3A_19 : memref<1x1x100x100xi32, #tpu.memory_space<hbm>> -> memref<100x100xi32, #tpu.memory_space<hbm>>
      %dma_start3A_21 = arith.constant 0 : i32
      %dma_start3A_22 = arith.constant 0 : i32
      %dma_start3A_23 = tpu.memref_slice %arg2[%run_scoped3A, %add3A, %dma_start3A_21, %dma_start3A_22] : memref<2x32x100x100xi32, #tpu.memory_space<hbm>> -> memref<1x1x100x100xi32, #tpu.memory_space<hbm>>
      %dma_start3A_24 = tpu.memref_squeeze %dma_start3A_23 : memref<1x1x100x100xi32, #tpu.memory_space<hbm>> -> memref<100x100xi32, #tpu.memory_space<hbm>>
      tpu.enqueue_dma source(%dma_start3A_24 : memref<100x100xi32, #tpu.memory_space<hbm>>) target(%arg4 : memref<100x100xi32, #tpu.memory_space<vmem>>) target_semaphore(%run_scoped3A_17 : memref<!tpu.dma_semaphore, #tpu.memory_space<semaphore_mem>>)
      %dma_wait3A = arith.constant 0 : i32
      %dma_wait3A_25 = arith.constant 0 : i32
      %dma_wait3A_26 = tpu.memref_slice %arg2[%run_scoped3A, %add3A, %dma_wait3A, %dma_wait3A_25] : memref<2x32x100x100xi32, #tpu.memory_space<hbm>> -> memref<1x1x100x100xi32, #tpu.memory_space<hbm>>
      %dma_wait3A_27 = tpu.memref_squeeze %dma_wait3A_26 : memref<1x1x100x100xi32, #tpu.memory_space<hbm>> -> memref<100x100xi32, #tpu.memory_space<hbm>>
      %dma_wait3A_28 = arith.constant 0 : i32
      %dma_wait3A_29 = arith.constant 0 : i32
      %dma_wait3A_30 = tpu.memref_slice %arg2[%run_scoped3A, %add3A, %dma_wait3A_28, %dma_wait3A_29] : memref<2x32x100x100xi32, #tpu.memory_space<hbm>> -> memref<1x1x100x100xi32, #tpu.memory_space<hbm>>
      %dma_wait3A_31 = tpu.memref_squeeze %dma_wait3A_30 : memref<1x1x100x100xi32, #tpu.memory_space<hbm>> -> memref<100x100xi32, #tpu.memory_space<hbm>>
      tpu.wait_dma2 semaphore(%run_scoped3A_17 : memref<!tpu.dma_semaphore, #tpu.memory_space<semaphore_mem>>) src(%dma_wait3A_31 : memref<100x100xi32, #tpu.memory_space<hbm>>) dst(%arg4 : memref<100x100xi32, #tpu.memory_space<vmem>>)
      tpu.yield
    }) : () -> ()
    %broadcast_in_dim3A = arith.constant 0.000000e+00 : f32
    %broadcast_in_dim3A_1 = vector.broadcast %broadcast_in_dim3A : f32 to vector<16xf32>
    %scan3A = arith.constant 0 : i32
    %scan3A_2 = arith.constant 0 : i32
    %scan3A_3 = arith.constant 625 : i32
    %scan3A_4 = arith.addi %scan3A_2, %scan3A_3 : i32
    %scan3A_5 = arith.constant 1 : i32
    scf.for %scan3A_17 = %scan3A_2 to %scan3A_4 step %scan3A_5  : i32 {
      %mul3A_18 = arith.constant 16 : i32
      %mul3A_19 = arith.muli %scan3A_17, %mul3A_18 : i32
      %swap3A = arith.index_cast %mul3A_19 : i32 to index
      %swap3A_20 = tpu.vector_load %arg5[%swap3A] {strides = array<i32>} : memref<10000xf32, #tpu.memory_space<vmem>>, vector<16xf32>,
      tpu.vector_store %arg5[%swap3A], %broadcast_in_dim3A_1 {strides = array<i32>} : memref<10000xf32, #tpu.memory_space<vmem>>, vector<16xf32>,
    }
    %scan3A_6 = arith.constant 625 : i32
    %broadcast_in_dim3A_7 = arith.constant 1.000000e+00 : f32
    %broadcast_in_dim3A_8 = vector.broadcast %broadcast_in_dim3A_7 : f32 to vector<16xf32>
    %iota3A = tpu.iota {dimensions = array<i32: 0>} : vector<16xi32>
    %ge3A = arith.constant 12 : i32
    %ge3A_9 = vector.broadcast %ge3A : i32 to vector<16xi32>
    %ge3A_10 = arith.cmpi sge, %iota3A, %ge3A_9 : vector<16xi32>
    %scan3A_11 = arith.constant 0 : i32
    %scan3A_12 = arith.constant 0 : i32
    %scan3A_13 = arith.constant 100 : i32
    %scan3A_14 = arith.addi %scan3A_12, %scan3A_13 : i32
    %scan3A_15 = arith.constant 1 : i32
    scf.for %scan3A_17 = %scan3A_12 to %scan3A_14 step %scan3A_15  : i32 {
      %get3A = arith.index_cast %scan3A_17 : i32 to index
      %get3A_18 = arith.constant 0 : index
      %get3A_19 = tpu.vector_load %arg4[%get3A, %get3A_18] {strides = array<i32>} : memref<100x100xi32, #tpu.memory_space<vmem>>, vector<16xi32>,
      tpu.vector_store_idx %arg5[%get3A_19], %broadcast_in_dim3A_8 {add = true} : memref<10000xf32, #tpu.memory_space<vmem>>[vector<16xi32>], vector<16xf32>,
      %get3A_20 = arith.index_cast %scan3A_17 : i32 to index
      %get3A_21 = arith.constant 16 : index
      %get3A_22 = tpu.vector_load %arg4[%get3A_20, %get3A_21] {strides = array<i32>} : memref<100x100xi32, #tpu.memory_space<vmem>>, vector<16xi32>,
      tpu.vector_store_idx %arg5[%get3A_22], %broadcast_in_dim3A_8 {add = true} : memref<10000xf32, #tpu.memory_space<vmem>>[vector<16xi32>], vector<16xf32>,
      %get3A_23 = arith.index_cast %scan3A_17 : i32 to index
      %get3A_24 = arith.constant 32 : index
      %get3A_25 = tpu.vector_load %arg4[%get3A_23, %get3A_24] {strides = array<i32>} : memref<100x100xi32, #tpu.memory_space<vmem>>, vector<16xi32>,
      tpu.vector_store_idx %arg5[%get3A_25], %broadcast_in_dim3A_8 {add = true} : memref<10000xf32, #tpu.memory_space<vmem>>[vector<16xi32>], vector<16xf32>,
      %get3A_26 = arith.index_cast %scan3A_17 : i32 to index
      %get3A_27 = arith.constant 48 : index
      %get3A_28 = tpu.vector_load %arg4[%get3A_26, %get3A_27] {strides = array<i32>} : memref<100x100xi32, #tpu.memory_space<vmem>>, vector<16xi32>,
      tpu.vector_store_idx %arg5[%get3A_28], %broadcast_in_dim3A_8 {add = true} : memref<10000xf32, #tpu.memory_space<vmem>>[vector<16xi32>], vector<16xf32>,
      %get3A_29 = arith.index_cast %scan3A_17 : i32 to index
      %get3A_30 = arith.constant 64 : index
      %get3A_31 = tpu.vector_load %arg4[%get3A_29, %get3A_30] {strides = array<i32>} : memref<100x100xi32, #tpu.memory_space<vmem>>, vector<16xi32>,
      tpu.vector_store_idx %arg5[%get3A_31], %broadcast_in_dim3A_8 {add = true} : memref<10000xf32, #tpu.memory_space<vmem>>[vector<16xi32>], vector<16xf32>,
      %get3A_32 = arith.index_cast %scan3A_17 : i32 to index
      %get3A_33 = arith.constant 80 : index
      %get3A_34 = tpu.vector_load %arg4[%get3A_32, %get3A_33] {strides = array<i32>} : memref<100x100xi32, #tpu.memory_space<vmem>>, vector<16xi32>,
      tpu.vector_store_idx %arg5[%get3A_34], %broadcast_in_dim3A_8 {add = true} : memref<10000xf32, #tpu.memory_space<vmem>>[vector<16xi32>], vector<16xf32>,
      %get3A_35 = arith.index_cast %scan3A_17 : i32 to index
      %get3A_36 = arith.constant 84 : index
      %get3A_37 = tpu.vector_load %arg4[%get3A_35, %get3A_36] {strides = array<i32>} : memref<100x100xi32, #tpu.memory_space<vmem>>, vector<16xi32>,
      tpu.vector_store_idx %arg5[%get3A_37], %broadcast_in_dim3A_8 masked %ge3A_10 {add = true} : memref<10000xf32, #tpu.memory_space<vmem>>[vector<16xi32>], vector<16xf32>, vector<16xi1>
    }
    %scan3A_16 = arith.constant 100 : i32
    "tpu.region"() ({
      %run_scoped3A_17 = tpu.sem_alloc : memref<!tpu.dma_semaphore, #tpu.memory_space<semaphore_mem>>
      %dma_start3A = arith.constant 0 : i32
      %dma_start3A_18 = tpu.memref_slice %arg3[%add3A, %dma_start3A] : memref<32x10000xf32, #tpu.memory_space<hbm>> -> memref<1x10000xf32, #tpu.memory_space<hbm>>
      %dma_start3A_19 = tpu.memref_squeeze %dma_start3A_18 : memref<1x10000xf32, #tpu.memory_space<hbm>> -> memref<10000xf32, #tpu.memory_space<hbm>>
      %dma_start3A_20 = arith.constant 0 : i32
      %dma_start3A_21 = tpu.memref_slice %arg3[%add3A, %dma_start3A_20] : memref<32x10000xf32, #tpu.memory_space<hbm>> -> memref<1x10000xf32, #tpu.memory_space<hbm>>
      %dma_start3A_22 = tpu.memref_squeeze %dma_start3A_21 : memref<1x10000xf32, #tpu.memory_space<hbm>> -> memref<10000xf32, #tpu.memory_space<hbm>>
      tpu.enqueue_dma source(%arg5 : memref<10000xf32, #tpu.memory_space<vmem>>) target(%dma_start3A_22 : memref<10000xf32, #tpu.memory_space<hbm>>) target_semaphore(%run_scoped3A_17 : memref<!tpu.dma_semaphore, #tpu.memory_space<semaphore_mem>>)
      %dma_wait3A = arith.constant 0 : i32
      %dma_wait3A_23 = tpu.memref_slice %arg3[%add3A, %dma_wait3A] : memref<32x10000xf32, #tpu.memory_space<hbm>> -> memref<1x10000xf32, #tpu.memory_space<hbm>>
      %dma_wait3A_24 = tpu.memref_squeeze %dma_wait3A_23 : memref<1x10000xf32, #tpu.memory_space<hbm>> -> memref<10000xf32, #tpu.memory_space<hbm>>
      %dma_wait3A_25 = arith.constant 0 : i32
      %dma_wait3A_26 = tpu.memref_slice %arg3[%add3A, %dma_wait3A_25] : memref<32x10000xf32, #tpu.memory_space<hbm>> -> memref<1x10000xf32, #tpu.memory_space<hbm>>
      %dma_wait3A_27 = tpu.memref_squeeze %dma_wait3A_26 : memref<1x10000xf32, #tpu.memory_space<hbm>> -> memref<10000xf32, #tpu.memory_space<hbm>>
      tpu.wait_dma2 semaphore(%run_scoped3A_17 : memref<!tpu.dma_semaphore, #tpu.memory_space<semaphore_mem>>) src(%arg5 : memref<10000xf32, #tpu.memory_space<vmem>>) dst(%dma_wait3A_27 : memref<10000xf32, #tpu.memory_space<hbm>>)
      tpu.yield
    }) : () -> ()
    return
  }
}

#map = affine_map<(d0, d1) -> (0, 0, 0, 0)>
#map1 = affine_map<(d0, d1) -> (0, 0)>
#map2 = affine_map<(d0, d1) -> (0, 0, 0)>
module attributes {stable_mosaic.version = 14 : i64} {
  func.func @k(%arg0: i32, %arg1: i32, %arg2: memref<2x32x100x100xi32, #tpu.memory_space<hbm>>, %arg3: memref<10000x64xf32, #tpu.memory_space<hbm>>, %arg4: memref<640x64xf32, #tpu.memory_space<hbm>>, %arg5: memref<2x10240x64xf32, #tpu.memory_space<hbm>>, %arg6: memref<100x100xi32, #tpu.memory_space<vmem>>, %arg7: memref<100x100xi32, #tpu.memory_space<vmem>>, %arg8: memref<100x64xf32, #tpu.memory_space<vmem>>, %arg9: memref<100x64xf32, #tpu.memory_space<vmem>>, %arg10: memref<100x64xf32, #tpu.memory_space<vmem>>, %arg11: memref<100x64xf32, #tpu.memory_space<vmem>>, %arg12: memref<10240x64xf32, #tpu.memory_space<vmem_shared>>, %arg13: memref<!tpu.dma_semaphore, #tpu.memory_space<semaphore_mem>>, %arg14: memref<!tpu.dma_semaphore, #tpu.memory_space<semaphore_mem>>, %arg15: memref<!tpu.dma_semaphore, #tpu.memory_space<semaphore_mem>>, %arg16: memref<!tpu.dma_semaphore, #tpu.memory_space<semaphore_mem>>, %arg17: memref<!tpu.dma_semaphore, #tpu.memory_space<semaphore_mem>>, %arg18: memref<!tpu.dma_semaphore, #tpu.memory_space<semaphore_mem>>, %arg19: memref<!tpu.dma_semaphore, #tpu.memory_space<semaphore_mem>>, %arg20: memref<!tpu.dma_semaphore, #tpu.memory_space<semaphore_mem>>, %arg21: memref<!tpu.dma_semaphore, #tpu.memory_space<semaphore_mem>>) attributes {dimension_semantics = [#tpu.dimension_semantics<core_parallel>, #tpu.dimension_semantics<subcore_parallel>], iteration_bounds = array<i64: 2, 16>, scalar_prefetch = 0 : i64, scratch_operands = 16 : i64, tpu.core_type = #tpu.core_type<sc_vector_subcore>, window_params = [{transform_indices = #map}, {transform_indices = #map1}, {transform_indices = #map1}, {transform_indices = #map2}]} {
    %mul3A = arith.constant 2 : i32
    %mul3A_0 = arith.muli %arg1, %mul3A : i32
    %add3A = arith.addi %mul3A_0, %arg0 : i32
    %mul3A_1 = arith.constant 640 : i32
    %mul3A_2 = arith.muli %arg1, %mul3A_1 : i32
    %dma_start3A = arith.constant 0 : i32
    %dma_start3A_3 = tpu.memref_slice %arg12[%mul3A_2, %dma_start3A] : memref<10240x64xf32, #tpu.memory_space<vmem_shared>> -> memref<640x64xf32, #tpu.memory_space<vmem_shared>>
    tpu.enqueue_dma source(%arg4 : memref<640x64xf32, #tpu.memory_space<hbm>>) target(%dma_start3A_3 : memref<640x64xf32, #tpu.memory_space<vmem_shared>>) target_semaphore(%arg13 : memref<!tpu.dma_semaphore, #tpu.memory_space<semaphore_mem>>)
    %dma_start3A_4 = arith.constant 0 : i32
    %dma_start3A_5 = arith.constant 0 : i32
    %dma_start3A_6 = arith.constant 0 : i32
    %dma_start3A_7 = tpu.memref_slice %arg2[%dma_start3A_4, %add3A, %dma_start3A_5, %dma_start3A_6] : memref<2x32x100x100xi32, #tpu.memory_space<hbm>> -> memref<1x1x100x100xi32, #tpu.memory_space<hbm>>
    %dma_start3A_8 = tpu.memref_squeeze %dma_start3A_7 : memref<1x1x100x100xi32, #tpu.memory_space<hbm>> -> memref<100x100xi32, #tpu.memory_space<hbm>>
    %dma_start3A_9 = arith.constant 0 : i32
    %dma_start3A_10 = arith.constant 0 : i32
    %dma_start3A_11 = tpu.memref_slice %arg2[%dma_start3A_4, %add3A, %dma_start3A_9, %dma_start3A_10] : memref<2x32x100x100xi32, #tpu.memory_space<hbm>> -> memref<1x1x100x100xi32, #tpu.memory_space<hbm>>
    %dma_start3A_12 = tpu.memref_squeeze %dma_start3A_11 : memref<1x1x100x100xi32, #tpu.memory_space<hbm>> -> memref<100x100xi32, #tpu.memory_space<hbm>>
    tpu.enqueue_dma source(%dma_start3A_12 : memref<100x100xi32, #tpu.memory_space<hbm>>) target(%arg6 : memref<100x100xi32, #tpu.memory_space<vmem>>) target_semaphore(%arg13 : memref<!tpu.dma_semaphore, #tpu.memory_space<semaphore_mem>>)
    %dma_start3A_13 = arith.constant 1 : i32
    %dma_start3A_14 = arith.constant 0 : i32
    %dma_start3A_15 = arith.constant 0 : i32
    %dma_start3A_16 = tpu.memref_slice %arg2[%dma_start3A_13, %add3A, %dma_start3A_14, %dma_start3A_15] : memref<2x32x100x100xi32, #tpu.memory_space<hbm>> -> memref<1x1x100x100xi32, #tpu.memory_space<hbm>>
    %dma_start3A_17 = tpu.memref_squeeze %dma_start3A_16 : memref<1x1x100x100xi32, #tpu.memory_space<hbm>> -> memref<100x100xi32, #tpu.memory_space<hbm>>
    %dma_start3A_18 = arith.constant 0 : i32
    %dma_start3A_19 = arith.constant 0 : i32
    %dma_start3A_20 = tpu.memref_slice %arg2[%dma_start3A_13, %add3A, %dma_start3A_18, %dma_start3A_19] : memref<2x32x100x100xi32, #tpu.memory_space<hbm>> -> memref<1x1x100x100xi32, #tpu.memory_space<hbm>>
    %dma_start3A_21 = tpu.memref_squeeze %dma_start3A_20 : memref<1x1x100x100xi32, #tpu.memory_space<hbm>> -> memref<100x100xi32, #tpu.memory_space<hbm>>
    tpu.enqueue_dma source(%dma_start3A_21 : memref<100x100xi32, #tpu.memory_space<hbm>>) target(%arg7 : memref<100x100xi32, #tpu.memory_space<vmem>>) target_semaphore(%arg13 : memref<!tpu.dma_semaphore, #tpu.memory_space<semaphore_mem>>)
    %dma_wait3A = arith.constant 0 : i32
    %dma_wait3A_22 = tpu.memref_slice %arg12[%mul3A_2, %dma_wait3A] : memref<10240x64xf32, #tpu.memory_space<vmem_shared>> -> memref<640x64xf32, #tpu.memory_space<vmem_shared>>
    tpu.wait_dma2 semaphore(%arg13 : memref<!tpu.dma_semaphore, #tpu.memory_space<semaphore_mem>>) src(%arg4 : memref<640x64xf32, #tpu.memory_space<hbm>>) dst(%dma_wait3A_22 : memref<640x64xf32, #tpu.memory_space<vmem_shared>>)
    %dma_wait3A_23 = arith.constant 0 : i32
    %dma_wait3A_24 = arith.constant 0 : i32
    %dma_wait3A_25 = arith.constant 0 : i32
    %dma_wait3A_26 = tpu.memref_slice %arg2[%dma_wait3A_23, %add3A, %dma_wait3A_24, %dma_wait3A_25] : memref<2x32x100x100xi32, #tpu.memory_space<hbm>> -> memref<1x1x100x100xi32, #tpu.memory_space<hbm>>
    %dma_wait3A_27 = tpu.memref_squeeze %dma_wait3A_26 : memref<1x1x100x100xi32, #tpu.memory_space<hbm>> -> memref<100x100xi32, #tpu.memory_space<hbm>>
    %dma_wait3A_28 = arith.constant 0 : i32
    %dma_wait3A_29 = arith.constant 0 : i32
    %dma_wait3A_30 = tpu.memref_slice %arg2[%dma_wait3A_23, %add3A, %dma_wait3A_28, %dma_wait3A_29] : memref<2x32x100x100xi32, #tpu.memory_space<hbm>> -> memref<1x1x100x100xi32, #tpu.memory_space<hbm>>
    %dma_wait3A_31 = tpu.memref_squeeze %dma_wait3A_30 : memref<1x1x100x100xi32, #tpu.memory_space<hbm>> -> memref<100x100xi32, #tpu.memory_space<hbm>>
    tpu.wait_dma2 semaphore(%arg13 : memref<!tpu.dma_semaphore, #tpu.memory_space<semaphore_mem>>) src(%dma_wait3A_31 : memref<100x100xi32, #tpu.memory_space<hbm>>) dst(%arg6 : memref<100x100xi32, #tpu.memory_space<vmem>>)
    %dma_wait3A_32 = arith.constant 1 : i32
    %dma_wait3A_33 = arith.constant 0 : i32
    %dma_wait3A_34 = arith.constant 0 : i32
    %dma_wait3A_35 = tpu.memref_slice %arg2[%dma_wait3A_32, %add3A, %dma_wait3A_33, %dma_wait3A_34] : memref<2x32x100x100xi32, #tpu.memory_space<hbm>> -> memref<1x1x100x100xi32, #tpu.memory_space<hbm>>
    %dma_wait3A_36 = tpu.memref_squeeze %dma_wait3A_35 : memref<1x1x100x100xi32, #tpu.memory_space<hbm>> -> memref<100x100xi32, #tpu.memory_space<hbm>>
    %dma_wait3A_37 = arith.constant 0 : i32
    %dma_wait3A_38 = arith.constant 0 : i32
    %dma_wait3A_39 = tpu.memref_slice %arg2[%dma_wait3A_32, %add3A, %dma_wait3A_37, %dma_wait3A_38] : memref<2x32x100x100xi32, #tpu.memory_space<hbm>> -> memref<1x1x100x100xi32, #tpu.memory_space<hbm>>
    %dma_wait3A_40 = tpu.memref_squeeze %dma_wait3A_39 : memref<1x1x100x100xi32, #tpu.memory_space<hbm>> -> memref<100x100xi32, #tpu.memory_space<hbm>>
    tpu.wait_dma2 semaphore(%arg13 : memref<!tpu.dma_semaphore, #tpu.memory_space<semaphore_mem>>) src(%dma_wait3A_40 : memref<100x100xi32, #tpu.memory_space<hbm>>) dst(%arg7 : memref<100x100xi32, #tpu.memory_space<vmem>>)
    %barrier3A = arith.constant 0 : index
    tpu.barrier barrier_id(%barrier3A)
    %dma_start3A_41 = arith.constant 0 : i32
    %dma_start3A_42 = arith.constant 0 : i32
    %dma_start3A_43 = tpu.memref_slice %arg6[%dma_start3A_41, %dma_start3A_42] : memref<100x100xi32, #tpu.memory_space<vmem>> -> memref<1x100xi32, #tpu.memory_space<vmem>>
    %dma_start3A_44 = tpu.memref_squeeze %dma_start3A_43 : memref<1x100xi32, #tpu.memory_space<vmem>> -> memref<100xi32, #tpu.memory_space<vmem>>
    %dma_start3A_45 = arith.constant 0 : i32
    %dma_start3A_46 = arith.constant 0 : i32
    %dma_start3A_47 = tpu.memref_slice %arg3[%dma_start3A_45, %dma_start3A_46] : memref<10000x64xf32, #tpu.memory_space<hbm>> -> memref<10000x64xf32, #tpu.memory_space<hbm>>
    tpu.enqueue_indirect_dma source(%dma_start3A_47 : memref<10000x64xf32, #tpu.memory_space<hbm>>) target(%arg8 : memref<100x64xf32, #tpu.memory_space<vmem>>) offsets(%dma_start3A_44 : memref<100xi32, #tpu.memory_space<vmem>>) semaphore(%arg14 : memref<!tpu.dma_semaphore, #tpu.memory_space<semaphore_mem>>)
    %dma_start3A_48 = arith.constant 1 : i32
    %dma_start3A_49 = arith.constant 0 : i32
    %dma_start3A_50 = tpu.memref_slice %arg6[%dma_start3A_48, %dma_start3A_49] : memref<100x100xi32, #tpu.memory_space<vmem>> -> memref<1x100xi32, #tpu.memory_space<vmem>>
    %dma_start3A_51 = tpu.memref_squeeze %dma_start3A_50 : memref<1x100xi32, #tpu.memory_space<vmem>> -> memref<100xi32, #tpu.memory_space<vmem>>
    %dma_start3A_52 = arith.constant 0 : i32
    %dma_start3A_53 = arith.constant 0 : i32
    %dma_start3A_54 = tpu.memref_slice %arg3[%dma_start3A_52, %dma_start3A_53] : memref<10000x64xf32, #tpu.memory_space<hbm>> -> memref<10000x64xf32, #tpu.memory_space<hbm>>
    tpu.enqueue_indirect_dma source(%dma_start3A_54 : memref<10000x64xf32, #tpu.memory_space<hbm>>) target(%arg9 : memref<100x64xf32, #tpu.memory_space<vmem>>) offsets(%dma_start3A_51 : memref<100xi32, #tpu.memory_space<vmem>>) semaphore(%arg15 : memref<!tpu.dma_semaphore, #tpu.memory_space<semaphore_mem>>)
    %dma_start3A_55 = arith.constant 2 : i32
    %dma_start3A_56 = arith.constant 0 : i32
    %dma_start3A_57 = tpu.memref_slice %arg6[%dma_start3A_55, %dma_start3A_56] : memref<100x100xi32, #tpu.memory_space<vmem>> -> memref<1x100xi32, #tpu.memory_space<vmem>>
    %dma_start3A_58 = tpu.memref_squeeze %dma_start3A_57 : memref<1x100xi32, #tpu.memory_space<vmem>> -> memref<100xi32, #tpu.memory_space<vmem>>
    %dma_start3A_59 = arith.constant 0 : i32
    %dma_start3A_60 = arith.constant 0 : i32
    %dma_start3A_61 = tpu.memref_slice %arg3[%dma_start3A_59, %dma_start3A_60] : memref<10000x64xf32, #tpu.memory_space<hbm>> -> memref<10000x64xf32, #tpu.memory_space<hbm>>
    tpu.enqueue_indirect_dma source(%dma_start3A_61 : memref<10000x64xf32, #tpu.memory_space<hbm>>) target(%arg10 : memref<100x64xf32, #tpu.memory_space<vmem>>) offsets(%dma_start3A_58 : memref<100xi32, #tpu.memory_space<vmem>>) semaphore(%arg16 : memref<!tpu.dma_semaphore, #tpu.memory_space<semaphore_mem>>)
    %scan3A = arith.constant 0 : i32
    %scan3A_62 = arith.constant 0 : i32
    %scan3A_63 = arith.constant 25 : i32
    %scan3A_64 = arith.addi %scan3A_62, %scan3A_63 : i32
    %scan3A_65 = arith.constant 1 : i32
    scf.for %scan3A_100 = %scan3A_62 to %scan3A_64 step %scan3A_65  : i32 {
      %mul3A_101 = arith.constant 4 : i32
      %mul3A_102 = arith.muli %mul3A_101, %scan3A_100 : i32
      %add3A_103 = arith.constant 0 : i32
      %add3A_104 = arith.addi %mul3A_102, %add3A_103 : i32
      %dma_wait3A_105 = arith.constant 0 : i32
      %dma_wait3A_106 = arith.constant 0 : i32
      %dma_wait3A_107 = tpu.memref_slice %arg6[%dma_wait3A_105, %dma_wait3A_106] : memref<100x100xi32, #tpu.memory_space<vmem>> -> memref<1x100xi32, #tpu.memory_space<vmem>>
      %dma_wait3A_108 = tpu.memref_squeeze %dma_wait3A_107 : memref<1x100xi32, #tpu.memory_space<vmem>> -> memref<100xi32, #tpu.memory_space<vmem>>
      %dma_wait3A_109 = arith.constant 0 : i32
      %dma_wait3A_110 = arith.constant 0 : i32
      %dma_wait3A_111 = tpu.memref_slice %arg3[%dma_wait3A_109, %dma_wait3A_110] : memref<10000x64xf32, #tpu.memory_space<hbm>> -> memref<10000x64xf32, #tpu.memory_space<hbm>>
      tpu.wait_indirect_dma semaphore(%arg14 : memref<!tpu.dma_semaphore, #tpu.memory_space<semaphore_mem>>) src(%dma_wait3A_111 : memref<10000x64xf32, #tpu.memory_space<hbm>>) dst(%arg8 : memref<100x64xf32, #tpu.memory_space<vmem>>)
      %dma_start3A_112 = arith.constant 0 : i32
      %dma_start3A_113 = tpu.memref_slice %arg7[%add3A_104, %dma_start3A_112] : memref<100x100xi32, #tpu.memory_space<vmem>> -> memref<1x100xi32, #tpu.memory_space<vmem>>
      %dma_start3A_114 = tpu.memref_squeeze %dma_start3A_113 : memref<1x100xi32, #tpu.memory_space<vmem>> -> memref<100xi32, #tpu.memory_space<vmem>>
      %dma_start3A_115 = arith.constant 0 : i32
      %dma_start3A_116 = arith.constant 0 : i32
      %dma_start3A_117 = tpu.memref_slice %arg12[%dma_start3A_115, %dma_start3A_116] : memref<10240x64xf32, #tpu.memory_space<vmem_shared>> -> memref<10240x64xf32, #tpu.memory_space<vmem_shared>>
      tpu.enqueue_indirect_dma source(%arg8 : memref<100x64xf32, #tpu.memory_space<vmem>>) target(%dma_start3A_117 : memref<10240x64xf32, #tpu.memory_space<vmem_shared>>) offsets(%dma_start3A_114 : memref<100xi32, #tpu.memory_space<vmem>>) semaphore(%arg18 : memref<!tpu.dma_semaphore, #tpu.memory_space<semaphore_mem>>) {add = true}
      %ge3A = arith.constant 1 : i32
      %ge3A_118 = arith.cmpi sge, %scan3A_100, %ge3A : i32
      %convert_element_type3A = arith.extui %ge3A_118 : i1 to i32
      %cond3A = arith.constant 0 : i32
      %cond3A_119 = arith.cmpi ne, %convert_element_type3A, %cond3A : i32
      scf.if %cond3A_119 {
        %dma_wait3A_231 = arith.constant 0 : i32
        %dma_wait3A_232 = arith.constant 0 : i32
        %dma_wait3A_233 = tpu.memref_slice %arg7[%dma_wait3A_231, %dma_wait3A_232] : memref<100x100xi32, #tpu.memory_space<vmem>> -> memref<1x100xi32, #tpu.memory_space<vmem>>
        %dma_wait3A_234 = tpu.memref_squeeze %dma_wait3A_233 : memref<1x100xi32, #tpu.memory_space<vmem>> -> memref<100xi32, #tpu.memory_space<vmem>>
        %dma_wait3A_235 = arith.constant 0 : i32
        %dma_wait3A_236 = arith.constant 0 : i32
        %dma_wait3A_237 = tpu.memref_slice %arg12[%dma_wait3A_235, %dma_wait3A_236] : memref<10240x64xf32, #tpu.memory_space<vmem_shared>> -> memref<10240x64xf32, #tpu.memory_space<vmem_shared>>
        tpu.wait_indirect_dma semaphore(%arg21 : memref<!tpu.dma_semaphore, #tpu.memory_space<semaphore_mem>>) src(%arg11 : memref<100x64xf32, #tpu.memory_space<vmem>>) dst(%dma_wait3A_237 : memref<10240x64xf32, #tpu.memory_space<vmem_shared>>)
      } else {
      }
      %add3A_120 = arith.constant 3 : i32
      %add3A_121 = arith.addi %add3A_104, %add3A_120 : i32
      %rem3A = arith.constant 100 : i32
      %rem3A_122 = arith.remsi %add3A_121, %rem3A : i32
      %dma_start3A_123 = arith.constant 0 : i32
      %dma_start3A_124 = tpu.memref_slice %arg6[%rem3A_122, %dma_start3A_123] : memref<100x100xi32, #tpu.memory_space<vmem>> -> memref<1x100xi32, #tpu.memory_space<vmem>>
      %dma_start3A_125 = tpu.memref_squeeze %dma_start3A_124 : memref<1x100xi32, #tpu.memory_space<vmem>> -> memref<100xi32, #tpu.memory_space<vmem>>
      %dma_start3A_126 = arith.constant 0 : i32
      %dma_start3A_127 = arith.constant 0 : i32
      %dma_start3A_128 = tpu.memref_slice %arg3[%dma_start3A_126, %dma_start3A_127] : memref<10000x64xf32, #tpu.memory_space<hbm>> -> memref<10000x64xf32, #tpu.memory_space<hbm>>
      tpu.enqueue_indirect_dma source(%dma_start3A_128 : memref<10000x64xf32, #tpu.memory_space<hbm>>) target(%arg11 : memref<100x64xf32, #tpu.memory_space<vmem>>) offsets(%dma_start3A_125 : memref<100xi32, #tpu.memory_space<vmem>>) semaphore(%arg17 : memref<!tpu.dma_semaphore, #tpu.memory_space<semaphore_mem>>)
      %mul3A_129 = arith.constant 4 : i32
      %mul3A_130 = arith.muli %mul3A_129, %scan3A_100 : i32
      %add3A_131 = arith.constant 1 : i32
      %add3A_132 = arith.addi %mul3A_130, %add3A_131 : i32
      %dma_wait3A_133 = arith.constant 0 : i32
      %dma_wait3A_134 = arith.constant 0 : i32
      %dma_wait3A_135 = tpu.memref_slice %arg6[%dma_wait3A_133, %dma_wait3A_134] : memref<100x100xi32, #tpu.memory_space<vmem>> -> memref<1x100xi32, #tpu.memory_space<vmem>>
      %dma_wait3A_136 = tpu.memref_squeeze %dma_wait3A_135 : memref<1x100xi32, #tpu.memory_space<vmem>> -> memref<100xi32, #tpu.memory_space<vmem>>
      %dma_wait3A_137 = arith.constant 0 : i32
      %dma_wait3A_138 = arith.constant 0 : i32
      %dma_wait3A_139 = tpu.memref_slice %arg3[%dma_wait3A_137, %dma_wait3A_138] : memref<10000x64xf32, #tpu.memory_space<hbm>> -> memref<10000x64xf32, #tpu.memory_space<hbm>>
      tpu.wait_indirect_dma semaphore(%arg15 : memref<!tpu.dma_semaphore, #tpu.memory_space<semaphore_mem>>) src(%dma_wait3A_139 : memref<10000x64xf32, #tpu.memory_space<hbm>>) dst(%arg9 : memref<100x64xf32, #tpu.memory_space<vmem>>)
      %dma_start3A_140 = arith.constant 0 : i32
      %dma_start3A_141 = tpu.memref_slice %arg7[%add3A_132, %dma_start3A_140] : memref<100x100xi32, #tpu.memory_space<vmem>> -> memref<1x100xi32, #tpu.memory_space<vmem>>
      %dma_start3A_142 = tpu.memref_squeeze %dma_start3A_141 : memref<1x100xi32, #tpu.memory_space<vmem>> -> memref<100xi32, #tpu.memory_space<vmem>>
      %dma_start3A_143 = arith.constant 0 : i32
      %dma_start3A_144 = arith.constant 0 : i32
      %dma_start3A_145 = tpu.memref_slice %arg12[%dma_start3A_143, %dma_start3A_144] : memref<10240x64xf32, #tpu.memory_space<vmem_shared>> -> memref<10240x64xf32, #tpu.memory_space<vmem_shared>>
      tpu.enqueue_indirect_dma source(%arg9 : memref<100x64xf32, #tpu.memory_space<vmem>>) target(%dma_start3A_145 : memref<10240x64xf32, #tpu.memory_space<vmem_shared>>) offsets(%dma_start3A_142 : memref<100xi32, #tpu.memory_space<vmem>>) semaphore(%arg19 : memref<!tpu.dma_semaphore, #tpu.memory_space<semaphore_mem>>) {add = true}
      %dma_wait3A_146 = arith.constant 0 : i32
      %dma_wait3A_147 = arith.constant 0 : i32
      %dma_wait3A_148 = tpu.memref_slice %arg7[%dma_wait3A_146, %dma_wait3A_147] : memref<100x100xi32, #tpu.memory_space<vmem>> -> memref<1x100xi32, #tpu.memory_space<vmem>>
      %dma_wait3A_149 = tpu.memref_squeeze %dma_wait3A_148 : memref<1x100xi32, #tpu.memory_space<vmem>> -> memref<100xi32, #tpu.memory_space<vmem>>
      %dma_wait3A_150 = arith.constant 0 : i32
      %dma_wait3A_151 = arith.constant 0 : i32
      %dma_wait3A_152 = tpu.memref_slice %arg12[%dma_wait3A_150, %dma_wait3A_151] : memref<10240x64xf32, #tpu.memory_space<vmem_shared>> -> memref<10240x64xf32, #tpu.memory_space<vmem_shared>>
      tpu.wait_indirect_dma semaphore(%arg18 : memref<!tpu.dma_semaphore, #tpu.memory_space<semaphore_mem>>) src(%arg8 : memref<100x64xf32, #tpu.memory_space<vmem>>) dst(%dma_wait3A_152 : memref<10240x64xf32, #tpu.memory_space<vmem_shared>>)
      %add3A_153 = arith.constant 3 : i32
      %add3A_154 = arith.addi %add3A_132, %add3A_153 : i32
      %rem3A_155 = arith.constant 100 : i32
      %rem3A_156 = arith.remsi %add3A_154, %rem3A_155 : i32
      %dma_start3A_157 = arith.constant 0 : i32
      %dma_start3A_158 = tpu.memref_slice %arg6[%rem3A_156, %dma_start3A_157] : memref<100x100xi32, #tpu.memory_space<vmem>> -> memref<1x100xi32, #tpu.memory_space<vmem>>
      %dma_start3A_159 = tpu.memref_squeeze %dma_start3A_158 : memref<1x100xi32, #tpu.memory_space<vmem>> -> memref<100xi32, #tpu.memory_space<vmem>>
      %dma_start3A_160 = arith.constant 0 : i32
      %dma_start3A_161 = arith.constant 0 : i32
      %dma_start3A_162 = tpu.memref_slice %arg3[%dma_start3A_160, %dma_start3A_161] : memref<10000x64xf32, #tpu.memory_space<hbm>> -> memref<10000x64xf32, #tpu.memory_space<hbm>>
      tpu.enqueue_indirect_dma source(%dma_start3A_162 : memref<10000x64xf32, #tpu.memory_space<hbm>>) target(%arg8 : memref<100x64xf32, #tpu.memory_space<vmem>>) offsets(%dma_start3A_159 : memref<100xi32, #tpu.memory_space<vmem>>) semaphore(%arg14 : memref<!tpu.dma_semaphore, #tpu.memory_space<semaphore_mem>>)
      %mul3A_163 = arith.constant 4 : i32
      %mul3A_164 = arith.muli %mul3A_163, %scan3A_100 : i32
      %add3A_165 = arith.constant 2 : i32
      %add3A_166 = arith.addi %mul3A_164, %add3A_165 : i32
      %dma_wait3A_167 = arith.constant 0 : i32
      %dma_wait3A_168 = arith.constant 0 : i32
      %dma_wait3A_169 = tpu.memref_slice %arg6[%dma_wait3A_167, %dma_wait3A_168] : memref<100x100xi32, #tpu.memory_space<vmem>> -> memref<1x100xi32, #tpu.memory_space<vmem>>
      %dma_wait3A_170 = tpu.memref_squeeze %dma_wait3A_169 : memref<1x100xi32, #tpu.memory_space<vmem>> -> memref<100xi32, #tpu.memory_space<vmem>>
      %dma_wait3A_171 = arith.constant 0 : i32
      %dma_wait3A_172 = arith.constant 0 : i32
      %dma_wait3A_173 = tpu.memref_slice %arg3[%dma_wait3A_171, %dma_wait3A_172] : memref<10000x64xf32, #tpu.memory_space<hbm>> -> memref<10000x64xf32, #tpu.memory_space<hbm>>
      tpu.wait_indirect_dma semaphore(%arg16 : memref<!tpu.dma_semaphore, #tpu.memory_space<semaphore_mem>>) src(%dma_wait3A_173 : memref<10000x64xf32, #tpu.memory_space<hbm>>) dst(%arg10 : memref<100x64xf32, #tpu.memory_space<vmem>>)
      %dma_start3A_174 = arith.constant 0 : i32
      %dma_start3A_175 = tpu.memref_slice %arg7[%add3A_166, %dma_start3A_174] : memref<100x100xi32, #tpu.memory_space<vmem>> -> memref<1x100xi32, #tpu.memory_space<vmem>>
      %dma_start3A_176 = tpu.memref_squeeze %dma_start3A_175 : memref<1x100xi32, #tpu.memory_space<vmem>> -> memref<100xi32, #tpu.memory_space<vmem>>
      %dma_start3A_177 = arith.constant 0 : i32
      %dma_start3A_178 = arith.constant 0 : i32
      %dma_start3A_179 = tpu.memref_slice %arg12[%dma_start3A_177, %dma_start3A_178] : memref<10240x64xf32, #tpu.memory_space<vmem_shared>> -> memref<10240x64xf32, #tpu.memory_space<vmem_shared>>
      tpu.enqueue_indirect_dma source(%arg10 : memref<100x64xf32, #tpu.memory_space<vmem>>) target(%dma_start3A_179 : memref<10240x64xf32, #tpu.memory_space<vmem_shared>>) offsets(%dma_start3A_176 : memref<100xi32, #tpu.memory_space<vmem>>) semaphore(%arg20 : memref<!tpu.dma_semaphore, #tpu.memory_space<semaphore_mem>>) {add = true}
      %dma_wait3A_180 = arith.constant 0 : i32
      %dma_wait3A_181 = arith.constant 0 : i32
      %dma_wait3A_182 = tpu.memref_slice %arg7[%dma_wait3A_180, %dma_wait3A_181] : memref<100x100xi32, #tpu.memory_space<vmem>> -> memref<1x100xi32, #tpu.memory_space<vmem>>
      %dma_wait3A_183 = tpu.memref_squeeze %dma_wait3A_182 : memref<1x100xi32, #tpu.memory_space<vmem>> -> memref<100xi32, #tpu.memory_space<vmem>>
      %dma_wait3A_184 = arith.constant 0 : i32
      %dma_wait3A_185 = arith.constant 0 : i32
      %dma_wait3A_186 = tpu.memref_slice %arg12[%dma_wait3A_184, %dma_wait3A_185] : memref<10240x64xf32, #tpu.memory_space<vmem_shared>> -> memref<10240x64xf32, #tpu.memory_space<vmem_shared>>
      tpu.wait_indirect_dma semaphore(%arg19 : memref<!tpu.dma_semaphore, #tpu.memory_space<semaphore_mem>>) src(%arg9 : memref<100x64xf32, #tpu.memory_space<vmem>>) dst(%dma_wait3A_186 : memref<10240x64xf32, #tpu.memory_space<vmem_shared>>)
      %add3A_187 = arith.constant 3 : i32
      %add3A_188 = arith.addi %add3A_166, %add3A_187 : i32
      %rem3A_189 = arith.constant 100 : i32
      %rem3A_190 = arith.remsi %add3A_188, %rem3A_189 : i32
      %dma_start3A_191 = arith.constant 0 : i32
      %dma_start3A_192 = tpu.memref_slice %arg6[%rem3A_190, %dma_start3A_191] : memref<100x100xi32, #tpu.memory_space<vmem>> -> memref<1x100xi32, #tpu.memory_space<vmem>>
      %dma_start3A_193 = tpu.memref_squeeze %dma_start3A_192 : memref<1x100xi32, #tpu.memory_space<vmem>> -> memref<100xi32, #tpu.memory_space<vmem>>
      %dma_start3A_194 = arith.constant 0 : i32
      %dma_start3A_195 = arith.constant 0 : i32
      %dma_start3A_196 = tpu.memref_slice %arg3[%dma_start3A_194, %dma_start3A_195] : memref<10000x64xf32, #tpu.memory_space<hbm>> -> memref<10000x64xf32, #tpu.memory_space<hbm>>
      tpu.enqueue_indirect_dma source(%dma_start3A_196 : memref<10000x64xf32, #tpu.memory_space<hbm>>) target(%arg9 : memref<100x64xf32, #tpu.memory_space<vmem>>) offsets(%dma_start3A_193 : memref<100xi32, #tpu.memory_space<vmem>>) semaphore(%arg15 : memref<!tpu.dma_semaphore, #tpu.memory_space<semaphore_mem>>)
      %mul3A_197 = arith.constant 4 : i32
      %mul3A_198 = arith.muli %mul3A_197, %scan3A_100 : i32
      %add3A_199 = arith.constant 3 : i32
      %add3A_200 = arith.addi %mul3A_198, %add3A_199 : i32
      %dma_wait3A_201 = arith.constant 0 : i32
      %dma_wait3A_202 = arith.constant 0 : i32
      %dma_wait3A_203 = tpu.memref_slice %arg6[%dma_wait3A_201, %dma_wait3A_202] : memref<100x100xi32, #tpu.memory_space<vmem>> -> memref<1x100xi32, #tpu.memory_space<vmem>>
      %dma_wait3A_204 = tpu.memref_squeeze %dma_wait3A_203 : memref<1x100xi32, #tpu.memory_space<vmem>> -> memref<100xi32, #tpu.memory_space<vmem>>
      %dma_wait3A_205 = arith.constant 0 : i32
      %dma_wait3A_206 = arith.constant 0 : i32
      %dma_wait3A_207 = tpu.memref_slice %arg3[%dma_wait3A_205, %dma_wait3A_206] : memref<10000x64xf32, #tpu.memory_space<hbm>> -> memref<10000x64xf32, #tpu.memory_space<hbm>>
      tpu.wait_indirect_dma semaphore(%arg17 : memref<!tpu.dma_semaphore, #tpu.memory_space<semaphore_mem>>) src(%dma_wait3A_207 : memref<10000x64xf32, #tpu.memory_space<hbm>>) dst(%arg11 : memref<100x64xf32, #tpu.memory_space<vmem>>)
      %dma_start3A_208 = arith.constant 0 : i32
      %dma_start3A_209 = tpu.memref_slice %arg7[%add3A_200, %dma_start3A_208] : memref<100x100xi32, #tpu.memory_space<vmem>> -> memref<1x100xi32, #tpu.memory_space<vmem>>
      %dma_start3A_210 = tpu.memref_squeeze %dma_start3A_209 : memref<1x100xi32, #tpu.memory_space<vmem>> -> memref<100xi32, #tpu.memory_space<vmem>>
      %dma_start3A_211 = arith.constant 0 : i32
      %dma_start3A_212 = arith.constant 0 : i32
      %dma_start3A_213 = tpu.memref_slice %arg12[%dma_start3A_211, %dma_start3A_212] : memref<10240x64xf32, #tpu.memory_space<vmem_shared>> -> memref<10240x64xf32, #tpu.memory_space<vmem_shared>>
      tpu.enqueue_indirect_dma source(%arg11 : memref<100x64xf32, #tpu.memory_space<vmem>>) target(%dma_start3A_213 : memref<10240x64xf32, #tpu.memory_space<vmem_shared>>) offsets(%dma_start3A_210 : memref<100xi32, #tpu.memory_space<vmem>>) semaphore(%arg21 : memref<!tpu.dma_semaphore, #tpu.memory_space<semaphore_mem>>) {add = true}
      %dma_wait3A_214 = arith.constant 0 : i32
      %dma_wait3A_215 = arith.constant 0 : i32
      %dma_wait3A_216 = tpu.memref_slice %arg7[%dma_wait3A_214, %dma_wait3A_215] : memref<100x100xi32, #tpu.memory_space<vmem>> -> memref<1x100xi32, #tpu.memory_space<vmem>>
      %dma_wait3A_217 = tpu.memref_squeeze %dma_wait3A_216 : memref<1x100xi32, #tpu.memory_space<vmem>> -> memref<100xi32, #tpu.memory_space<vmem>>
      %dma_wait3A_218 = arith.constant 0 : i32
      %dma_wait3A_219 = arith.constant 0 : i32
      %dma_wait3A_220 = tpu.memref_slice %arg12[%dma_wait3A_218, %dma_wait3A_219] : memref<10240x64xf32, #tpu.memory_space<vmem_shared>> -> memref<10240x64xf32, #tpu.memory_space<vmem_shared>>
      tpu.wait_indirect_dma semaphore(%arg20 : memref<!tpu.dma_semaphore, #tpu.memory_space<semaphore_mem>>) src(%arg10 : memref<100x64xf32, #tpu.memory_space<vmem>>) dst(%dma_wait3A_220 : memref<10240x64xf32, #tpu.memory_space<vmem_shared>>)
      %add3A_221 = arith.constant 3 : i32
      %add3A_222 = arith.addi %add3A_200, %add3A_221 : i32
      %rem3A_223 = arith.constant 100 : i32
      %rem3A_224 = arith.remsi %add3A_222, %rem3A_223 : i32
      %dma_start3A_225 = arith.constant 0 : i32
      %dma_start3A_226 = tpu.memref_slice %arg6[%rem3A_224, %dma_start3A_225] : memref<100x100xi32, #tpu.memory_space<vmem>> -> memref<1x100xi32, #tpu.memory_space<vmem>>
      %dma_start3A_227 = tpu.memref_squeeze %dma_start3A_226 : memref<1x100xi32, #tpu.memory_space<vmem>> -> memref<100xi32, #tpu.memory_space<vmem>>
      %dma_start3A_228 = arith.constant 0 : i32
      %dma_start3A_229 = arith.constant 0 : i32
      %dma_start3A_230 = tpu.memref_slice %arg3[%dma_start3A_228, %dma_start3A_229] : memref<10000x64xf32, #tpu.memory_space<hbm>> -> memref<10000x64xf32, #tpu.memory_space<hbm>>
      tpu.enqueue_indirect_dma source(%dma_start3A_230 : memref<10000x64xf32, #tpu.memory_space<hbm>>) target(%arg10 : memref<100x64xf32, #tpu.memory_space<vmem>>) offsets(%dma_start3A_227 : memref<100xi32, #tpu.memory_space<vmem>>) semaphore(%arg16 : memref<!tpu.dma_semaphore, #tpu.memory_space<semaphore_mem>>)
    }
    %scan3A_66 = arith.constant 25 : i32
    %dma_wait3A_67 = arith.constant 0 : i32
    %dma_wait3A_68 = arith.constant 0 : i32
    %dma_wait3A_69 = tpu.memref_slice %arg7[%dma_wait3A_67, %dma_wait3A_68] : memref<100x100xi32, #tpu.memory_space<vmem>> -> memref<1x100xi32, #tpu.memory_space<vmem>>
    %dma_wait3A_70 = tpu.memref_squeeze %dma_wait3A_69 : memref<1x100xi32, #tpu.memory_space<vmem>> -> memref<100xi32, #tpu.memory_space<vmem>>
    %dma_wait3A_71 = arith.constant 0 : i32
    %dma_wait3A_72 = arith.constant 0 : i32
    %dma_wait3A_73 = tpu.memref_slice %arg12[%dma_wait3A_71, %dma_wait3A_72] : memref<10240x64xf32, #tpu.memory_space<vmem_shared>> -> memref<10240x64xf32, #tpu.memory_space<vmem_shared>>
    tpu.wait_indirect_dma semaphore(%arg21 : memref<!tpu.dma_semaphore, #tpu.memory_space<semaphore_mem>>) src(%arg11 : memref<100x64xf32, #tpu.memory_space<vmem>>) dst(%dma_wait3A_73 : memref<10240x64xf32, #tpu.memory_space<vmem_shared>>)
    %dma_wait3A_74 = arith.constant 0 : i32
    %dma_wait3A_75 = arith.constant 0 : i32
    %dma_wait3A_76 = tpu.memref_slice %arg6[%dma_wait3A_74, %dma_wait3A_75] : memref<100x100xi32, #tpu.memory_space<vmem>> -> memref<1x100xi32, #tpu.memory_space<vmem>>
    %dma_wait3A_77 = tpu.memref_squeeze %dma_wait3A_76 : memref<1x100xi32, #tpu.memory_space<vmem>> -> memref<100xi32, #tpu.memory_space<vmem>>
    %dma_wait3A_78 = arith.constant 0 : i32
    %dma_wait3A_79 = arith.constant 0 : i32
    %dma_wait3A_80 = tpu.memref_slice %arg3[%dma_wait3A_78, %dma_wait3A_79] : memref<10000x64xf32, #tpu.memory_space<hbm>> -> memref<10000x64xf32, #tpu.memory_space<hbm>>
    tpu.wait_indirect_dma semaphore(%arg14 : memref<!tpu.dma_semaphore, #tpu.memory_space<semaphore_mem>>) src(%dma_wait3A_80 : memref<10000x64xf32, #tpu.memory_space<hbm>>) dst(%arg8 : memref<100x64xf32, #tpu.memory_space<vmem>>)
    %dma_wait3A_81 = arith.constant 0 : i32
    %dma_wait3A_82 = arith.constant 0 : i32
    %dma_wait3A_83 = tpu.memref_slice %arg6[%dma_wait3A_81, %dma_wait3A_82] : memref<100x100xi32, #tpu.memory_space<vmem>> -> memref<1x100xi32, #tpu.memory_space<vmem>>
    %dma_wait3A_84 = tpu.memref_squeeze %dma_wait3A_83 : memref<1x100xi32, #tpu.memory_space<vmem>> -> memref<100xi32, #tpu.memory_space<vmem>>
    %dma_wait3A_85 = arith.constant 0 : i32
    %dma_wait3A_86 = arith.constant 0 : i32
    %dma_wait3A_87 = tpu.memref_slice %arg3[%dma_wait3A_85, %dma_wait3A_86] : memref<10000x64xf32, #tpu.memory_space<hbm>> -> memref<10000x64xf32, #tpu.memory_space<hbm>>
    tpu.wait_indirect_dma semaphore(%arg15 : memref<!tpu.dma_semaphore, #tpu.memory_space<semaphore_mem>>) src(%dma_wait3A_87 : memref<10000x64xf32, #tpu.memory_space<hbm>>) dst(%arg9 : memref<100x64xf32, #tpu.memory_space<vmem>>)
    %dma_wait3A_88 = arith.constant 0 : i32
    %dma_wait3A_89 = arith.constant 0 : i32
    %dma_wait3A_90 = tpu.memref_slice %arg6[%dma_wait3A_88, %dma_wait3A_89] : memref<100x100xi32, #tpu.memory_space<vmem>> -> memref<1x100xi32, #tpu.memory_space<vmem>>
    %dma_wait3A_91 = tpu.memref_squeeze %dma_wait3A_90 : memref<1x100xi32, #tpu.memory_space<vmem>> -> memref<100xi32, #tpu.memory_space<vmem>>
    %dma_wait3A_92 = arith.constant 0 : i32
    %dma_wait3A_93 = arith.constant 0 : i32
    %dma_wait3A_94 = tpu.memref_slice %arg3[%dma_wait3A_92, %dma_wait3A_93] : memref<10000x64xf32, #tpu.memory_space<hbm>> -> memref<10000x64xf32, #tpu.memory_space<hbm>>
    tpu.wait_indirect_dma semaphore(%arg16 : memref<!tpu.dma_semaphore, #tpu.memory_space<semaphore_mem>>) src(%dma_wait3A_94 : memref<10000x64xf32, #tpu.memory_space<hbm>>) dst(%arg10 : memref<100x64xf32, #tpu.memory_space<vmem>>)
    %barrier3A_95 = arith.constant 0 : index
    tpu.barrier barrier_id(%barrier3A_95)
    %mul3A_96 = arith.constant 640 : i32
    %mul3A_97 = arith.muli %arg1, %mul3A_96 : i32
    %mul3A_98 = arith.constant 640 : i32
    %mul3A_99 = arith.muli %arg1, %mul3A_98 : i32
    "tpu.region"() ({
      %run_scoped3A = tpu.sem_alloc : memref<!tpu.dma_semaphore, #tpu.memory_space<semaphore_mem>>
      %dma_start3A_100 = arith.constant 0 : i32
      %dma_start3A_101 = tpu.memref_slice %arg5[%arg0, %mul3A_99, %dma_start3A_100] : memref<2x10240x64xf32, #tpu.memory_space<hbm>> -> memref<1x640x64xf32, #tpu.memory_space<hbm>>
      %dma_start3A_102 = tpu.memref_squeeze %dma_start3A_101 : memref<1x640x64xf32, #tpu.memory_space<hbm>> -> memref<640x64xf32, #tpu.memory_space<hbm>>
      %dma_start3A_103 = arith.constant 0 : i32
      %dma_start3A_104 = tpu.memref_slice %arg12[%mul3A_97, %dma_start3A_103] : memref<10240x64xf32, #tpu.memory_space<vmem_shared>> -> memref<640x64xf32, #tpu.memory_space<vmem_shared>>
      tpu.enqueue_dma source(%dma_start3A_104 : memref<640x64xf32, #tpu.memory_space<vmem_shared>>) target(%dma_start3A_102 : memref<640x64xf32, #tpu.memory_space<hbm>>) target_semaphore(%run_scoped3A : memref<!tpu.dma_semaphore, #tpu.memory_space<semaphore_mem>>)
      %dma_wait3A_105 = arith.constant 0 : i32
      %dma_wait3A_106 = tpu.memref_slice %arg5[%arg0, %mul3A_99, %dma_wait3A_105] : memref<2x10240x64xf32, #tpu.memory_space<hbm>> -> memref<1x640x64xf32, #tpu.memory_space<hbm>>
      %dma_wait3A_107 = tpu.memref_squeeze %dma_wait3A_106 : memref<1x640x64xf32, #tpu.memory_space<hbm>> -> memref<640x64xf32, #tpu.memory_space<hbm>>
      %dma_wait3A_108 = arith.constant 0 : i32
      %dma_wait3A_109 = tpu.memref_slice %arg12[%mul3A_97, %dma_wait3A_108] : memref<10240x64xf32, #tpu.memory_space<vmem_shared>> -> memref<640x64xf32, #tpu.memory_space<vmem_shared>>
      tpu.wait_dma2 semaphore(%run_scoped3A : memref<!tpu.dma_semaphore, #tpu.memory_space<semaphore_mem>>) src(%dma_wait3A_109 : memref<640x64xf32, #tpu.memory_space<vmem_shared>>) dst(%dma_wait3A_107 : memref<640x64xf32, #tpu.memory_space<hbm>>)
      tpu.yield
    }) : () -> ()
    return
  }
}

#map = affine_map<(d0, d1) -> (0, 0, 0, 0)>
#map1 = affine_map<(d0, d1) -> (0, 0)>
#map2 = affine_map<(d0, d1) -> (0, 0, 0)>
module attributes {stable_mosaic.version = 14 : i64} {
  func.func @k(%arg0: i32, %arg1: i32, %arg2: memref<2x32x100x100xi32, #tpu.memory_space<hbm>>, %arg3: memref<10000x64xf32, #tpu.memory_space<hbm>>, %arg4: memref<640x64xf32, #tpu.memory_space<hbm>>, %arg5: memref<2x10240x64xf32, #tpu.memory_space<hbm>>, %arg6: memref<100x100xi32, #tpu.memory_space<vmem>>, %arg7: memref<100x100xi32, #tpu.memory_space<vmem>>, %arg8: memref<100x64xf32, #tpu.memory_space<vmem>>, %arg9: memref<100x64xf32, #tpu.memory_space<vmem>>, %arg10: memref<100x64xf32, #tpu.memory_space<vmem>>, %arg11: memref<100x64xf32, #tpu.memory_space<vmem>>, %arg12: memref<10240x64xf32, #tpu.memory_space<vmem_shared>>, %arg13: memref<!tpu.dma_semaphore, #tpu.memory_space<semaphore_mem>>, %arg14: memref<!tpu.dma_semaphore, #tpu.memory_space<semaphore_mem>>, %arg15: memref<!tpu.dma_semaphore, #tpu.memory_space<semaphore_mem>>, %arg16: memref<!tpu.dma_semaphore, #tpu.memory_space<semaphore_mem>>, %arg17: memref<!tpu.dma_semaphore, #tpu.memory_space<semaphore_mem>>, %arg18: memref<!tpu.dma_semaphore, #tpu.memory_space<semaphore_mem>>, %arg19: memref<!tpu.dma_semaphore, #tpu.memory_space<semaphore_mem>>, %arg20: memref<!tpu.dma_semaphore, #tpu.memory_space<semaphore_mem>>, %arg21: memref<!tpu.dma_semaphore, #tpu.memory_space<semaphore_mem>>) attributes {dimension_semantics = [#tpu.dimension_semantics<core_parallel>, #tpu.dimension_semantics<subcore_parallel>], iteration_bounds = array<i64: 2, 16>, scalar_prefetch = 0 : i64, scratch_operands = 16 : i64, tpu.core_type = #tpu.core_type<sc_vector_subcore>, window_params = [{transform_indices = #map}, {transform_indices = #map1}, {transform_indices = #map1}, {transform_indices = #map2}]} {
    %mul3A = arith.constant 2 : i32
    %mul3A_0 = arith.muli %arg1, %mul3A : i32
    %add3A = arith.addi %mul3A_0, %arg0 : i32
    %mul3A_1 = arith.constant 640 : i32
    %mul3A_2 = arith.muli %arg1, %mul3A_1 : i32
    %dma_start3A = arith.constant 0 : i32
    %dma_start3A_3 = tpu.memref_slice %arg12[%mul3A_2, %dma_start3A] : memref<10240x64xf32, #tpu.memory_space<vmem_shared>> -> memref<640x64xf32, #tpu.memory_space<vmem_shared>>
    tpu.enqueue_dma source(%arg4 : memref<640x64xf32, #tpu.memory_space<hbm>>) target(%dma_start3A_3 : memref<640x64xf32, #tpu.memory_space<vmem_shared>>) target_semaphore(%arg13 : memref<!tpu.dma_semaphore, #tpu.memory_space<semaphore_mem>>)
    %dma_start3A_4 = arith.constant 0 : i32
    %dma_start3A_5 = arith.constant 0 : i32
    %dma_start3A_6 = arith.constant 0 : i32
    %dma_start3A_7 = tpu.memref_slice %arg2[%dma_start3A_4, %add3A, %dma_start3A_5, %dma_start3A_6] : memref<2x32x100x100xi32, #tpu.memory_space<hbm>> -> memref<1x1x100x100xi32, #tpu.memory_space<hbm>>
    %dma_start3A_8 = tpu.memref_squeeze %dma_start3A_7 : memref<1x1x100x100xi32, #tpu.memory_space<hbm>> -> memref<100x100xi32, #tpu.memory_space<hbm>>
    %dma_start3A_9 = arith.constant 0 : i32
    %dma_start3A_10 = arith.constant 0 : i32
    %dma_start3A_11 = tpu.memref_slice %arg2[%dma_start3A_4, %add3A, %dma_start3A_9, %dma_start3A_10] : memref<2x32x100x100xi32, #tpu.memory_space<hbm>> -> memref<1x1x100x100xi32, #tpu.memory_space<hbm>>
    %dma_start3A_12 = tpu.memref_squeeze %dma_start3A_11 : memref<1x1x100x100xi32, #tpu.memory_space<hbm>> -> memref<100x100xi32, #tpu.memory_space<hbm>>
    tpu.enqueue_dma source(%dma_start3A_12 : memref<100x100xi32, #tpu.memory_space<hbm>>) target(%arg6 : memref<100x100xi32, #tpu.memory_space<vmem>>) target_semaphore(%arg13 : memref<!tpu.dma_semaphore, #tpu.memory_space<semaphore_mem>>)
    %dma_start3A_13 = arith.constant 1 : i32
    %dma_start3A_14 = arith.constant 0 : i32
    %dma_start3A_15 = arith.constant 0 : i32
    %dma_start3A_16 = tpu.memref_slice %arg2[%dma_start3A_13, %add3A, %dma_start3A_14, %dma_start3A_15] : memref<2x32x100x100xi32, #tpu.memory_space<hbm>> -> memref<1x1x100x100xi32, #tpu.memory_space<hbm>>
    %dma_start3A_17 = tpu.memref_squeeze %dma_start3A_16 : memref<1x1x100x100xi32, #tpu.memory_space<hbm>> -> memref<100x100xi32, #tpu.memory_space<hbm>>
    %dma_start3A_18 = arith.constant 0 : i32
    %dma_start3A_19 = arith.constant 0 : i32
    %dma_start3A_20 = tpu.memref_slice %arg2[%dma_start3A_13, %add3A, %dma_start3A_18, %dma_start3A_19] : memref<2x32x100x100xi32, #tpu.memory_space<hbm>> -> memref<1x1x100x100xi32, #tpu.memory_space<hbm>>
    %dma_start3A_21 = tpu.memref_squeeze %dma_start3A_20 : memref<1x1x100x100xi32, #tpu.memory_space<hbm>> -> memref<100x100xi32, #tpu.memory_space<hbm>>
    tpu.enqueue_dma source(%dma_start3A_21 : memref<100x100xi32, #tpu.memory_space<hbm>>) target(%arg7 : memref<100x100xi32, #tpu.memory_space<vmem>>) target_semaphore(%arg13 : memref<!tpu.dma_semaphore, #tpu.memory_space<semaphore_mem>>)
    %dma_wait3A = arith.constant 0 : i32
    %dma_wait3A_22 = tpu.memref_slice %arg12[%mul3A_2, %dma_wait3A] : memref<10240x64xf32, #tpu.memory_space<vmem_shared>> -> memref<640x64xf32, #tpu.memory_space<vmem_shared>>
    tpu.wait_dma2 semaphore(%arg13 : memref<!tpu.dma_semaphore, #tpu.memory_space<semaphore_mem>>) src(%arg4 : memref<640x64xf32, #tpu.memory_space<hbm>>) dst(%dma_wait3A_22 : memref<640x64xf32, #tpu.memory_space<vmem_shared>>)
    %dma_wait3A_23 = arith.constant 0 : i32
    %dma_wait3A_24 = arith.constant 0 : i32
    %dma_wait3A_25 = arith.constant 0 : i32
    %dma_wait3A_26 = tpu.memref_slice %arg2[%dma_wait3A_23, %add3A, %dma_wait3A_24, %dma_wait3A_25] : memref<2x32x100x100xi32, #tpu.memory_space<hbm>> -> memref<1x1x100x100xi32, #tpu.memory_space<hbm>>
    %dma_wait3A_27 = tpu.memref_squeeze %dma_wait3A_26 : memref<1x1x100x100xi32, #tpu.memory_space<hbm>> -> memref<100x100xi32, #tpu.memory_space<hbm>>
    %dma_wait3A_28 = arith.constant 0 : i32
    %dma_wait3A_29 = arith.constant 0 : i32
    %dma_wait3A_30 = tpu.memref_slice %arg2[%dma_wait3A_23, %add3A, %dma_wait3A_28, %dma_wait3A_29] : memref<2x32x100x100xi32, #tpu.memory_space<hbm>> -> memref<1x1x100x100xi32, #tpu.memory_space<hbm>>
    %dma_wait3A_31 = tpu.memref_squeeze %dma_wait3A_30 : memref<1x1x100x100xi32, #tpu.memory_space<hbm>> -> memref<100x100xi32, #tpu.memory_space<hbm>>
    tpu.wait_dma2 semaphore(%arg13 : memref<!tpu.dma_semaphore, #tpu.memory_space<semaphore_mem>>) src(%dma_wait3A_31 : memref<100x100xi32, #tpu.memory_space<hbm>>) dst(%arg6 : memref<100x100xi32, #tpu.memory_space<vmem>>)
    %dma_wait3A_32 = arith.constant 1 : i32
    %dma_wait3A_33 = arith.constant 0 : i32
    %dma_wait3A_34 = arith.constant 0 : i32
    %dma_wait3A_35 = tpu.memref_slice %arg2[%dma_wait3A_32, %add3A, %dma_wait3A_33, %dma_wait3A_34] : memref<2x32x100x100xi32, #tpu.memory_space<hbm>> -> memref<1x1x100x100xi32, #tpu.memory_space<hbm>>
    %dma_wait3A_36 = tpu.memref_squeeze %dma_wait3A_35 : memref<1x1x100x100xi32, #tpu.memory_space<hbm>> -> memref<100x100xi32, #tpu.memory_space<hbm>>
    %dma_wait3A_37 = arith.constant 0 : i32
    %dma_wait3A_38 = arith.constant 0 : i32
    %dma_wait3A_39 = tpu.memref_slice %arg2[%dma_wait3A_32, %add3A, %dma_wait3A_37, %dma_wait3A_38] : memref<2x32x100x100xi32, #tpu.memory_space<hbm>> -> memref<1x1x100x100xi32, #tpu.memory_space<hbm>>
    %dma_wait3A_40 = tpu.memref_squeeze %dma_wait3A_39 : memref<1x1x100x100xi32, #tpu.memory_space<hbm>> -> memref<100x100xi32, #tpu.memory_space<hbm>>
    tpu.wait_dma2 semaphore(%arg13 : memref<!tpu.dma_semaphore, #tpu.memory_space<semaphore_mem>>) src(%dma_wait3A_40 : memref<100x100xi32, #tpu.memory_space<hbm>>) dst(%arg7 : memref<100x100xi32, #tpu.memory_space<vmem>>)
    %barrier3A = arith.constant 0 : index
    tpu.barrier barrier_id(%barrier3A)
    %dma_start3A_41 = arith.constant 0 : i32
    %dma_start3A_42 = arith.constant 0 : i32
    %dma_start3A_43 = tpu.memref_slice %arg6[%dma_start3A_41, %dma_start3A_42] : memref<100x100xi32, #tpu.memory_space<vmem>> -> memref<1x100xi32, #tpu.memory_space<vmem>>
    %dma_start3A_44 = tpu.memref_squeeze %dma_start3A_43 : memref<1x100xi32, #tpu.memory_space<vmem>> -> memref<100xi32, #tpu.memory_space<vmem>>
    %dma_start3A_45 = arith.constant 0 : i32
    %dma_start3A_46 = arith.constant 0 : i32
    %dma_start3A_47 = tpu.memref_slice %arg3[%dma_start3A_45, %dma_start3A_46] : memref<10000x64xf32, #tpu.memory_space<hbm>> -> memref<10000x64xf32, #tpu.memory_space<hbm>>
    tpu.enqueue_indirect_dma source(%dma_start3A_47 : memref<10000x64xf32, #tpu.memory_space<hbm>>) target(%arg8 : memref<100x64xf32, #tpu.memory_space<vmem>>) offsets(%dma_start3A_44 : memref<100xi32, #tpu.memory_space<vmem>>) semaphore(%arg14 : memref<!tpu.dma_semaphore, #tpu.memory_space<semaphore_mem>>)
    %dma_start3A_48 = arith.constant 1 : i32
    %dma_start3A_49 = arith.constant 0 : i32
    %dma_start3A_50 = tpu.memref_slice %arg6[%dma_start3A_48, %dma_start3A_49] : memref<100x100xi32, #tpu.memory_space<vmem>> -> memref<1x100xi32, #tpu.memory_space<vmem>>
    %dma_start3A_51 = tpu.memref_squeeze %dma_start3A_50 : memref<1x100xi32, #tpu.memory_space<vmem>> -> memref<100xi32, #tpu.memory_space<vmem>>
    %dma_start3A_52 = arith.constant 0 : i32
    %dma_start3A_53 = arith.constant 0 : i32
    %dma_start3A_54 = tpu.memref_slice %arg3[%dma_start3A_52, %dma_start3A_53] : memref<10000x64xf32, #tpu.memory_space<hbm>> -> memref<10000x64xf32, #tpu.memory_space<hbm>>
    tpu.enqueue_indirect_dma source(%dma_start3A_54 : memref<10000x64xf32, #tpu.memory_space<hbm>>) target(%arg9 : memref<100x64xf32, #tpu.memory_space<vmem>>) offsets(%dma_start3A_51 : memref<100xi32, #tpu.memory_space<vmem>>) semaphore(%arg15 : memref<!tpu.dma_semaphore, #tpu.memory_space<semaphore_mem>>)
    %dma_start3A_55 = arith.constant 2 : i32
    %dma_start3A_56 = arith.constant 0 : i32
    %dma_start3A_57 = tpu.memref_slice %arg6[%dma_start3A_55, %dma_start3A_56] : memref<100x100xi32, #tpu.memory_space<vmem>> -> memref<1x100xi32, #tpu.memory_space<vmem>>
    %dma_start3A_58 = tpu.memref_squeeze %dma_start3A_57 : memref<1x100xi32, #tpu.memory_space<vmem>> -> memref<100xi32, #tpu.memory_space<vmem>>
    %dma_start3A_59 = arith.constant 0 : i32
    %dma_start3A_60 = arith.constant 0 : i32
    %dma_start3A_61 = tpu.memref_slice %arg3[%dma_start3A_59, %dma_start3A_60] : memref<10000x64xf32, #tpu.memory_space<hbm>> -> memref<10000x64xf32, #tpu.memory_space<hbm>>
    tpu.enqueue_indirect_dma source(%dma_start3A_61 : memref<10000x64xf32, #tpu.memory_space<hbm>>) target(%arg10 : memref<100x64xf32, #tpu.memory_space<vmem>>) offsets(%dma_start3A_58 : memref<100xi32, #tpu.memory_space<vmem>>) semaphore(%arg16 : memref<!tpu.dma_semaphore, #tpu.memory_space<semaphore_mem>>)
    %scan3A = arith.constant 0 : i32
    %scan3A_62 = arith.constant 0 : i32
    %scan3A_63 = arith.constant 25 : i32
    %scan3A_64 = arith.addi %scan3A_62, %scan3A_63 : i32
    %scan3A_65 = arith.constant 1 : i32
    scf.for %scan3A_100 = %scan3A_62 to %scan3A_64 step %scan3A_65  : i32 {
      %mul3A_101 = arith.constant 4 : i32
      %mul3A_102 = arith.muli %mul3A_101, %scan3A_100 : i32
      %add3A_103 = arith.constant 0 : i32
      %add3A_104 = arith.addi %mul3A_102, %add3A_103 : i32
      %dma_wait3A_105 = arith.constant 0 : i32
      %dma_wait3A_106 = arith.constant 0 : i32
      %dma_wait3A_107 = tpu.memref_slice %arg6[%dma_wait3A_105, %dma_wait3A_106] : memref<100x100xi32, #tpu.memory_space<vmem>> -> memref<1x100xi32, #tpu.memory_space<vmem>>
      %dma_wait3A_108 = tpu.memref_squeeze %dma_wait3A_107 : memref<1x100xi32, #tpu.memory_space<vmem>> -> memref<100xi32, #tpu.memory_space<vmem>>
      %dma_wait3A_109 = arith.constant 0 : i32
      %dma_wait3A_110 = arith.constant 0 : i32
      %dma_wait3A_111 = tpu.memref_slice %arg3[%dma_wait3A_109, %dma_wait3A_110] : memref<10000x64xf32, #tpu.memory_space<hbm>> -> memref<10000x64xf32, #tpu.memory_space<hbm>>
      tpu.wait_indirect_dma semaphore(%arg14 : memref<!tpu.dma_semaphore, #tpu.memory_space<semaphore_mem>>) src(%dma_wait3A_111 : memref<10000x64xf32, #tpu.memory_space<hbm>>) dst(%arg8 : memref<100x64xf32, #tpu.memory_space<vmem>>)
      %dma_start3A_112 = arith.constant 0 : i32
      %dma_start3A_113 = tpu.memref_slice %arg7[%add3A_104, %dma_start3A_112] : memref<100x100xi32, #tpu.memory_space<vmem>> -> memref<1x100xi32, #tpu.memory_space<vmem>>
      %dma_start3A_114 = tpu.memref_squeeze %dma_start3A_113 : memref<1x100xi32, #tpu.memory_space<vmem>> -> memref<100xi32, #tpu.memory_space<vmem>>
      %dma_start3A_115 = arith.constant 0 : i32
      %dma_start3A_116 = arith.constant 0 : i32
      %dma_start3A_117 = tpu.memref_slice %arg12[%dma_start3A_115, %dma_start3A_116] : memref<10240x64xf32, #tpu.memory_space<vmem_shared>> -> memref<10240x64xf32, #tpu.memory_space<vmem_shared>>
      tpu.enqueue_indirect_dma source(%arg8 : memref<100x64xf32, #tpu.memory_space<vmem>>) target(%dma_start3A_117 : memref<10240x64xf32, #tpu.memory_space<vmem_shared>>) offsets(%dma_start3A_114 : memref<100xi32, #tpu.memory_space<vmem>>) semaphore(%arg18 : memref<!tpu.dma_semaphore, #tpu.memory_space<semaphore_mem>>) {add = true}
      %ge3A = arith.constant 1 : i32
      %ge3A_118 = arith.cmpi sge, %scan3A_100, %ge3A : i32
      %convert_element_type3A = arith.extui %ge3A_118 : i1 to i32
      %cond3A = arith.constant 0 : i32
      %cond3A_119 = arith.cmpi ne, %convert_element_type3A, %cond3A : i32
      scf.if %cond3A_119 {
        %dma_wait3A_231 = arith.constant 0 : i32
        %dma_wait3A_232 = arith.constant 0 : i32
        %dma_wait3A_233 = tpu.memref_slice %arg7[%dma_wait3A_231, %dma_wait3A_232] : memref<100x100xi32, #tpu.memory_space<vmem>> -> memref<1x100xi32, #tpu.memory_space<vmem>>
        %dma_wait3A_234 = tpu.memref_squeeze %dma_wait3A_233 : memref<1x100xi32, #tpu.memory_space<vmem>> -> memref<100xi32, #tpu.memory_space<vmem>>
        %dma_wait3A_235 = arith.constant 0 : i32
        %dma_wait3A_236 = arith.constant 0 : i32
        %dma_wait3A_237 = tpu.memref_slice %arg12[%dma_wait3A_235, %dma_wait3A_236] : memref<10240x64xf32, #tpu.memory_space<vmem_shared>> -> memref<10240x64xf32, #tpu.memory_space<vmem_shared>>
        tpu.wait_indirect_dma semaphore(%arg21 : memref<!tpu.dma_semaphore, #tpu.memory_space<semaphore_mem>>) src(%arg11 : memref<100x64xf32, #tpu.memory_space<vmem>>) dst(%dma_wait3A_237 : memref<10240x64xf32, #tpu.memory_space<vmem_shared>>)
      } else {
      }
      %add3A_120 = arith.constant 3 : i32
      %add3A_121 = arith.addi %add3A_104, %add3A_120 : i32
      %rem3A = arith.constant 100 : i32
      %rem3A_122 = arith.remsi %add3A_121, %rem3A : i32
      %dma_start3A_123 = arith.constant 0 : i32
      %dma_start3A_124 = tpu.memref_slice %arg6[%rem3A_122, %dma_start3A_123] : memref<100x100xi32, #tpu.memory_space<vmem>> -> memref<1x100xi32, #tpu.memory_space<vmem>>
      %dma_start3A_125 = tpu.memref_squeeze %dma_start3A_124 : memref<1x100xi32, #tpu.memory_space<vmem>> -> memref<100xi32, #tpu.memory_space<vmem>>
      %dma_start3A_126 = arith.constant 0 : i32
      %dma_start3A_127 = arith.constant 0 : i32
      %dma_start3A_128 = tpu.memref_slice %arg3[%dma_start3A_126, %dma_start3A_127] : memref<10000x64xf32, #tpu.memory_space<hbm>> -> memref<10000x64xf32, #tpu.memory_space<hbm>>
      tpu.enqueue_indirect_dma source(%dma_start3A_128 : memref<10000x64xf32, #tpu.memory_space<hbm>>) target(%arg11 : memref<100x64xf32, #tpu.memory_space<vmem>>) offsets(%dma_start3A_125 : memref<100xi32, #tpu.memory_space<vmem>>) semaphore(%arg17 : memref<!tpu.dma_semaphore, #tpu.memory_space<semaphore_mem>>)
      %mul3A_129 = arith.constant 4 : i32
      %mul3A_130 = arith.muli %mul3A_129, %scan3A_100 : i32
      %add3A_131 = arith.constant 1 : i32
      %add3A_132 = arith.addi %mul3A_130, %add3A_131 : i32
      %dma_wait3A_133 = arith.constant 0 : i32
      %dma_wait3A_134 = arith.constant 0 : i32
      %dma_wait3A_135 = tpu.memref_slice %arg6[%dma_wait3A_133, %dma_wait3A_134] : memref<100x100xi32, #tpu.memory_space<vmem>> -> memref<1x100xi32, #tpu.memory_space<vmem>>
      %dma_wait3A_136 = tpu.memref_squeeze %dma_wait3A_135 : memref<1x100xi32, #tpu.memory_space<vmem>> -> memref<100xi32, #tpu.memory_space<vmem>>
      %dma_wait3A_137 = arith.constant 0 : i32
      %dma_wait3A_138 = arith.constant 0 : i32
      %dma_wait3A_139 = tpu.memref_slice %arg3[%dma_wait3A_137, %dma_wait3A_138] : memref<10000x64xf32, #tpu.memory_space<hbm>> -> memref<10000x64xf32, #tpu.memory_space<hbm>>
      tpu.wait_indirect_dma semaphore(%arg15 : memref<!tpu.dma_semaphore, #tpu.memory_space<semaphore_mem>>) src(%dma_wait3A_139 : memref<10000x64xf32, #tpu.memory_space<hbm>>) dst(%arg9 : memref<100x64xf32, #tpu.memory_space<vmem>>)
      %dma_start3A_140 = arith.constant 0 : i32
      %dma_start3A_141 = tpu.memref_slice %arg7[%add3A_132, %dma_start3A_140] : memref<100x100xi32, #tpu.memory_space<vmem>> -> memref<1x100xi32, #tpu.memory_space<vmem>>
      %dma_start3A_142 = tpu.memref_squeeze %dma_start3A_141 : memref<1x100xi32, #tpu.memory_space<vmem>> -> memref<100xi32, #tpu.memory_space<vmem>>
      %dma_start3A_143 = arith.constant 0 : i32
      %dma_start3A_144 = arith.constant 0 : i32
      %dma_start3A_145 = tpu.memref_slice %arg12[%dma_start3A_143, %dma_start3A_144] : memref<10240x64xf32, #tpu.memory_space<vmem_shared>> -> memref<10240x64xf32, #tpu.memory_space<vmem_shared>>
      tpu.enqueue_indirect_dma source(%arg9 : memref<100x64xf32, #tpu.memory_space<vmem>>) target(%dma_start3A_145 : memref<10240x64xf32, #tpu.memory_space<vmem_shared>>) offsets(%dma_start3A_142 : memref<100xi32, #tpu.memory_space<vmem>>) semaphore(%arg19 : memref<!tpu.dma_semaphore, #tpu.memory_space<semaphore_mem>>) {add = true}
      %dma_wait3A_146 = arith.constant 0 : i32
      %dma_wait3A_147 = arith.constant 0 : i32
      %dma_wait3A_148 = tpu.memref_slice %arg7[%dma_wait3A_146, %dma_wait3A_147] : memref<100x100xi32, #tpu.memory_space<vmem>> -> memref<1x100xi32, #tpu.memory_space<vmem>>
      %dma_wait3A_149 = tpu.memref_squeeze %dma_wait3A_148 : memref<1x100xi32, #tpu.memory_space<vmem>> -> memref<100xi32, #tpu.memory_space<vmem>>
      %dma_wait3A_150 = arith.constant 0 : i32
      %dma_wait3A_151 = arith.constant 0 : i32
      %dma_wait3A_152 = tpu.memref_slice %arg12[%dma_wait3A_150, %dma_wait3A_151] : memref<10240x64xf32, #tpu.memory_space<vmem_shared>> -> memref<10240x64xf32, #tpu.memory_space<vmem_shared>>
      tpu.wait_indirect_dma semaphore(%arg18 : memref<!tpu.dma_semaphore, #tpu.memory_space<semaphore_mem>>) src(%arg8 : memref<100x64xf32, #tpu.memory_space<vmem>>) dst(%dma_wait3A_152 : memref<10240x64xf32, #tpu.memory_space<vmem_shared>>)
      %add3A_153 = arith.constant 3 : i32
      %add3A_154 = arith.addi %add3A_132, %add3A_153 : i32
      %rem3A_155 = arith.constant 100 : i32
      %rem3A_156 = arith.remsi %add3A_154, %rem3A_155 : i32
      %dma_start3A_157 = arith.constant 0 : i32
      %dma_start3A_158 = tpu.memref_slice %arg6[%rem3A_156, %dma_start3A_157] : memref<100x100xi32, #tpu.memory_space<vmem>> -> memref<1x100xi32, #tpu.memory_space<vmem>>
      %dma_start3A_159 = tpu.memref_squeeze %dma_start3A_158 : memref<1x100xi32, #tpu.memory_space<vmem>> -> memref<100xi32, #tpu.memory_space<vmem>>
      %dma_start3A_160 = arith.constant 0 : i32
      %dma_start3A_161 = arith.constant 0 : i32
      %dma_start3A_162 = tpu.memref_slice %arg3[%dma_start3A_160, %dma_start3A_161] : memref<10000x64xf32, #tpu.memory_space<hbm>> -> memref<10000x64xf32, #tpu.memory_space<hbm>>
      tpu.enqueue_indirect_dma source(%dma_start3A_162 : memref<10000x64xf32, #tpu.memory_space<hbm>>) target(%arg8 : memref<100x64xf32, #tpu.memory_space<vmem>>) offsets(%dma_start3A_159 : memref<100xi32, #tpu.memory_space<vmem>>) semaphore(%arg14 : memref<!tpu.dma_semaphore, #tpu.memory_space<semaphore_mem>>)
      %mul3A_163 = arith.constant 4 : i32
      %mul3A_164 = arith.muli %mul3A_163, %scan3A_100 : i32
      %add3A_165 = arith.constant 2 : i32
      %add3A_166 = arith.addi %mul3A_164, %add3A_165 : i32
      %dma_wait3A_167 = arith.constant 0 : i32
      %dma_wait3A_168 = arith.constant 0 : i32
      %dma_wait3A_169 = tpu.memref_slice %arg6[%dma_wait3A_167, %dma_wait3A_168] : memref<100x100xi32, #tpu.memory_space<vmem>> -> memref<1x100xi32, #tpu.memory_space<vmem>>
      %dma_wait3A_170 = tpu.memref_squeeze %dma_wait3A_169 : memref<1x100xi32, #tpu.memory_space<vmem>> -> memref<100xi32, #tpu.memory_space<vmem>>
      %dma_wait3A_171 = arith.constant 0 : i32
      %dma_wait3A_172 = arith.constant 0 : i32
      %dma_wait3A_173 = tpu.memref_slice %arg3[%dma_wait3A_171, %dma_wait3A_172] : memref<10000x64xf32, #tpu.memory_space<hbm>> -> memref<10000x64xf32, #tpu.memory_space<hbm>>
      tpu.wait_indirect_dma semaphore(%arg16 : memref<!tpu.dma_semaphore, #tpu.memory_space<semaphore_mem>>) src(%dma_wait3A_173 : memref<10000x64xf32, #tpu.memory_space<hbm>>) dst(%arg10 : memref<100x64xf32, #tpu.memory_space<vmem>>)
      %dma_start3A_174 = arith.constant 0 : i32
      %dma_start3A_175 = tpu.memref_slice %arg7[%add3A_166, %dma_start3A_174] : memref<100x100xi32, #tpu.memory_space<vmem>> -> memref<1x100xi32, #tpu.memory_space<vmem>>
      %dma_start3A_176 = tpu.memref_squeeze %dma_start3A_175 : memref<1x100xi32, #tpu.memory_space<vmem>> -> memref<100xi32, #tpu.memory_space<vmem>>
      %dma_start3A_177 = arith.constant 0 : i32
      %dma_start3A_178 = arith.constant 0 : i32
      %dma_start3A_179 = tpu.memref_slice %arg12[%dma_start3A_177, %dma_start3A_178] : memref<10240x64xf32, #tpu.memory_space<vmem_shared>> -> memref<10240x64xf32, #tpu.memory_space<vmem_shared>>
      tpu.enqueue_indirect_dma source(%arg10 : memref<100x64xf32, #tpu.memory_space<vmem>>) target(%dma_start3A_179 : memref<10240x64xf32, #tpu.memory_space<vmem_shared>>) offsets(%dma_start3A_176 : memref<100xi32, #tpu.memory_space<vmem>>) semaphore(%arg20 : memref<!tpu.dma_semaphore, #tpu.memory_space<semaphore_mem>>) {add = true}
      %dma_wait3A_180 = arith.constant 0 : i32
      %dma_wait3A_181 = arith.constant 0 : i32
      %dma_wait3A_182 = tpu.memref_slice %arg7[%dma_wait3A_180, %dma_wait3A_181] : memref<100x100xi32, #tpu.memory_space<vmem>> -> memref<1x100xi32, #tpu.memory_space<vmem>>
      %dma_wait3A_183 = tpu.memref_squeeze %dma_wait3A_182 : memref<1x100xi32, #tpu.memory_space<vmem>> -> memref<100xi32, #tpu.memory_space<vmem>>
      %dma_wait3A_184 = arith.constant 0 : i32
      %dma_wait3A_185 = arith.constant 0 : i32
      %dma_wait3A_186 = tpu.memref_slice %arg12[%dma_wait3A_184, %dma_wait3A_185] : memref<10240x64xf32, #tpu.memory_space<vmem_shared>> -> memref<10240x64xf32, #tpu.memory_space<vmem_shared>>
      tpu.wait_indirect_dma semaphore(%arg19 : memref<!tpu.dma_semaphore, #tpu.memory_space<semaphore_mem>>) src(%arg9 : memref<100x64xf32, #tpu.memory_space<vmem>>) dst(%dma_wait3A_186 : memref<10240x64xf32, #tpu.memory_space<vmem_shared>>)
      %add3A_187 = arith.constant 3 : i32
      %add3A_188 = arith.addi %add3A_166, %add3A_187 : i32
      %rem3A_189 = arith.constant 100 : i32
      %rem3A_190 = arith.remsi %add3A_188, %rem3A_189 : i32
      %dma_start3A_191 = arith.constant 0 : i32
      %dma_start3A_192 = tpu.memref_slice %arg6[%rem3A_190, %dma_start3A_191] : memref<100x100xi32, #tpu.memory_space<vmem>> -> memref<1x100xi32, #tpu.memory_space<vmem>>
      %dma_start3A_193 = tpu.memref_squeeze %dma_start3A_192 : memref<1x100xi32, #tpu.memory_space<vmem>> -> memref<100xi32, #tpu.memory_space<vmem>>
      %dma_start3A_194 = arith.constant 0 : i32
      %dma_start3A_195 = arith.constant 0 : i32
      %dma_start3A_196 = tpu.memref_slice %arg3[%dma_start3A_194, %dma_start3A_195] : memref<10000x64xf32, #tpu.memory_space<hbm>> -> memref<10000x64xf32, #tpu.memory_space<hbm>>
      tpu.enqueue_indirect_dma source(%dma_start3A_196 : memref<10000x64xf32, #tpu.memory_space<hbm>>) target(%arg9 : memref<100x64xf32, #tpu.memory_space<vmem>>) offsets(%dma_start3A_193 : memref<100xi32, #tpu.memory_space<vmem>>) semaphore(%arg15 : memref<!tpu.dma_semaphore, #tpu.memory_space<semaphore_mem>>)
      %mul3A_197 = arith.constant 4 : i32
      %mul3A_198 = arith.muli %mul3A_197, %scan3A_100 : i32
      %add3A_199 = arith.constant 3 : i32
      %add3A_200 = arith.addi %mul3A_198, %add3A_199 : i32
      %dma_wait3A_201 = arith.constant 0 : i32
      %dma_wait3A_202 = arith.constant 0 : i32
      %dma_wait3A_203 = tpu.memref_slice %arg6[%dma_wait3A_201, %dma_wait3A_202] : memref<100x100xi32, #tpu.memory_space<vmem>> -> memref<1x100xi32, #tpu.memory_space<vmem>>
      %dma_wait3A_204 = tpu.memref_squeeze %dma_wait3A_203 : memref<1x100xi32, #tpu.memory_space<vmem>> -> memref<100xi32, #tpu.memory_space<vmem>>
      %dma_wait3A_205 = arith.constant 0 : i32
      %dma_wait3A_206 = arith.constant 0 : i32
      %dma_wait3A_207 = tpu.memref_slice %arg3[%dma_wait3A_205, %dma_wait3A_206] : memref<10000x64xf32, #tpu.memory_space<hbm>> -> memref<10000x64xf32, #tpu.memory_space<hbm>>
      tpu.wait_indirect_dma semaphore(%arg17 : memref<!tpu.dma_semaphore, #tpu.memory_space<semaphore_mem>>) src(%dma_wait3A_207 : memref<10000x64xf32, #tpu.memory_space<hbm>>) dst(%arg11 : memref<100x64xf32, #tpu.memory_space<vmem>>)
      %dma_start3A_208 = arith.constant 0 : i32
      %dma_start3A_209 = tpu.memref_slice %arg7[%add3A_200, %dma_start3A_208] : memref<100x100xi32, #tpu.memory_space<vmem>> -> memref<1x100xi32, #tpu.memory_space<vmem>>
      %dma_start3A_210 = tpu.memref_squeeze %dma_start3A_209 : memref<1x100xi32, #tpu.memory_space<vmem>> -> memref<100xi32, #tpu.memory_space<vmem>>
      %dma_start3A_211 = arith.constant 0 : i32
      %dma_start3A_212 = arith.constant 0 : i32
      %dma_start3A_213 = tpu.memref_slice %arg12[%dma_start3A_211, %dma_start3A_212] : memref<10240x64xf32, #tpu.memory_space<vmem_shared>> -> memref<10240x64xf32, #tpu.memory_space<vmem_shared>>
      tpu.enqueue_indirect_dma source(%arg11 : memref<100x64xf32, #tpu.memory_space<vmem>>) target(%dma_start3A_213 : memref<10240x64xf32, #tpu.memory_space<vmem_shared>>) offsets(%dma_start3A_210 : memref<100xi32, #tpu.memory_space<vmem>>) semaphore(%arg21 : memref<!tpu.dma_semaphore, #tpu.memory_space<semaphore_mem>>) {add = true}
      %dma_wait3A_214 = arith.constant 0 : i32
      %dma_wait3A_215 = arith.constant 0 : i32
      %dma_wait3A_216 = tpu.memref_slice %arg7[%dma_wait3A_214, %dma_wait3A_215] : memref<100x100xi32, #tpu.memory_space<vmem>> -> memref<1x100xi32, #tpu.memory_space<vmem>>
      %dma_wait3A_217 = tpu.memref_squeeze %dma_wait3A_216 : memref<1x100xi32, #tpu.memory_space<vmem>> -> memref<100xi32, #tpu.memory_space<vmem>>
      %dma_wait3A_218 = arith.constant 0 : i32
      %dma_wait3A_219 = arith.constant 0 : i32
      %dma_wait3A_220 = tpu.memref_slice %arg12[%dma_wait3A_218, %dma_wait3A_219] : memref<10240x64xf32, #tpu.memory_space<vmem_shared>> -> memref<10240x64xf32, #tpu.memory_space<vmem_shared>>
      tpu.wait_indirect_dma semaphore(%arg20 : memref<!tpu.dma_semaphore, #tpu.memory_space<semaphore_mem>>) src(%arg10 : memref<100x64xf32, #tpu.memory_space<vmem>>) dst(%dma_wait3A_220 : memref<10240x64xf32, #tpu.memory_space<vmem_shared>>)
      %add3A_221 = arith.constant 3 : i32
      %add3A_222 = arith.addi %add3A_200, %add3A_221 : i32
      %rem3A_223 = arith.constant 100 : i32
      %rem3A_224 = arith.remsi %add3A_222, %rem3A_223 : i32
      %dma_start3A_225 = arith.constant 0 : i32
      %dma_start3A_226 = tpu.memref_slice %arg6[%rem3A_224, %dma_start3A_225] : memref<100x100xi32, #tpu.memory_space<vmem>> -> memref<1x100xi32, #tpu.memory_space<vmem>>
      %dma_start3A_227 = tpu.memref_squeeze %dma_start3A_226 : memref<1x100xi32, #tpu.memory_space<vmem>> -> memref<100xi32, #tpu.memory_space<vmem>>
      %dma_start3A_228 = arith.constant 0 : i32
      %dma_start3A_229 = arith.constant 0 : i32
      %dma_start3A_230 = tpu.memref_slice %arg3[%dma_start3A_228, %dma_start3A_229] : memref<10000x64xf32, #tpu.memory_space<hbm>> -> memref<10000x64xf32, #tpu.memory_space<hbm>>
      tpu.enqueue_indirect_dma source(%dma_start3A_230 : memref<10000x64xf32, #tpu.memory_space<hbm>>) target(%arg10 : memref<100x64xf32, #tpu.memory_space<vmem>>) offsets(%dma_start3A_227 : memref<100xi32, #tpu.memory_space<vmem>>) semaphore(%arg16 : memref<!tpu.dma_semaphore, #tpu.memory_space<semaphore_mem>>)
    }
    %scan3A_66 = arith.constant 25 : i32
    %dma_wait3A_67 = arith.constant 0 : i32
    %dma_wait3A_68 = arith.constant 0 : i32
    %dma_wait3A_69 = tpu.memref_slice %arg7[%dma_wait3A_67, %dma_wait3A_68] : memref<100x100xi32, #tpu.memory_space<vmem>> -> memref<1x100xi32, #tpu.memory_space<vmem>>
    %dma_wait3A_70 = tpu.memref_squeeze %dma_wait3A_69 : memref<1x100xi32, #tpu.memory_space<vmem>> -> memref<100xi32, #tpu.memory_space<vmem>>
    %dma_wait3A_71 = arith.constant 0 : i32
    %dma_wait3A_72 = arith.constant 0 : i32
    %dma_wait3A_73 = tpu.memref_slice %arg12[%dma_wait3A_71, %dma_wait3A_72] : memref<10240x64xf32, #tpu.memory_space<vmem_shared>> -> memref<10240x64xf32, #tpu.memory_space<vmem_shared>>
    tpu.wait_indirect_dma semaphore(%arg21 : memref<!tpu.dma_semaphore, #tpu.memory_space<semaphore_mem>>) src(%arg11 : memref<100x64xf32, #tpu.memory_space<vmem>>) dst(%dma_wait3A_73 : memref<10240x64xf32, #tpu.memory_space<vmem_shared>>)
    %dma_wait3A_74 = arith.constant 0 : i32
    %dma_wait3A_75 = arith.constant 0 : i32
    %dma_wait3A_76 = tpu.memref_slice %arg6[%dma_wait3A_74, %dma_wait3A_75] : memref<100x100xi32, #tpu.memory_space<vmem>> -> memref<1x100xi32, #tpu.memory_space<vmem>>
    %dma_wait3A_77 = tpu.memref_squeeze %dma_wait3A_76 : memref<1x100xi32, #tpu.memory_space<vmem>> -> memref<100xi32, #tpu.memory_space<vmem>>
    %dma_wait3A_78 = arith.constant 0 : i32
    %dma_wait3A_79 = arith.constant 0 : i32
    %dma_wait3A_80 = tpu.memref_slice %arg3[%dma_wait3A_78, %dma_wait3A_79] : memref<10000x64xf32, #tpu.memory_space<hbm>> -> memref<10000x64xf32, #tpu.memory_space<hbm>>
    tpu.wait_indirect_dma semaphore(%arg14 : memref<!tpu.dma_semaphore, #tpu.memory_space<semaphore_mem>>) src(%dma_wait3A_80 : memref<10000x64xf32, #tpu.memory_space<hbm>>) dst(%arg8 : memref<100x64xf32, #tpu.memory_space<vmem>>)
    %dma_wait3A_81 = arith.constant 0 : i32
    %dma_wait3A_82 = arith.constant 0 : i32
    %dma_wait3A_83 = tpu.memref_slice %arg6[%dma_wait3A_81, %dma_wait3A_82] : memref<100x100xi32, #tpu.memory_space<vmem>> -> memref<1x100xi32, #tpu.memory_space<vmem>>
    %dma_wait3A_84 = tpu.memref_squeeze %dma_wait3A_83 : memref<1x100xi32, #tpu.memory_space<vmem>> -> memref<100xi32, #tpu.memory_space<vmem>>
    %dma_wait3A_85 = arith.constant 0 : i32
    %dma_wait3A_86 = arith.constant 0 : i32
    %dma_wait3A_87 = tpu.memref_slice %arg3[%dma_wait3A_85, %dma_wait3A_86] : memref<10000x64xf32, #tpu.memory_space<hbm>> -> memref<10000x64xf32, #tpu.memory_space<hbm>>
    tpu.wait_indirect_dma semaphore(%arg15 : memref<!tpu.dma_semaphore, #tpu.memory_space<semaphore_mem>>) src(%dma_wait3A_87 : memref<10000x64xf32, #tpu.memory_space<hbm>>) dst(%arg9 : memref<100x64xf32, #tpu.memory_space<vmem>>)
    %dma_wait3A_88 = arith.constant 0 : i32
    %dma_wait3A_89 = arith.constant 0 : i32
    %dma_wait3A_90 = tpu.memref_slice %arg6[%dma_wait3A_88, %dma_wait3A_89] : memref<100x100xi32, #tpu.memory_space<vmem>> -> memref<1x100xi32, #tpu.memory_space<vmem>>
    %dma_wait3A_91 = tpu.memref_squeeze %dma_wait3A_90 : memref<1x100xi32, #tpu.memory_space<vmem>> -> memref<100xi32, #tpu.memory_space<vmem>>
    %dma_wait3A_92 = arith.constant 0 : i32
    %dma_wait3A_93 = arith.constant 0 : i32
    %dma_wait3A_94 = tpu.memref_slice %arg3[%dma_wait3A_92, %dma_wait3A_93] : memref<10000x64xf32, #tpu.memory_space<hbm>> -> memref<10000x64xf32, #tpu.memory_space<hbm>>
    tpu.wait_indirect_dma semaphore(%arg16 : memref<!tpu.dma_semaphore, #tpu.memory_space<semaphore_mem>>) src(%dma_wait3A_94 : memref<10000x64xf32, #tpu.memory_space<hbm>>) dst(%arg10 : memref<100x64xf32, #tpu.memory_space<vmem>>)
    %barrier3A_95 = arith.constant 0 : index
    tpu.barrier barrier_id(%barrier3A_95)
    %mul3A_96 = arith.constant 640 : i32
    %mul3A_97 = arith.muli %arg1, %mul3A_96 : i32
    %mul3A_98 = arith.constant 640 : i32
    %mul3A_99 = arith.muli %arg1, %mul3A_98 : i32
    "tpu.region"() ({
      %run_scoped3A = tpu.sem_alloc : memref<!tpu.dma_semaphore, #tpu.memory_space<semaphore_mem>>
      %dma_start3A_100 = arith.constant 0 : i32
      %dma_start3A_101 = tpu.memref_slice %arg5[%arg0, %mul3A_99, %dma_start3A_100] : memref<2x10240x64xf32, #tpu.memory_space<hbm>> -> memref<1x640x64xf32, #tpu.memory_space<hbm>>
      %dma_start3A_102 = tpu.memref_squeeze %dma_start3A_101 : memref<1x640x64xf32, #tpu.memory_space<hbm>> -> memref<640x64xf32, #tpu.memory_space<hbm>>
      %dma_start3A_103 = arith.constant 0 : i32
      %dma_start3A_104 = tpu.memref_slice %arg12[%mul3A_97, %dma_start3A_103] : memref<10240x64xf32, #tpu.memory_space<vmem_shared>> -> memref<640x64xf32, #tpu.memory_space<vmem_shared>>
      tpu.enqueue_dma source(%dma_start3A_104 : memref<640x64xf32, #tpu.memory_space<vmem_shared>>) target(%dma_start3A_102 : memref<640x64xf32, #tpu.memory_space<hbm>>) target_semaphore(%run_scoped3A : memref<!tpu.dma_semaphore, #tpu.memory_space<semaphore_mem>>)
      %dma_wait3A_105 = arith.constant 0 : i32
      %dma_wait3A_106 = tpu.memref_slice %arg5[%arg0, %mul3A_99, %dma_wait3A_105] : memref<2x10240x64xf32, #tpu.memory_space<hbm>> -> memref<1x640x64xf32, #tpu.memory_space<hbm>>
      %dma_wait3A_107 = tpu.memref_squeeze %dma_wait3A_106 : memref<1x640x64xf32, #tpu.memory_space<hbm>> -> memref<640x64xf32, #tpu.memory_space<hbm>>
      %dma_wait3A_108 = arith.constant 0 : i32
      %dma_wait3A_109 = tpu.memref_slice %arg12[%mul3A_97, %dma_wait3A_108] : memref<10240x64xf32, #tpu.memory_space<vmem_shared>> -> memref<640x64xf32, #tpu.memory_space<vmem_shared>>
      tpu.wait_dma2 semaphore(%run_scoped3A : memref<!tpu.dma_semaphore, #tpu.memory_space<semaphore_mem>>) src(%dma_wait3A_109 : memref<640x64xf32, #tpu.memory_space<vmem_shared>>) dst(%dma_wait3A_107 : memref<640x64xf32, #tpu.memory_space<hbm>>)
      tpu.yield
    }) : () -> ()
    return
  }
}

#map = affine_map<(d0, d1) -> (0, 0, 0, 0)>
#map1 = affine_map<(d0, d1) -> (0, 0)>
#map2 = affine_map<(d0, d1) -> (0, 0, 0)>
module attributes {stable_mosaic.version = 14 : i64} {
  func.func @k(%arg0: i32, %arg1: i32, %arg2: memref<2x32x100x100xi32, #tpu.memory_space<hbm>>, %arg3: memref<10000x64xf32, #tpu.memory_space<hbm>>, %arg4: memref<640x64xf32, #tpu.memory_space<hbm>>, %arg5: memref<2x10240x64xf32, #tpu.memory_space<hbm>>, %arg6: memref<100x100xi32, #tpu.memory_space<vmem>>, %arg7: memref<100x100xi32, #tpu.memory_space<vmem>>, %arg8: memref<100x64xf32, #tpu.memory_space<vmem>>, %arg9: memref<100x64xf32, #tpu.memory_space<vmem>>, %arg10: memref<100x64xf32, #tpu.memory_space<vmem>>, %arg11: memref<100x64xf32, #tpu.memory_space<vmem>>, %arg12: memref<10240x64xf32, #tpu.memory_space<vmem_shared>>, %arg13: memref<!tpu.dma_semaphore, #tpu.memory_space<semaphore_mem>>, %arg14: memref<!tpu.dma_semaphore, #tpu.memory_space<semaphore_mem>>, %arg15: memref<!tpu.dma_semaphore, #tpu.memory_space<semaphore_mem>>, %arg16: memref<!tpu.dma_semaphore, #tpu.memory_space<semaphore_mem>>, %arg17: memref<!tpu.dma_semaphore, #tpu.memory_space<semaphore_mem>>, %arg18: memref<!tpu.dma_semaphore, #tpu.memory_space<semaphore_mem>>, %arg19: memref<!tpu.dma_semaphore, #tpu.memory_space<semaphore_mem>>, %arg20: memref<!tpu.dma_semaphore, #tpu.memory_space<semaphore_mem>>, %arg21: memref<!tpu.dma_semaphore, #tpu.memory_space<semaphore_mem>>) attributes {dimension_semantics = [#tpu.dimension_semantics<core_parallel>, #tpu.dimension_semantics<subcore_parallel>], iteration_bounds = array<i64: 2, 16>, scalar_prefetch = 0 : i64, scratch_operands = 16 : i64, tpu.core_type = #tpu.core_type<sc_vector_subcore>, window_params = [{transform_indices = #map}, {transform_indices = #map1}, {transform_indices = #map1}, {transform_indices = #map2}]} {
    %mul3A = arith.constant 2 : i32
    %mul3A_0 = arith.muli %arg1, %mul3A : i32
    %add3A = arith.addi %mul3A_0, %arg0 : i32
    %mul3A_1 = arith.constant 640 : i32
    %mul3A_2 = arith.muli %arg1, %mul3A_1 : i32
    %dma_start3A = arith.constant 0 : i32
    %dma_start3A_3 = tpu.memref_slice %arg12[%mul3A_2, %dma_start3A] : memref<10240x64xf32, #tpu.memory_space<vmem_shared>> -> memref<640x64xf32, #tpu.memory_space<vmem_shared>>
    tpu.enqueue_dma source(%arg4 : memref<640x64xf32, #tpu.memory_space<hbm>>) target(%dma_start3A_3 : memref<640x64xf32, #tpu.memory_space<vmem_shared>>) target_semaphore(%arg13 : memref<!tpu.dma_semaphore, #tpu.memory_space<semaphore_mem>>)
    %dma_start3A_4 = arith.constant 0 : i32
    %dma_start3A_5 = arith.constant 0 : i32
    %dma_start3A_6 = arith.constant 0 : i32
    %dma_start3A_7 = tpu.memref_slice %arg2[%dma_start3A_4, %add3A, %dma_start3A_5, %dma_start3A_6] : memref<2x32x100x100xi32, #tpu.memory_space<hbm>> -> memref<1x1x100x100xi32, #tpu.memory_space<hbm>>
    %dma_start3A_8 = tpu.memref_squeeze %dma_start3A_7 : memref<1x1x100x100xi32, #tpu.memory_space<hbm>> -> memref<100x100xi32, #tpu.memory_space<hbm>>
    %dma_start3A_9 = arith.constant 0 : i32
    %dma_start3A_10 = arith.constant 0 : i32
    %dma_start3A_11 = tpu.memref_slice %arg2[%dma_start3A_4, %add3A, %dma_start3A_9, %dma_start3A_10] : memref<2x32x100x100xi32, #tpu.memory_space<hbm>> -> memref<1x1x100x100xi32, #tpu.memory_space<hbm>>
    %dma_start3A_12 = tpu.memref_squeeze %dma_start3A_11 : memref<1x1x100x100xi32, #tpu.memory_space<hbm>> -> memref<100x100xi32, #tpu.memory_space<hbm>>
    tpu.enqueue_dma source(%dma_start3A_12 : memref<100x100xi32, #tpu.memory_space<hbm>>) target(%arg6 : memref<100x100xi32, #tpu.memory_space<vmem>>) target_semaphore(%arg13 : memref<!tpu.dma_semaphore, #tpu.memory_space<semaphore_mem>>)
    %dma_start3A_13 = arith.constant 1 : i32
    %dma_start3A_14 = arith.constant 0 : i32
    %dma_start3A_15 = arith.constant 0 : i32
    %dma_start3A_16 = tpu.memref_slice %arg2[%dma_start3A_13, %add3A, %dma_start3A_14, %dma_start3A_15] : memref<2x32x100x100xi32, #tpu.memory_space<hbm>> -> memref<1x1x100x100xi32, #tpu.memory_space<hbm>>
    %dma_start3A_17 = tpu.memref_squeeze %dma_start3A_16 : memref<1x1x100x100xi32, #tpu.memory_space<hbm>> -> memref<100x100xi32, #tpu.memory_space<hbm>>
    %dma_start3A_18 = arith.constant 0 : i32
    %dma_start3A_19 = arith.constant 0 : i32
    %dma_start3A_20 = tpu.memref_slice %arg2[%dma_start3A_13, %add3A, %dma_start3A_18, %dma_start3A_19] : memref<2x32x100x100xi32, #tpu.memory_space<hbm>> -> memref<1x1x100x100xi32, #tpu.memory_space<hbm>>
    %dma_start3A_21 = tpu.memref_squeeze %dma_start3A_20 : memref<1x1x100x100xi32, #tpu.memory_space<hbm>> -> memref<100x100xi32, #tpu.memory_space<hbm>>
    tpu.enqueue_dma source(%dma_start3A_21 : memref<100x100xi32, #tpu.memory_space<hbm>>) target(%arg7 : memref<100x100xi32, #tpu.memory_space<vmem>>) target_semaphore(%arg13 : memref<!tpu.dma_semaphore, #tpu.memory_space<semaphore_mem>>)
    %dma_wait3A = arith.constant 0 : i32
    %dma_wait3A_22 = tpu.memref_slice %arg12[%mul3A_2, %dma_wait3A] : memref<10240x64xf32, #tpu.memory_space<vmem_shared>> -> memref<640x64xf32, #tpu.memory_space<vmem_shared>>
    tpu.wait_dma2 semaphore(%arg13 : memref<!tpu.dma_semaphore, #tpu.memory_space<semaphore_mem>>) src(%arg4 : memref<640x64xf32, #tpu.memory_space<hbm>>) dst(%dma_wait3A_22 : memref<640x64xf32, #tpu.memory_space<vmem_shared>>)
    %dma_wait3A_23 = arith.constant 0 : i32
    %dma_wait3A_24 = arith.constant 0 : i32
    %dma_wait3A_25 = arith.constant 0 : i32
    %dma_wait3A_26 = tpu.memref_slice %arg2[%dma_wait3A_23, %add3A, %dma_wait3A_24, %dma_wait3A_25] : memref<2x32x100x100xi32, #tpu.memory_space<hbm>> -> memref<1x1x100x100xi32, #tpu.memory_space<hbm>>
    %dma_wait3A_27 = tpu.memref_squeeze %dma_wait3A_26 : memref<1x1x100x100xi32, #tpu.memory_space<hbm>> -> memref<100x100xi32, #tpu.memory_space<hbm>>
    %dma_wait3A_28 = arith.constant 0 : i32
    %dma_wait3A_29 = arith.constant 0 : i32
    %dma_wait3A_30 = tpu.memref_slice %arg2[%dma_wait3A_23, %add3A, %dma_wait3A_28, %dma_wait3A_29] : memref<2x32x100x100xi32, #tpu.memory_space<hbm>> -> memref<1x1x100x100xi32, #tpu.memory_space<hbm>>
    %dma_wait3A_31 = tpu.memref_squeeze %dma_wait3A_30 : memref<1x1x100x100xi32, #tpu.memory_space<hbm>> -> memref<100x100xi32, #tpu.memory_space<hbm>>
    tpu.wait_dma2 semaphore(%arg13 : memref<!tpu.dma_semaphore, #tpu.memory_space<semaphore_mem>>) src(%dma_wait3A_31 : memref<100x100xi32, #tpu.memory_space<hbm>>) dst(%arg6 : memref<100x100xi32, #tpu.memory_space<vmem>>)
    %dma_wait3A_32 = arith.constant 1 : i32
    %dma_wait3A_33 = arith.constant 0 : i32
    %dma_wait3A_34 = arith.constant 0 : i32
    %dma_wait3A_35 = tpu.memref_slice %arg2[%dma_wait3A_32, %add3A, %dma_wait3A_33, %dma_wait3A_34] : memref<2x32x100x100xi32, #tpu.memory_space<hbm>> -> memref<1x1x100x100xi32, #tpu.memory_space<hbm>>
    %dma_wait3A_36 = tpu.memref_squeeze %dma_wait3A_35 : memref<1x1x100x100xi32, #tpu.memory_space<hbm>> -> memref<100x100xi32, #tpu.memory_space<hbm>>
    %dma_wait3A_37 = arith.constant 0 : i32
    %dma_wait3A_38 = arith.constant 0 : i32
    %dma_wait3A_39 = tpu.memref_slice %arg2[%dma_wait3A_32, %add3A, %dma_wait3A_37, %dma_wait3A_38] : memref<2x32x100x100xi32, #tpu.memory_space<hbm>> -> memref<1x1x100x100xi32, #tpu.memory_space<hbm>>
    %dma_wait3A_40 = tpu.memref_squeeze %dma_wait3A_39 : memref<1x1x100x100xi32, #tpu.memory_space<hbm>> -> memref<100x100xi32, #tpu.memory_space<hbm>>
    tpu.wait_dma2 semaphore(%arg13 : memref<!tpu.dma_semaphore, #tpu.memory_space<semaphore_mem>>) src(%dma_wait3A_40 : memref<100x100xi32, #tpu.memory_space<hbm>>) dst(%arg7 : memref<100x100xi32, #tpu.memory_space<vmem>>)
    %barrier3A = arith.constant 0 : index
    tpu.barrier barrier_id(%barrier3A)
    %dma_start3A_41 = arith.constant 0 : i32
    %dma_start3A_42 = arith.constant 0 : i32
    %dma_start3A_43 = tpu.memref_slice %arg6[%dma_start3A_41, %dma_start3A_42] : memref<100x100xi32, #tpu.memory_space<vmem>> -> memref<1x100xi32, #tpu.memory_space<vmem>>
    %dma_start3A_44 = tpu.memref_squeeze %dma_start3A_43 : memref<1x100xi32, #tpu.memory_space<vmem>> -> memref<100xi32, #tpu.memory_space<vmem>>
    %dma_start3A_45 = arith.constant 0 : i32
    %dma_start3A_46 = arith.constant 0 : i32
    %dma_start3A_47 = tpu.memref_slice %arg3[%dma_start3A_45, %dma_start3A_46] : memref<10000x64xf32, #tpu.memory_space<hbm>> -> memref<10000x64xf32, #tpu.memory_space<hbm>>
    tpu.enqueue_indirect_dma source(%dma_start3A_47 : memref<10000x64xf32, #tpu.memory_space<hbm>>) target(%arg8 : memref<100x64xf32, #tpu.memory_space<vmem>>) offsets(%dma_start3A_44 : memref<100xi32, #tpu.memory_space<vmem>>) semaphore(%arg14 : memref<!tpu.dma_semaphore, #tpu.memory_space<semaphore_mem>>)
    %dma_start3A_48 = arith.constant 1 : i32
    %dma_start3A_49 = arith.constant 0 : i32
    %dma_start3A_50 = tpu.memref_slice %arg6[%dma_start3A_48, %dma_start3A_49] : memref<100x100xi32, #tpu.memory_space<vmem>> -> memref<1x100xi32, #tpu.memory_space<vmem>>
    %dma_start3A_51 = tpu.memref_squeeze %dma_start3A_50 : memref<1x100xi32, #tpu.memory_space<vmem>> -> memref<100xi32, #tpu.memory_space<vmem>>
    %dma_start3A_52 = arith.constant 0 : i32
    %dma_start3A_53 = arith.constant 0 : i32
    %dma_start3A_54 = tpu.memref_slice %arg3[%dma_start3A_52, %dma_start3A_53] : memref<10000x64xf32, #tpu.memory_space<hbm>> -> memref<10000x64xf32, #tpu.memory_space<hbm>>
    tpu.enqueue_indirect_dma source(%dma_start3A_54 : memref<10000x64xf32, #tpu.memory_space<hbm>>) target(%arg9 : memref<100x64xf32, #tpu.memory_space<vmem>>) offsets(%dma_start3A_51 : memref<100xi32, #tpu.memory_space<vmem>>) semaphore(%arg15 : memref<!tpu.dma_semaphore, #tpu.memory_space<semaphore_mem>>)
    %dma_start3A_55 = arith.constant 2 : i32
    %dma_start3A_56 = arith.constant 0 : i32
    %dma_start3A_57 = tpu.memref_slice %arg6[%dma_start3A_55, %dma_start3A_56] : memref<100x100xi32, #tpu.memory_space<vmem>> -> memref<1x100xi32, #tpu.memory_space<vmem>>
    %dma_start3A_58 = tpu.memref_squeeze %dma_start3A_57 : memref<1x100xi32, #tpu.memory_space<vmem>> -> memref<100xi32, #tpu.memory_space<vmem>>
    %dma_start3A_59 = arith.constant 0 : i32
    %dma_start3A_60 = arith.constant 0 : i32
    %dma_start3A_61 = tpu.memref_slice %arg3[%dma_start3A_59, %dma_start3A_60] : memref<10000x64xf32, #tpu.memory_space<hbm>> -> memref<10000x64xf32, #tpu.memory_space<hbm>>
    tpu.enqueue_indirect_dma source(%dma_start3A_61 : memref<10000x64xf32, #tpu.memory_space<hbm>>) target(%arg10 : memref<100x64xf32, #tpu.memory_space<vmem>>) offsets(%dma_start3A_58 : memref<100xi32, #tpu.memory_space<vmem>>) semaphore(%arg16 : memref<!tpu.dma_semaphore, #tpu.memory_space<semaphore_mem>>)
    %scan3A = arith.constant 0 : i32
    %scan3A_62 = arith.constant 0 : i32
    %scan3A_63 = arith.constant 25 : i32
    %scan3A_64 = arith.addi %scan3A_62, %scan3A_63 : i32
    %scan3A_65 = arith.constant 1 : i32
    scf.for %scan3A_100 = %scan3A_62 to %scan3A_64 step %scan3A_65  : i32 {
      %mul3A_101 = arith.constant 4 : i32
      %mul3A_102 = arith.muli %mul3A_101, %scan3A_100 : i32
      %add3A_103 = arith.constant 0 : i32
      %add3A_104 = arith.addi %mul3A_102, %add3A_103 : i32
      %dma_wait3A_105 = arith.constant 0 : i32
      %dma_wait3A_106 = arith.constant 0 : i32
      %dma_wait3A_107 = tpu.memref_slice %arg6[%dma_wait3A_105, %dma_wait3A_106] : memref<100x100xi32, #tpu.memory_space<vmem>> -> memref<1x100xi32, #tpu.memory_space<vmem>>
      %dma_wait3A_108 = tpu.memref_squeeze %dma_wait3A_107 : memref<1x100xi32, #tpu.memory_space<vmem>> -> memref<100xi32, #tpu.memory_space<vmem>>
      %dma_wait3A_109 = arith.constant 0 : i32
      %dma_wait3A_110 = arith.constant 0 : i32
      %dma_wait3A_111 = tpu.memref_slice %arg3[%dma_wait3A_109, %dma_wait3A_110] : memref<10000x64xf32, #tpu.memory_space<hbm>> -> memref<10000x64xf32, #tpu.memory_space<hbm>>
      tpu.wait_indirect_dma semaphore(%arg14 : memref<!tpu.dma_semaphore, #tpu.memory_space<semaphore_mem>>) src(%dma_wait3A_111 : memref<10000x64xf32, #tpu.memory_space<hbm>>) dst(%arg8 : memref<100x64xf32, #tpu.memory_space<vmem>>)
      %dma_start3A_112 = arith.constant 0 : i32
      %dma_start3A_113 = tpu.memref_slice %arg7[%add3A_104, %dma_start3A_112] : memref<100x100xi32, #tpu.memory_space<vmem>> -> memref<1x100xi32, #tpu.memory_space<vmem>>
      %dma_start3A_114 = tpu.memref_squeeze %dma_start3A_113 : memref<1x100xi32, #tpu.memory_space<vmem>> -> memref<100xi32, #tpu.memory_space<vmem>>
      %dma_start3A_115 = arith.constant 0 : i32
      %dma_start3A_116 = arith.constant 0 : i32
      %dma_start3A_117 = tpu.memref_slice %arg12[%dma_start3A_115, %dma_start3A_116] : memref<10240x64xf32, #tpu.memory_space<vmem_shared>> -> memref<10240x64xf32, #tpu.memory_space<vmem_shared>>
      tpu.enqueue_indirect_dma source(%arg8 : memref<100x64xf32, #tpu.memory_space<vmem>>) target(%dma_start3A_117 : memref<10240x64xf32, #tpu.memory_space<vmem_shared>>) offsets(%dma_start3A_114 : memref<100xi32, #tpu.memory_space<vmem>>) semaphore(%arg18 : memref<!tpu.dma_semaphore, #tpu.memory_space<semaphore_mem>>) {add = true}
      %ge3A = arith.constant 1 : i32
      %ge3A_118 = arith.cmpi sge, %scan3A_100, %ge3A : i32
      %convert_element_type3A = arith.extui %ge3A_118 : i1 to i32
      %cond3A = arith.constant 0 : i32
      %cond3A_119 = arith.cmpi ne, %convert_element_type3A, %cond3A : i32
      scf.if %cond3A_119 {
        %dma_wait3A_231 = arith.constant 0 : i32
        %dma_wait3A_232 = arith.constant 0 : i32
        %dma_wait3A_233 = tpu.memref_slice %arg7[%dma_wait3A_231, %dma_wait3A_232] : memref<100x100xi32, #tpu.memory_space<vmem>> -> memref<1x100xi32, #tpu.memory_space<vmem>>
        %dma_wait3A_234 = tpu.memref_squeeze %dma_wait3A_233 : memref<1x100xi32, #tpu.memory_space<vmem>> -> memref<100xi32, #tpu.memory_space<vmem>>
        %dma_wait3A_235 = arith.constant 0 : i32
        %dma_wait3A_236 = arith.constant 0 : i32
        %dma_wait3A_237 = tpu.memref_slice %arg12[%dma_wait3A_235, %dma_wait3A_236] : memref<10240x64xf32, #tpu.memory_space<vmem_shared>> -> memref<10240x64xf32, #tpu.memory_space<vmem_shared>>
        tpu.wait_indirect_dma semaphore(%arg21 : memref<!tpu.dma_semaphore, #tpu.memory_space<semaphore_mem>>) src(%arg11 : memref<100x64xf32, #tpu.memory_space<vmem>>) dst(%dma_wait3A_237 : memref<10240x64xf32, #tpu.memory_space<vmem_shared>>)
      } else {
      }
      %add3A_120 = arith.constant 3 : i32
      %add3A_121 = arith.addi %add3A_104, %add3A_120 : i32
      %rem3A = arith.constant 100 : i32
      %rem3A_122 = arith.remsi %add3A_121, %rem3A : i32
      %dma_start3A_123 = arith.constant 0 : i32
      %dma_start3A_124 = tpu.memref_slice %arg6[%rem3A_122, %dma_start3A_123] : memref<100x100xi32, #tpu.memory_space<vmem>> -> memref<1x100xi32, #tpu.memory_space<vmem>>
      %dma_start3A_125 = tpu.memref_squeeze %dma_start3A_124 : memref<1x100xi32, #tpu.memory_space<vmem>> -> memref<100xi32, #tpu.memory_space<vmem>>
      %dma_start3A_126 = arith.constant 0 : i32
      %dma_start3A_127 = arith.constant 0 : i32
      %dma_start3A_128 = tpu.memref_slice %arg3[%dma_start3A_126, %dma_start3A_127] : memref<10000x64xf32, #tpu.memory_space<hbm>> -> memref<10000x64xf32, #tpu.memory_space<hbm>>
      tpu.enqueue_indirect_dma source(%dma_start3A_128 : memref<10000x64xf32, #tpu.memory_space<hbm>>) target(%arg11 : memref<100x64xf32, #tpu.memory_space<vmem>>) offsets(%dma_start3A_125 : memref<100xi32, #tpu.memory_space<vmem>>) semaphore(%arg17 : memref<!tpu.dma_semaphore, #tpu.memory_space<semaphore_mem>>)
      %mul3A_129 = arith.constant 4 : i32
      %mul3A_130 = arith.muli %mul3A_129, %scan3A_100 : i32
      %add3A_131 = arith.constant 1 : i32
      %add3A_132 = arith.addi %mul3A_130, %add3A_131 : i32
      %dma_wait3A_133 = arith.constant 0 : i32
      %dma_wait3A_134 = arith.constant 0 : i32
      %dma_wait3A_135 = tpu.memref_slice %arg6[%dma_wait3A_133, %dma_wait3A_134] : memref<100x100xi32, #tpu.memory_space<vmem>> -> memref<1x100xi32, #tpu.memory_space<vmem>>
      %dma_wait3A_136 = tpu.memref_squeeze %dma_wait3A_135 : memref<1x100xi32, #tpu.memory_space<vmem>> -> memref<100xi32, #tpu.memory_space<vmem>>
      %dma_wait3A_137 = arith.constant 0 : i32
      %dma_wait3A_138 = arith.constant 0 : i32
      %dma_wait3A_139 = tpu.memref_slice %arg3[%dma_wait3A_137, %dma_wait3A_138] : memref<10000x64xf32, #tpu.memory_space<hbm>> -> memref<10000x64xf32, #tpu.memory_space<hbm>>
      tpu.wait_indirect_dma semaphore(%arg15 : memref<!tpu.dma_semaphore, #tpu.memory_space<semaphore_mem>>) src(%dma_wait3A_139 : memref<10000x64xf32, #tpu.memory_space<hbm>>) dst(%arg9 : memref<100x64xf32, #tpu.memory_space<vmem>>)
      %dma_start3A_140 = arith.constant 0 : i32
      %dma_start3A_141 = tpu.memref_slice %arg7[%add3A_132, %dma_start3A_140] : memref<100x100xi32, #tpu.memory_space<vmem>> -> memref<1x100xi32, #tpu.memory_space<vmem>>
      %dma_start3A_142 = tpu.memref_squeeze %dma_start3A_141 : memref<1x100xi32, #tpu.memory_space<vmem>> -> memref<100xi32, #tpu.memory_space<vmem>>
      %dma_start3A_143 = arith.constant 0 : i32
      %dma_start3A_144 = arith.constant 0 : i32
      %dma_start3A_145 = tpu.memref_slice %arg12[%dma_start3A_143, %dma_start3A_144] : memref<10240x64xf32, #tpu.memory_space<vmem_shared>> -> memref<10240x64xf32, #tpu.memory_space<vmem_shared>>
      tpu.enqueue_indirect_dma source(%arg9 : memref<100x64xf32, #tpu.memory_space<vmem>>) target(%dma_start3A_145 : memref<10240x64xf32, #tpu.memory_space<vmem_shared>>) offsets(%dma_start3A_142 : memref<100xi32, #tpu.memory_space<vmem>>) semaphore(%arg19 : memref<!tpu.dma_semaphore, #tpu.memory_space<semaphore_mem>>) {add = true}
      %dma_wait3A_146 = arith.constant 0 : i32
      %dma_wait3A_147 = arith.constant 0 : i32
      %dma_wait3A_148 = tpu.memref_slice %arg7[%dma_wait3A_146, %dma_wait3A_147] : memref<100x100xi32, #tpu.memory_space<vmem>> -> memref<1x100xi32, #tpu.memory_space<vmem>>
      %dma_wait3A_149 = tpu.memref_squeeze %dma_wait3A_148 : memref<1x100xi32, #tpu.memory_space<vmem>> -> memref<100xi32, #tpu.memory_space<vmem>>
      %dma_wait3A_150 = arith.constant 0 : i32
      %dma_wait3A_151 = arith.constant 0 : i32
      %dma_wait3A_152 = tpu.memref_slice %arg12[%dma_wait3A_150, %dma_wait3A_151] : memref<10240x64xf32, #tpu.memory_space<vmem_shared>> -> memref<10240x64xf32, #tpu.memory_space<vmem_shared>>
      tpu.wait_indirect_dma semaphore(%arg18 : memref<!tpu.dma_semaphore, #tpu.memory_space<semaphore_mem>>) src(%arg8 : memref<100x64xf32, #tpu.memory_space<vmem>>) dst(%dma_wait3A_152 : memref<10240x64xf32, #tpu.memory_space<vmem_shared>>)
      %add3A_153 = arith.constant 3 : i32
      %add3A_154 = arith.addi %add3A_132, %add3A_153 : i32
      %rem3A_155 = arith.constant 100 : i32
      %rem3A_156 = arith.remsi %add3A_154, %rem3A_155 : i32
      %dma_start3A_157 = arith.constant 0 : i32
      %dma_start3A_158 = tpu.memref_slice %arg6[%rem3A_156, %dma_start3A_157] : memref<100x100xi32, #tpu.memory_space<vmem>> -> memref<1x100xi32, #tpu.memory_space<vmem>>
      %dma_start3A_159 = tpu.memref_squeeze %dma_start3A_158 : memref<1x100xi32, #tpu.memory_space<vmem>> -> memref<100xi32, #tpu.memory_space<vmem>>
      %dma_start3A_160 = arith.constant 0 : i32
      %dma_start3A_161 = arith.constant 0 : i32
      %dma_start3A_162 = tpu.memref_slice %arg3[%dma_start3A_160, %dma_start3A_161] : memref<10000x64xf32, #tpu.memory_space<hbm>> -> memref<10000x64xf32, #tpu.memory_space<hbm>>
      tpu.enqueue_indirect_dma source(%dma_start3A_162 : memref<10000x64xf32, #tpu.memory_space<hbm>>) target(%arg8 : memref<100x64xf32, #tpu.memory_space<vmem>>) offsets(%dma_start3A_159 : memref<100xi32, #tpu.memory_space<vmem>>) semaphore(%arg14 : memref<!tpu.dma_semaphore, #tpu.memory_space<semaphore_mem>>)
      %mul3A_163 = arith.constant 4 : i32
      %mul3A_164 = arith.muli %mul3A_163, %scan3A_100 : i32
      %add3A_165 = arith.constant 2 : i32
      %add3A_166 = arith.addi %mul3A_164, %add3A_165 : i32
      %dma_wait3A_167 = arith.constant 0 : i32
      %dma_wait3A_168 = arith.constant 0 : i32
      %dma_wait3A_169 = tpu.memref_slice %arg6[%dma_wait3A_167, %dma_wait3A_168] : memref<100x100xi32, #tpu.memory_space<vmem>> -> memref<1x100xi32, #tpu.memory_space<vmem>>
      %dma_wait3A_170 = tpu.memref_squeeze %dma_wait3A_169 : memref<1x100xi32, #tpu.memory_space<vmem>> -> memref<100xi32, #tpu.memory_space<vmem>>
      %dma_wait3A_171 = arith.constant 0 : i32
      %dma_wait3A_172 = arith.constant 0 : i32
      %dma_wait3A_173 = tpu.memref_slice %arg3[%dma_wait3A_171, %dma_wait3A_172] : memref<10000x64xf32, #tpu.memory_space<hbm>> -> memref<10000x64xf32, #tpu.memory_space<hbm>>
      tpu.wait_indirect_dma semaphore(%arg16 : memref<!tpu.dma_semaphore, #tpu.memory_space<semaphore_mem>>) src(%dma_wait3A_173 : memref<10000x64xf32, #tpu.memory_space<hbm>>) dst(%arg10 : memref<100x64xf32, #tpu.memory_space<vmem>>)
      %dma_start3A_174 = arith.constant 0 : i32
      %dma_start3A_175 = tpu.memref_slice %arg7[%add3A_166, %dma_start3A_174] : memref<100x100xi32, #tpu.memory_space<vmem>> -> memref<1x100xi32, #tpu.memory_space<vmem>>
      %dma_start3A_176 = tpu.memref_squeeze %dma_start3A_175 : memref<1x100xi32, #tpu.memory_space<vmem>> -> memref<100xi32, #tpu.memory_space<vmem>>
      %dma_start3A_177 = arith.constant 0 : i32
      %dma_start3A_178 = arith.constant 0 : i32
      %dma_start3A_179 = tpu.memref_slice %arg12[%dma_start3A_177, %dma_start3A_178] : memref<10240x64xf32, #tpu.memory_space<vmem_shared>> -> memref<10240x64xf32, #tpu.memory_space<vmem_shared>>
      tpu.enqueue_indirect_dma source(%arg10 : memref<100x64xf32, #tpu.memory_space<vmem>>) target(%dma_start3A_179 : memref<10240x64xf32, #tpu.memory_space<vmem_shared>>) offsets(%dma_start3A_176 : memref<100xi32, #tpu.memory_space<vmem>>) semaphore(%arg20 : memref<!tpu.dma_semaphore, #tpu.memory_space<semaphore_mem>>) {add = true}
      %dma_wait3A_180 = arith.constant 0 : i32
      %dma_wait3A_181 = arith.constant 0 : i32
      %dma_wait3A_182 = tpu.memref_slice %arg7[%dma_wait3A_180, %dma_wait3A_181] : memref<100x100xi32, #tpu.memory_space<vmem>> -> memref<1x100xi32, #tpu.memory_space<vmem>>
      %dma_wait3A_183 = tpu.memref_squeeze %dma_wait3A_182 : memref<1x100xi32, #tpu.memory_space<vmem>> -> memref<100xi32, #tpu.memory_space<vmem>>
      %dma_wait3A_184 = arith.constant 0 : i32
      %dma_wait3A_185 = arith.constant 0 : i32
      %dma_wait3A_186 = tpu.memref_slice %arg12[%dma_wait3A_184, %dma_wait3A_185] : memref<10240x64xf32, #tpu.memory_space<vmem_shared>> -> memref<10240x64xf32, #tpu.memory_space<vmem_shared>>
      tpu.wait_indirect_dma semaphore(%arg19 : memref<!tpu.dma_semaphore, #tpu.memory_space<semaphore_mem>>) src(%arg9 : memref<100x64xf32, #tpu.memory_space<vmem>>) dst(%dma_wait3A_186 : memref<10240x64xf32, #tpu.memory_space<vmem_shared>>)
      %add3A_187 = arith.constant 3 : i32
      %add3A_188 = arith.addi %add3A_166, %add3A_187 : i32
      %rem3A_189 = arith.constant 100 : i32
      %rem3A_190 = arith.remsi %add3A_188, %rem3A_189 : i32
      %dma_start3A_191 = arith.constant 0 : i32
      %dma_start3A_192 = tpu.memref_slice %arg6[%rem3A_190, %dma_start3A_191] : memref<100x100xi32, #tpu.memory_space<vmem>> -> memref<1x100xi32, #tpu.memory_space<vmem>>
      %dma_start3A_193 = tpu.memref_squeeze %dma_start3A_192 : memref<1x100xi32, #tpu.memory_space<vmem>> -> memref<100xi32, #tpu.memory_space<vmem>>
      %dma_start3A_194 = arith.constant 0 : i32
      %dma_start3A_195 = arith.constant 0 : i32
      %dma_start3A_196 = tpu.memref_slice %arg3[%dma_start3A_194, %dma_start3A_195] : memref<10000x64xf32, #tpu.memory_space<hbm>> -> memref<10000x64xf32, #tpu.memory_space<hbm>>
      tpu.enqueue_indirect_dma source(%dma_start3A_196 : memref<10000x64xf32, #tpu.memory_space<hbm>>) target(%arg9 : memref<100x64xf32, #tpu.memory_space<vmem>>) offsets(%dma_start3A_193 : memref<100xi32, #tpu.memory_space<vmem>>) semaphore(%arg15 : memref<!tpu.dma_semaphore, #tpu.memory_space<semaphore_mem>>)
      %mul3A_197 = arith.constant 4 : i32
      %mul3A_198 = arith.muli %mul3A_197, %scan3A_100 : i32
      %add3A_199 = arith.constant 3 : i32
      %add3A_200 = arith.addi %mul3A_198, %add3A_199 : i32
      %dma_wait3A_201 = arith.constant 0 : i32
      %dma_wait3A_202 = arith.constant 0 : i32
      %dma_wait3A_203 = tpu.memref_slice %arg6[%dma_wait3A_201, %dma_wait3A_202] : memref<100x100xi32, #tpu.memory_space<vmem>> -> memref<1x100xi32, #tpu.memory_space<vmem>>
      %dma_wait3A_204 = tpu.memref_squeeze %dma_wait3A_203 : memref<1x100xi32, #tpu.memory_space<vmem>> -> memref<100xi32, #tpu.memory_space<vmem>>
      %dma_wait3A_205 = arith.constant 0 : i32
      %dma_wait3A_206 = arith.constant 0 : i32
      %dma_wait3A_207 = tpu.memref_slice %arg3[%dma_wait3A_205, %dma_wait3A_206] : memref<10000x64xf32, #tpu.memory_space<hbm>> -> memref<10000x64xf32, #tpu.memory_space<hbm>>
      tpu.wait_indirect_dma semaphore(%arg17 : memref<!tpu.dma_semaphore, #tpu.memory_space<semaphore_mem>>) src(%dma_wait3A_207 : memref<10000x64xf32, #tpu.memory_space<hbm>>) dst(%arg11 : memref<100x64xf32, #tpu.memory_space<vmem>>)
      %dma_start3A_208 = arith.constant 0 : i32
      %dma_start3A_209 = tpu.memref_slice %arg7[%add3A_200, %dma_start3A_208] : memref<100x100xi32, #tpu.memory_space<vmem>> -> memref<1x100xi32, #tpu.memory_space<vmem>>
      %dma_start3A_210 = tpu.memref_squeeze %dma_start3A_209 : memref<1x100xi32, #tpu.memory_space<vmem>> -> memref<100xi32, #tpu.memory_space<vmem>>
      %dma_start3A_211 = arith.constant 0 : i32
      %dma_start3A_212 = arith.constant 0 : i32
      %dma_start3A_213 = tpu.memref_slice %arg12[%dma_start3A_211, %dma_start3A_212] : memref<10240x64xf32, #tpu.memory_space<vmem_shared>> -> memref<10240x64xf32, #tpu.memory_space<vmem_shared>>
      tpu.enqueue_indirect_dma source(%arg11 : memref<100x64xf32, #tpu.memory_space<vmem>>) target(%dma_start3A_213 : memref<10240x64xf32, #tpu.memory_space<vmem_shared>>) offsets(%dma_start3A_210 : memref<100xi32, #tpu.memory_space<vmem>>) semaphore(%arg21 : memref<!tpu.dma_semaphore, #tpu.memory_space<semaphore_mem>>) {add = true}
      %dma_wait3A_214 = arith.constant 0 : i32
      %dma_wait3A_215 = arith.constant 0 : i32
      %dma_wait3A_216 = tpu.memref_slice %arg7[%dma_wait3A_214, %dma_wait3A_215] : memref<100x100xi32, #tpu.memory_space<vmem>> -> memref<1x100xi32, #tpu.memory_space<vmem>>
      %dma_wait3A_217 = tpu.memref_squeeze %dma_wait3A_216 : memref<1x100xi32, #tpu.memory_space<vmem>> -> memref<100xi32, #tpu.memory_space<vmem>>
      %dma_wait3A_218 = arith.constant 0 : i32
      %dma_wait3A_219 = arith.constant 0 : i32
      %dma_wait3A_220 = tpu.memref_slice %arg12[%dma_wait3A_218, %dma_wait3A_219] : memref<10240x64xf32, #tpu.memory_space<vmem_shared>> -> memref<10240x64xf32, #tpu.memory_space<vmem_shared>>
      tpu.wait_indirect_dma semaphore(%arg20 : memref<!tpu.dma_semaphore, #tpu.memory_space<semaphore_mem>>) src(%arg10 : memref<100x64xf32, #tpu.memory_space<vmem>>) dst(%dma_wait3A_220 : memref<10240x64xf32, #tpu.memory_space<vmem_shared>>)
      %add3A_221 = arith.constant 3 : i32
      %add3A_222 = arith.addi %add3A_200, %add3A_221 : i32
      %rem3A_223 = arith.constant 100 : i32
      %rem3A_224 = arith.remsi %add3A_222, %rem3A_223 : i32
      %dma_start3A_225 = arith.constant 0 : i32
      %dma_start3A_226 = tpu.memref_slice %arg6[%rem3A_224, %dma_start3A_225] : memref<100x100xi32, #tpu.memory_space<vmem>> -> memref<1x100xi32, #tpu.memory_space<vmem>>
      %dma_start3A_227 = tpu.memref_squeeze %dma_start3A_226 : memref<1x100xi32, #tpu.memory_space<vmem>> -> memref<100xi32, #tpu.memory_space<vmem>>
      %dma_start3A_228 = arith.constant 0 : i32
      %dma_start3A_229 = arith.constant 0 : i32
      %dma_start3A_230 = tpu.memref_slice %arg3[%dma_start3A_228, %dma_start3A_229] : memref<10000x64xf32, #tpu.memory_space<hbm>> -> memref<10000x64xf32, #tpu.memory_space<hbm>>
      tpu.enqueue_indirect_dma source(%dma_start3A_230 : memref<10000x64xf32, #tpu.memory_space<hbm>>) target(%arg10 : memref<100x64xf32, #tpu.memory_space<vmem>>) offsets(%dma_start3A_227 : memref<100xi32, #tpu.memory_space<vmem>>) semaphore(%arg16 : memref<!tpu.dma_semaphore, #tpu.memory_space<semaphore_mem>>)
    }
    %scan3A_66 = arith.constant 25 : i32
    %dma_wait3A_67 = arith.constant 0 : i32
    %dma_wait3A_68 = arith.constant 0 : i32
    %dma_wait3A_69 = tpu.memref_slice %arg7[%dma_wait3A_67, %dma_wait3A_68] : memref<100x100xi32, #tpu.memory_space<vmem>> -> memref<1x100xi32, #tpu.memory_space<vmem>>
    %dma_wait3A_70 = tpu.memref_squeeze %dma_wait3A_69 : memref<1x100xi32, #tpu.memory_space<vmem>> -> memref<100xi32, #tpu.memory_space<vmem>>
    %dma_wait3A_71 = arith.constant 0 : i32
    %dma_wait3A_72 = arith.constant 0 : i32
    %dma_wait3A_73 = tpu.memref_slice %arg12[%dma_wait3A_71, %dma_wait3A_72] : memref<10240x64xf32, #tpu.memory_space<vmem_shared>> -> memref<10240x64xf32, #tpu.memory_space<vmem_shared>>
    tpu.wait_indirect_dma semaphore(%arg21 : memref<!tpu.dma_semaphore, #tpu.memory_space<semaphore_mem>>) src(%arg11 : memref<100x64xf32, #tpu.memory_space<vmem>>) dst(%dma_wait3A_73 : memref<10240x64xf32, #tpu.memory_space<vmem_shared>>)
    %dma_wait3A_74 = arith.constant 0 : i32
    %dma_wait3A_75 = arith.constant 0 : i32
    %dma_wait3A_76 = tpu.memref_slice %arg6[%dma_wait3A_74, %dma_wait3A_75] : memref<100x100xi32, #tpu.memory_space<vmem>> -> memref<1x100xi32, #tpu.memory_space<vmem>>
    %dma_wait3A_77 = tpu.memref_squeeze %dma_wait3A_76 : memref<1x100xi32, #tpu.memory_space<vmem>> -> memref<100xi32, #tpu.memory_space<vmem>>
    %dma_wait3A_78 = arith.constant 0 : i32
    %dma_wait3A_79 = arith.constant 0 : i32
    %dma_wait3A_80 = tpu.memref_slice %arg3[%dma_wait3A_78, %dma_wait3A_79] : memref<10000x64xf32, #tpu.memory_space<hbm>> -> memref<10000x64xf32, #tpu.memory_space<hbm>>
    tpu.wait_indirect_dma semaphore(%arg14 : memref<!tpu.dma_semaphore, #tpu.memory_space<semaphore_mem>>) src(%dma_wait3A_80 : memref<10000x64xf32, #tpu.memory_space<hbm>>) dst(%arg8 : memref<100x64xf32, #tpu.memory_space<vmem>>)
    %dma_wait3A_81 = arith.constant 0 : i32
    %dma_wait3A_82 = arith.constant 0 : i32
    %dma_wait3A_83 = tpu.memref_slice %arg6[%dma_wait3A_81, %dma_wait3A_82] : memref<100x100xi32, #tpu.memory_space<vmem>> -> memref<1x100xi32, #tpu.memory_space<vmem>>
    %dma_wait3A_84 = tpu.memref_squeeze %dma_wait3A_83 : memref<1x100xi32, #tpu.memory_space<vmem>> -> memref<100xi32, #tpu.memory_space<vmem>>
    %dma_wait3A_85 = arith.constant 0 : i32
    %dma_wait3A_86 = arith.constant 0 : i32
    %dma_wait3A_87 = tpu.memref_slice %arg3[%dma_wait3A_85, %dma_wait3A_86] : memref<10000x64xf32, #tpu.memory_space<hbm>> -> memref<10000x64xf32, #tpu.memory_space<hbm>>
    tpu.wait_indirect_dma semaphore(%arg15 : memref<!tpu.dma_semaphore, #tpu.memory_space<semaphore_mem>>) src(%dma_wait3A_87 : memref<10000x64xf32, #tpu.memory_space<hbm>>) dst(%arg9 : memref<100x64xf32, #tpu.memory_space<vmem>>)
    %dma_wait3A_88 = arith.constant 0 : i32
    %dma_wait3A_89 = arith.constant 0 : i32
    %dma_wait3A_90 = tpu.memref_slice %arg6[%dma_wait3A_88, %dma_wait3A_89] : memref<100x100xi32, #tpu.memory_space<vmem>> -> memref<1x100xi32, #tpu.memory_space<vmem>>
    %dma_wait3A_91 = tpu.memref_squeeze %dma_wait3A_90 : memref<1x100xi32, #tpu.memory_space<vmem>> -> memref<100xi32, #tpu.memory_space<vmem>>
    %dma_wait3A_92 = arith.constant 0 : i32
    %dma_wait3A_93 = arith.constant 0 : i32
    %dma_wait3A_94 = tpu.memref_slice %arg3[%dma_wait3A_92, %dma_wait3A_93] : memref<10000x64xf32, #tpu.memory_space<hbm>> -> memref<10000x64xf32, #tpu.memory_space<hbm>>
    tpu.wait_indirect_dma semaphore(%arg16 : memref<!tpu.dma_semaphore, #tpu.memory_space<semaphore_mem>>) src(%dma_wait3A_94 : memref<10000x64xf32, #tpu.memory_space<hbm>>) dst(%arg10 : memref<100x64xf32, #tpu.memory_space<vmem>>)
    %barrier3A_95 = arith.constant 0 : index
    tpu.barrier barrier_id(%barrier3A_95)
    %mul3A_96 = arith.constant 640 : i32
    %mul3A_97 = arith.muli %arg1, %mul3A_96 : i32
    %mul3A_98 = arith.constant 640 : i32
    %mul3A_99 = arith.muli %arg1, %mul3A_98 : i32
    "tpu.region"() ({
      %run_scoped3A = tpu.sem_alloc : memref<!tpu.dma_semaphore, #tpu.memory_space<semaphore_mem>>
      %dma_start3A_100 = arith.constant 0 : i32
      %dma_start3A_101 = tpu.memref_slice %arg5[%arg0, %mul3A_99, %dma_start3A_100] : memref<2x10240x64xf32, #tpu.memory_space<hbm>> -> memref<1x640x64xf32, #tpu.memory_space<hbm>>
      %dma_start3A_102 = tpu.memref_squeeze %dma_start3A_101 : memref<1x640x64xf32, #tpu.memory_space<hbm>> -> memref<640x64xf32, #tpu.memory_space<hbm>>
      %dma_start3A_103 = arith.constant 0 : i32
      %dma_start3A_104 = tpu.memref_slice %arg12[%mul3A_97, %dma_start3A_103] : memref<10240x64xf32, #tpu.memory_space<vmem_shared>> -> memref<640x64xf32, #tpu.memory_space<vmem_shared>>
      tpu.enqueue_dma source(%dma_start3A_104 : memref<640x64xf32, #tpu.memory_space<vmem_shared>>) target(%dma_start3A_102 : memref<640x64xf32, #tpu.memory_space<hbm>>) target_semaphore(%run_scoped3A : memref<!tpu.dma_semaphore, #tpu.memory_space<semaphore_mem>>)
      %dma_wait3A_105 = arith.constant 0 : i32
      %dma_wait3A_106 = tpu.memref_slice %arg5[%arg0, %mul3A_99, %dma_wait3A_105] : memref<2x10240x64xf32, #tpu.memory_space<hbm>> -> memref<1x640x64xf32, #tpu.memory_space<hbm>>
      %dma_wait3A_107 = tpu.memref_squeeze %dma_wait3A_106 : memref<1x640x64xf32, #tpu.memory_space<hbm>> -> memref<640x64xf32, #tpu.memory_space<hbm>>
      %dma_wait3A_108 = arith.constant 0 : i32
      %dma_wait3A_109 = tpu.memref_slice %arg12[%mul3A_97, %dma_wait3A_108] : memref<10240x64xf32, #tpu.memory_space<vmem_shared>> -> memref<640x64xf32, #tpu.memory_space<vmem_shared>>
      tpu.wait_dma2 semaphore(%run_scoped3A : memref<!tpu.dma_semaphore, #tpu.memory_space<semaphore_mem>>) src(%dma_wait3A_109 : memref<640x64xf32, #tpu.memory_space<vmem_shared>>) dst(%dma_wait3A_107 : memref<640x64xf32, #tpu.memory_space<hbm>>)
      tpu.yield
    }) : () -> ()
    return
  }
}

module attributes {stable_mosaic.version = 14 : i64} {
  func.func @body(%arg0: memref<5000x256xf32, #tpu.memory_space<vmem>>, %arg1: memref<128x64xf32, #tpu.memory_space<vmem>>, %arg2: memref<64xf32, #tpu.memory_space<vmem>>, %arg3: memref<64x64xf32, #tpu.memory_space<vmem>>, %arg4: memref<5000x128xf32, #tpu.memory_space<vmem>>, %arg5: memref<5000x128xf32, #tpu.memory_space<vmem>>) attributes {dimension_semantics = [], scalar_prefetch = 0 : i64, scratch_operands = 0 : i64, tpu.core_type = #tpu.core_type<tc>} {
    %get3A = arith.constant 0 : index
    %get3A_0 = arith.constant 0 : index
    %get3A_1 = vector.load %arg1[%get3A, %get3A_0] : memref<128x64xf32, #tpu.memory_space<vmem>>, vector<128x64xf32>
    %broadcast_in_dim3A = arith.constant 0.000000e+00 : f32
    %broadcast_in_dim3A_2 = vector.broadcast %broadcast_in_dim3A : f32 to vector<128x64xf32>
    %concatenate3A = tpu.concatenate %get3A_1, %broadcast_in_dim3A_2 in 1 : vector<128x64xf32>, vector<128x64xf32> -> vector<128x128xf32>
    %concatenate3A_3 = tpu.concatenate %broadcast_in_dim3A_2, %get3A_1 in 1 : vector<128x64xf32>, vector<128x64xf32> -> vector<128x128xf32>
    %concatenate3A_4 = tpu.concatenate %concatenate3A, %concatenate3A_3 in 0 : vector<128x128xf32>, vector<128x128xf32> -> vector<256x128xf32>
    %get3A_5 = arith.constant 0 : index
    %get3A_6 = vector.load %arg2[%get3A_5] : memref<64xf32, #tpu.memory_space<vmem>>, vector<64xf32>
    %get3A_7 = arith.constant 0 : index
    %get3A_8 = vector.load %arg2[%get3A_7] : memref<64xf32, #tpu.memory_space<vmem>>, vector<64xf32>
    %concatenate3A_9 = tpu.concatenate %get3A_6, %get3A_8 in 0 : vector<64xf32>, vector<64xf32> -> vector<128xf32>
    %get3A_10 = arith.constant 0 : index
    %get3A_11 = arith.constant 0 : index
    %get3A_12 = vector.load %arg0[%get3A_10, %get3A_11] : memref<5000x256xf32, #tpu.memory_space<vmem>>, vector<5000x256xf32>
    %dot_general3A = arith.constant dense<0.000000e+00> : vector<5000x128xf32>
    %dot_general3A_13 = tpu.matmul %get3A_12, %concatenate3A_4, %dot_general3A {dimension_numbers = #tpu.dot_dimension_numbers<[1], [0], [0], [1], [0, 0, 1, 1], [], []>, transpose_lhs_hint = false} : vector<5000x256xf32>, vector<256x128xf32>, vector<5000x128xf32> -> vector<5000x128xf32>
    %broadcast_in_dim3A_14 = vector.shape_cast %concatenate3A_9 : vector<128xf32> to vector<1x128xf32>
    %add3A = vector.broadcast %broadcast_in_dim3A_14 : vector<1x128xf32> to vector<5000x128xf32>
    %add3A_15 = arith.addf %dot_general3A_13, %add3A : vector<5000x128xf32>
    %max3A = arith.constant 0.000000e+00 : f32
    %max3A_16 = vector.broadcast %max3A : f32 to vector<5000x128xf32>
    %max3A_17 = arith.maximumf %add3A_15, %max3A_16 : vector<5000x128xf32>
    %swap3A = arith.constant 0 : index
    %swap3A_18 = arith.constant 0 : index
    %swap3A_19 = vector.load %arg4[%swap3A, %swap3A_18] : memref<5000x128xf32, #tpu.memory_space<vmem>>, vector<5000x128xf32>
    tpu.vector_store %arg4[%swap3A, %swap3A_18], %max3A_17 {strides = array<i32>} : memref<5000x128xf32, #tpu.memory_space<vmem>>, vector<5000x128xf32>,
    %get3A_20 = arith.constant 0 : index
    %get3A_21 = arith.constant 0 : index
    %get3A_22 = vector.load %arg3[%get3A_20, %get3A_21] : memref<64x64xf32, #tpu.memory_space<vmem>>, vector<64x64xf32>
    %broadcast_in_dim3A_23 = arith.constant 0.000000e+00 : f32
    %broadcast_in_dim3A_24 = vector.broadcast %broadcast_in_dim3A_23 : f32 to vector<64x64xf32>
    %concatenate3A_25 = tpu.concatenate %get3A_22, %broadcast_in_dim3A_24 in 1 : vector<64x64xf32>, vector<64x64xf32> -> vector<64x128xf32>
    %concatenate3A_26 = tpu.concatenate %broadcast_in_dim3A_24, %get3A_22 in 1 : vector<64x64xf32>, vector<64x64xf32> -> vector<64x128xf32>
    %concatenate3A_27 = tpu.concatenate %concatenate3A_25, %concatenate3A_26 in 0 : vector<64x128xf32>, vector<64x128xf32> -> vector<128x128xf32>
    %dot_general3A_28 = arith.constant dense<0.000000e+00> : vector<5000x128xf32>
    %dot_general3A_29 = tpu.matmul %max3A_17, %concatenate3A_27, %dot_general3A_28 {dimension_numbers = #tpu.dot_dimension_numbers<[1], [0], [0], [1], [0, 0, 1, 1], [], []>, transpose_lhs_hint = false} : vector<5000x128xf32>, vector<128x128xf32>, vector<5000x128xf32> -> vector<5000x128xf32>
    %swap3A_30 = arith.constant 0 : index
    %swap3A_31 = arith.constant 0 : index
    %swap3A_32 = vector.load %arg5[%swap3A_30, %swap3A_31] : memref<5000x128xf32, #tpu.memory_space<vmem>>, vector<5000x128xf32>
    tpu.vector_store %arg5[%swap3A_30, %swap3A_31], %dot_general3A_29 {strides = array<i32>} : memref<5000x128xf32, #tpu.memory_space<vmem>>, vector<5000x128xf32>,
    return
  }
}

module attributes {stable_mosaic.version = 14 : i64} {
  func.func @body(%arg0: memref<32x10000xf32, #tpu.memory_space<vmem>>, %arg1: memref<10000xf32, #tpu.memory_space<vmem>>) attributes {dimension_semantics = [], scalar_prefetch = 0 : i64, scratch_operands = 0 : i64, tpu.core_type = #tpu.core_type<tc>} {
    %get3A = arith.constant 0 : index
    %get3A_0 = arith.constant 0 : index
    %get3A_1 = vector.load %arg0[%get3A, %get3A_0] : memref<32x10000xf32, #tpu.memory_space<vmem>>, vector<32x10000xf32>
    %reduce_sum3A = arith.constant dense<0.000000e+00> : vector<10000xf32>
    %reduce_sum3A_2 = vector.multi_reduction <add>, %get3A_1, %reduce_sum3A [0] : vector<32x10000xf32> to vector<10000xf32>
    %add3A = arith.constant 1.000000e+00 : f32
    %add3A_3 = vector.broadcast %add3A : f32 to vector<10000xf32>
    %add3A_4 = arith.addf %reduce_sum3A_2, %add3A_3 : vector<10000xf32>
    %rsqrt3A = math.rsqrt %add3A_4 : vector<10000xf32>
    %swap3A = arith.constant 0 : index
    %swap3A_5 = vector.load %arg1[%swap3A] : memref<10000xf32, #tpu.memory_space<vmem>>, vector<10000xf32>
    tpu.vector_store %arg1[%swap3A], %rsqrt3A {strides = array<i32>} : memref<10000xf32, #tpu.memory_space<vmem>>, vector<10000xf32>,
    return
  }
}

module attributes {stable_mosaic.version = 14 : i64} {
  func.func @body(%arg0: memref<2x5120x128xf32, #tpu.memory_space<vmem>>, %arg1: memref<5000x128xf32, #tpu.memory_space<vmem>>, %arg2: memref<64xf32, #tpu.memory_space<vmem>>, %arg3: memref<64x64xf32, #tpu.memory_space<vmem>>, %arg4: memref<5000x128xf32, #tpu.memory_space<vmem>>, %arg5: memref<5000x128xf32, #tpu.memory_space<vmem>>, %arg6: memref<5000x128xf32, #tpu.memory_space<vmem>>) attributes {dimension_semantics = [], scalar_prefetch = 0 : i64, scratch_operands = 0 : i64, tpu.core_type = #tpu.core_type<tc>} {
    %get3A = arith.constant 0 : index
    %get3A_0 = arith.constant 0 : index
    %get3A_1 = vector.load %arg4[%get3A, %get3A_0] : memref<5000x128xf32, #tpu.memory_space<vmem>>, vector<5000x128xf32>
    %get3A_2 = arith.constant 0 : index
    %get3A_3 = arith.constant 0 : index
    %get3A_4 = arith.constant 0 : index
    %get3A_5 = vector.load %arg0[%get3A_2, %get3A_3, %get3A_4] : memref<2x5120x128xf32, #tpu.memory_space<vmem>>, vector<1x5120x128xf32>
    %get3A_6 = vector.shape_cast %get3A_5 : vector<1x5120x128xf32> to vector<5120x128xf32>
    %get3A_7 = arith.constant 1 : index
    %get3A_8 = arith.constant 0 : index
    %get3A_9 = arith.constant 0 : index
    %get3A_10 = vector.load %arg0[%get3A_7, %get3A_8, %get3A_9] : memref<2x5120x128xf32, #tpu.memory_space<vmem>>, vector<1x5120x128xf32>
    %get3A_11 = vector.shape_cast %get3A_10 : vector<1x5120x128xf32> to vector<5120x128xf32>
    %add3A = arith.addf %get3A_6, %get3A_11 : vector<5120x128xf32>
    %slice3A = vector.extract_strided_slice %add3A {offsets = [0, 0], sizes = [5000, 128], strides = [1, 1]} : vector<5120x128xf32> to vector<5000x128xf32>
    %get3A_12 = arith.constant 0 : index
    %get3A_13 = arith.constant 0 : index
    %get3A_14 = vector.load %arg1[%get3A_12, %get3A_13] : memref<5000x128xf32, #tpu.memory_space<vmem>>, vector<5000x128xf32>
    %add3A_15 = arith.addf %slice3A, %get3A_14 : vector<5000x128xf32>
    %get3A_16 = arith.constant 0 : index
    %get3A_17 = vector.load %arg2[%get3A_16] : memref<64xf32, #tpu.memory_space<vmem>>, vector<64xf32>
    %get3A_18 = arith.constant 0 : index
    %get3A_19 = vector.load %arg2[%get3A_18] : memref<64xf32, #tpu.memory_space<vmem>>, vector<64xf32>
    %concatenate3A = tpu.concatenate %get3A_17, %get3A_19 in 0 : vector<64xf32>, vector<64xf32> -> vector<128xf32>
    %mul3A = arith.mulf %get3A_1, %add3A_15 : vector<5000x128xf32>
    %broadcast_in_dim3A = vector.shape_cast %concatenate3A : vector<128xf32> to vector<1x128xf32>
    %add3A_20 = vector.broadcast %broadcast_in_dim3A : vector<1x128xf32> to vector<5000x128xf32>
    %add3A_21 = arith.addf %mul3A, %add3A_20 : vector<5000x128xf32>
    %max3A = arith.constant 0.000000e+00 : f32
    %max3A_22 = vector.broadcast %max3A : f32 to vector<5000x128xf32>
    %max3A_23 = arith.maximumf %add3A_21, %max3A_22 : vector<5000x128xf32>
    %get3A_24 = arith.constant 0 : index
    %get3A_25 = arith.constant 0 : index
    %get3A_26 = vector.load %arg3[%get3A_24, %get3A_25] : memref<64x64xf32, #tpu.memory_space<vmem>>, vector<64x64xf32>
    %broadcast_in_dim3A_27 = arith.constant 0.000000e+00 : f32
    %broadcast_in_dim3A_28 = vector.broadcast %broadcast_in_dim3A_27 : f32 to vector<64x64xf32>
    %concatenate3A_29 = tpu.concatenate %get3A_26, %broadcast_in_dim3A_28 in 1 : vector<64x64xf32>, vector<64x64xf32> -> vector<64x128xf32>
    %concatenate3A_30 = tpu.concatenate %broadcast_in_dim3A_28, %get3A_26 in 1 : vector<64x64xf32>, vector<64x64xf32> -> vector<64x128xf32>
    %concatenate3A_31 = tpu.concatenate %concatenate3A_29, %concatenate3A_30 in 0 : vector<64x128xf32>, vector<64x128xf32> -> vector<128x128xf32>
    %dot_general3A = arith.constant dense<0.000000e+00> : vector<5000x128xf32>
    %dot_general3A_32 = tpu.matmul %max3A_23, %concatenate3A_31, %dot_general3A {dimension_numbers = #tpu.dot_dimension_numbers<[1], [0], [0], [1], [0, 0, 1, 1], [], []>, transpose_lhs_hint = false} : vector<5000x128xf32>, vector<128x128xf32>, vector<5000x128xf32> -> vector<5000x128xf32>
    %mul3A_33 = arith.mulf %dot_general3A_32, %get3A_1 : vector<5000x128xf32>
    %swap3A = arith.constant 0 : index
    %swap3A_34 = arith.constant 0 : index
    %swap3A_35 = vector.load %arg5[%swap3A, %swap3A_34] : memref<5000x128xf32, #tpu.memory_space<vmem>>, vector<5000x128xf32>
    tpu.vector_store %arg5[%swap3A, %swap3A_34], %max3A_23 {strides = array<i32>} : memref<5000x128xf32, #tpu.memory_space<vmem>>, vector<5000x128xf32>,
    %swap3A_36 = arith.constant 0 : index
    %swap3A_37 = arith.constant 0 : index
    %swap3A_38 = vector.load %arg6[%swap3A_36, %swap3A_37] : memref<5000x128xf32, #tpu.memory_space<vmem>>, vector<5000x128xf32>
    tpu.vector_store %arg6[%swap3A_36, %swap3A_37], %mul3A_33 {strides = array<i32>} : memref<5000x128xf32, #tpu.memory_space<vmem>>, vector<5000x128xf32>,
    return
  }
}

module attributes {stable_mosaic.version = 14 : i64} {
  func.func @body(%arg0: memref<2x5120x128xf32, #tpu.memory_space<vmem>>, %arg1: memref<5000x128xf32, #tpu.memory_space<vmem>>, %arg2: memref<64xf32, #tpu.memory_space<vmem>>, %arg3: memref<64x64xf32, #tpu.memory_space<vmem>>, %arg4: memref<5000x128xf32, #tpu.memory_space<vmem>>, %arg5: memref<5000x128xf32, #tpu.memory_space<vmem>>, %arg6: memref<5000x128xf32, #tpu.memory_space<vmem>>, %arg7: memref<5000x128xf32, #tpu.memory_space<vmem>>) attributes {dimension_semantics = [], scalar_prefetch = 0 : i64, scratch_operands = 0 : i64, tpu.core_type = #tpu.core_type<tc>} {
    %get3A = arith.constant 0 : index
    %get3A_0 = arith.constant 0 : index
    %get3A_1 = vector.load %arg4[%get3A, %get3A_0] : memref<5000x128xf32, #tpu.memory_space<vmem>>, vector<5000x128xf32>
    %get3A_2 = arith.constant 0 : index
    %get3A_3 = arith.constant 0 : index
    %get3A_4 = arith.constant 0 : index
    %get3A_5 = vector.load %arg0[%get3A_2, %get3A_3, %get3A_4] : memref<2x5120x128xf32, #tpu.memory_space<vmem>>, vector<1x5120x128xf32>
    %get3A_6 = vector.shape_cast %get3A_5 : vector<1x5120x128xf32> to vector<5120x128xf32>
    %get3A_7 = arith.constant 1 : index
    %get3A_8 = arith.constant 0 : index
    %get3A_9 = arith.constant 0 : index
    %get3A_10 = vector.load %arg0[%get3A_7, %get3A_8, %get3A_9] : memref<2x5120x128xf32, #tpu.memory_space<vmem>>, vector<1x5120x128xf32>
    %get3A_11 = vector.shape_cast %get3A_10 : vector<1x5120x128xf32> to vector<5120x128xf32>
    %add3A = arith.addf %get3A_6, %get3A_11 : vector<5120x128xf32>
    %slice3A = vector.extract_strided_slice %add3A {offsets = [0, 0], sizes = [5000, 128], strides = [1, 1]} : vector<5120x128xf32> to vector<5000x128xf32>
    %get3A_12 = arith.constant 0 : index
    %get3A_13 = arith.constant 0 : index
    %get3A_14 = vector.load %arg1[%get3A_12, %get3A_13] : memref<5000x128xf32, #tpu.memory_space<vmem>>, vector<5000x128xf32>
    %add3A_15 = arith.addf %slice3A, %get3A_14 : vector<5000x128xf32>
    %get3A_16 = arith.constant 0 : index
    %get3A_17 = vector.load %arg2[%get3A_16] : memref<64xf32, #tpu.memory_space<vmem>>, vector<64xf32>
    %get3A_18 = arith.constant 0 : index
    %get3A_19 = vector.load %arg2[%get3A_18] : memref<64xf32, #tpu.memory_space<vmem>>, vector<64xf32>
    %concatenate3A = tpu.concatenate %get3A_17, %get3A_19 in 0 : vector<64xf32>, vector<64xf32> -> vector<128xf32>
    %mul3A = arith.mulf %get3A_1, %add3A_15 : vector<5000x128xf32>
    %broadcast_in_dim3A = vector.shape_cast %concatenate3A : vector<128xf32> to vector<1x128xf32>
    %add3A_20 = vector.broadcast %broadcast_in_dim3A : vector<1x128xf32> to vector<5000x128xf32>
    %add3A_21 = arith.addf %mul3A, %add3A_20 : vector<5000x128xf32>
    %max3A = arith.constant 0.000000e+00 : f32
    %max3A_22 = vector.broadcast %max3A : f32 to vector<5000x128xf32>
    %max3A_23 = arith.maximumf %add3A_21, %max3A_22 : vector<5000x128xf32>
    %get3A_24 = arith.constant 0 : index
    %get3A_25 = arith.constant 0 : index
    %get3A_26 = vector.load %arg5[%get3A_24, %get3A_25] : memref<5000x128xf32, #tpu.memory_space<vmem>>, vector<5000x128xf32>
    %add3A_27 = arith.addf %get3A_26, %max3A_23 : vector<5000x128xf32>
    %get3A_28 = arith.constant 0 : index
    %get3A_29 = arith.constant 0 : index
    %get3A_30 = vector.load %arg3[%get3A_28, %get3A_29] : memref<64x64xf32, #tpu.memory_space<vmem>>, vector<64x64xf32>
    %broadcast_in_dim3A_31 = arith.constant 0.000000e+00 : f32
    %broadcast_in_dim3A_32 = vector.broadcast %broadcast_in_dim3A_31 : f32 to vector<64x64xf32>
    %concatenate3A_33 = tpu.concatenate %get3A_30, %broadcast_in_dim3A_32 in 1 : vector<64x64xf32>, vector<64x64xf32> -> vector<64x128xf32>
    %concatenate3A_34 = tpu.concatenate %broadcast_in_dim3A_32, %get3A_30 in 1 : vector<64x64xf32>, vector<64x64xf32> -> vector<64x128xf32>
    %concatenate3A_35 = tpu.concatenate %concatenate3A_33, %concatenate3A_34 in 0 : vector<64x128xf32>, vector<64x128xf32> -> vector<128x128xf32>
    %dot_general3A = arith.constant dense<0.000000e+00> : vector<5000x128xf32>
    %dot_general3A_36 = tpu.matmul %add3A_27, %concatenate3A_35, %dot_general3A {dimension_numbers = #tpu.dot_dimension_numbers<[1], [0], [0], [1], [0, 0, 1, 1], [], []>, transpose_lhs_hint = false} : vector<5000x128xf32>, vector<128x128xf32>, vector<5000x128xf32> -> vector<5000x128xf32>
    %mul3A_37 = arith.mulf %dot_general3A_36, %get3A_1 : vector<5000x128xf32>
    %swap3A = arith.constant 0 : index
    %swap3A_38 = arith.constant 0 : index
    %swap3A_39 = vector.load %arg6[%swap3A, %swap3A_38] : memref<5000x128xf32, #tpu.memory_space<vmem>>, vector<5000x128xf32>
    tpu.vector_store %arg6[%swap3A, %swap3A_38], %add3A_27 {strides = array<i32>} : memref<5000x128xf32, #tpu.memory_space<vmem>>, vector<5000x128xf32>,
    %swap3A_40 = arith.constant 0 : index
    %swap3A_41 = arith.constant 0 : index
    %swap3A_42 = vector.load %arg7[%swap3A_40, %swap3A_41] : memref<5000x128xf32, #tpu.memory_space<vmem>>, vector<5000x128xf32>
    tpu.vector_store %arg7[%swap3A_40, %swap3A_41], %mul3A_37 {strides = array<i32>} : memref<5000x128xf32, #tpu.memory_space<vmem>>, vector<5000x128xf32>,
    return
  }
}

module attributes {stable_mosaic.version = 14 : i64} {
  func.func @body(%arg0: memref<2x5120x128xf32, #tpu.memory_space<vmem>>, %arg1: memref<5000x128xf32, #tpu.memory_space<vmem>>, %arg2: memref<64xf32, #tpu.memory_space<vmem>>, %arg3: memref<5000x128xf32, #tpu.memory_space<vmem>>, %arg4: memref<5000x128xf32, #tpu.memory_space<vmem>>, %arg5: memref<5000xi32, #tpu.memory_space<vmem>>, %arg6: memref<5000xi32, #tpu.memory_space<vmem>>, %arg7: memref<64x32xf32, #tpu.memory_space<vmem>>, %arg8: memref<32xf32, #tpu.memory_space<vmem>>, %arg9: memref<32x16xf32, #tpu.memory_space<vmem>>, %arg10: memref<16xf32, #tpu.memory_space<vmem>>, %arg11: memref<64x16xf32, #tpu.memory_space<vmem>>) attributes {dimension_semantics = [], scalar_prefetch = 0 : i64, scratch_operands = 0 : i64, tpu.core_type = #tpu.core_type<tc>} {
    %get3A = arith.constant 0 : index
    %get3A_0 = arith.constant 0 : index
    %get3A_1 = vector.load %arg4[%get3A, %get3A_0] : memref<5000x128xf32, #tpu.memory_space<vmem>>, vector<5000x128xf32>
    %get3A_2 = arith.constant 0 : index
    %get3A_3 = arith.constant 0 : index
    %get3A_4 = arith.constant 0 : index
    %get3A_5 = vector.load %arg0[%get3A_2, %get3A_3, %get3A_4] : memref<2x5120x128xf32, #tpu.memory_space<vmem>>, vector<1x5120x128xf32>
    %get3A_6 = vector.shape_cast %get3A_5 : vector<1x5120x128xf32> to vector<5120x128xf32>
    %get3A_7 = arith.constant 1 : index
    %get3A_8 = arith.constant 0 : index
    %get3A_9 = arith.constant 0 : index
    %get3A_10 = vector.load %arg0[%get3A_7, %get3A_8, %get3A_9] : memref<2x5120x128xf32, #tpu.memory_space<vmem>>, vector<1x5120x128xf32>
    %get3A_11 = vector.shape_cast %get3A_10 : vector<1x5120x128xf32> to vector<5120x128xf32>
    %add3A = arith.addf %get3A_6, %get3A_11 : vector<5120x128xf32>
    %slice3A = vector.extract_strided_slice %add3A {offsets = [0, 0], sizes = [5000, 128], strides = [1, 1]} : vector<5120x128xf32> to vector<5000x128xf32>
    %get3A_12 = arith.constant 0 : index
    %get3A_13 = arith.constant 0 : index
    %get3A_14 = vector.load %arg1[%get3A_12, %get3A_13] : memref<5000x128xf32, #tpu.memory_space<vmem>>, vector<5000x128xf32>
    %add3A_15 = arith.addf %slice3A, %get3A_14 : vector<5000x128xf32>
    %get3A_16 = arith.constant 0 : index
    %get3A_17 = vector.load %arg2[%get3A_16] : memref<64xf32, #tpu.memory_space<vmem>>, vector<64xf32>
    %get3A_18 = arith.constant 0 : index
    %get3A_19 = vector.load %arg2[%get3A_18] : memref<64xf32, #tpu.memory_space<vmem>>, vector<64xf32>
    %concatenate3A = tpu.concatenate %get3A_17, %get3A_19 in 0 : vector<64xf32>, vector<64xf32> -> vector<128xf32>
    %get3A_20 = arith.constant 0 : index
    %get3A_21 = arith.constant 0 : index
    %get3A_22 = vector.load %arg3[%get3A_20, %get3A_21] : memref<5000x128xf32, #tpu.memory_space<vmem>>, vector<5000x128xf32>
    %mul3A = arith.mulf %get3A_1, %add3A_15 : vector<5000x128xf32>
    %broadcast_in_dim3A = vector.shape_cast %concatenate3A : vector<128xf32> to vector<1x128xf32>
    %add3A_23 = vector.broadcast %broadcast_in_dim3A : vector<1x128xf32> to vector<5000x128xf32>
    %add3A_24 = arith.addf %mul3A, %add3A_23 : vector<5000x128xf32>
    %max3A = arith.constant 0.000000e+00 : f32
    %max3A_25 = vector.broadcast %max3A : f32 to vector<5000x128xf32>
    %max3A_26 = arith.maximumf %add3A_24, %max3A_25 : vector<5000x128xf32>
    %add3A_27 = arith.addf %get3A_22, %max3A_26 : vector<5000x128xf32>
    %iota3A = tpu.iota {dimensions = array<i32: 1>} : vector<5000x64xi32>
    %get3A_28 = arith.constant 0 : index
    %get3A_29 = vector.load %arg5[%get3A_28] : memref<5000xi32, #tpu.memory_space<vmem>>, vector<5000xi32>
    %broadcast_in_dim3A_30 = vector.shape_cast %get3A_29 : vector<5000xi32> to vector<5000x1xi32>
    %eq3A = vector.broadcast %broadcast_in_dim3A_30 : vector<5000x1xi32> to vector<5000x64xi32>
    %eq3A_31 = arith.cmpi eq, %eq3A, %iota3A : vector<5000x64xi32>
    %convert_element_type3A = arith.extui %eq3A_31 : vector<5000x64xi1> to vector<5000x64xi32>
    %convert_element_type3A_32 = arith.sitofp %convert_element_type3A : vector<5000x64xi32> to vector<5000x64xf32>
    %get3A_33 = arith.constant 0 : index
    %get3A_34 = vector.load %arg6[%get3A_33] : memref<5000xi32, #tpu.memory_space<vmem>>, vector<5000xi32>
    %broadcast_in_dim3A_35 = vector.shape_cast %get3A_34 : vector<5000xi32> to vector<5000x1xi32>
    %eq3A_36 = vector.broadcast %broadcast_in_dim3A_35 : vector<5000x1xi32> to vector<5000x64xi32>
    %eq3A_37 = arith.cmpi eq, %eq3A_36, %iota3A : vector<5000x64xi32>
    %convert_element_type3A_38 = arith.extui %eq3A_37 : vector<5000x64xi1> to vector<5000x64xi32>
    %convert_element_type3A_39 = arith.sitofp %convert_element_type3A_38 : vector<5000x64xi32> to vector<5000x64xf32>
    %slice3A_40 = vector.extract_strided_slice %add3A_27 {offsets = [0, 0], sizes = [5000, 64], strides = [1, 1]} : vector<5000x128xf32> to vector<5000x64xf32>
    %dot_general3A = arith.constant dense<0.000000e+00> : vector<64x64xf32>
    %dot_general3A_41 = tpu.matmul %convert_element_type3A_32, %slice3A_40, %dot_general3A {dimension_numbers = #tpu.dot_dimension_numbers<[0], [0], [1], [1], [0, 1, 1, 1], [], []>, transpose_lhs_hint = false} : vector<5000x64xf32>, vector<5000x64xf32>, vector<64x64xf32> -> vector<64x64xf32>
    %slice3A_42 = vector.extract_strided_slice %add3A_27 {offsets = [0, 64], sizes = [5000, 64], strides = [1, 1]} : vector<5000x128xf32> to vector<5000x64xf32>
    %dot_general3A_43 = arith.constant dense<0.000000e+00> : vector<64x64xf32>
    %dot_general3A_44 = tpu.matmul %convert_element_type3A_39, %slice3A_42, %dot_general3A_43 {dimension_numbers = #tpu.dot_dimension_numbers<[0], [0], [1], [1], [0, 1, 1, 1], [], []>, transpose_lhs_hint = false} : vector<5000x64xf32>, vector<5000x64xf32>, vector<64x64xf32> -> vector<64x64xf32>
    %add3A_45 = arith.addf %dot_general3A_41, %dot_general3A_44 : vector<64x64xf32>
    %reduce_sum3A = arith.constant dense<0.000000e+00> : vector<64xf32>
    %reduce_sum3A_46 = vector.multi_reduction <add>, %convert_element_type3A_32, %reduce_sum3A [0] : vector<5000x64xf32> to vector<64xf32>
    %reduce_sum3A_47 = arith.constant dense<0.000000e+00> : vector<64xf32>
    %reduce_sum3A_48 = vector.multi_reduction <add>, %convert_element_type3A_39, %reduce_sum3A_47 [0] : vector<5000x64xf32> to vector<64xf32>
    %add3A_49 = arith.addf %reduce_sum3A_46, %reduce_sum3A_48 : vector<64xf32>
    %max3A_50 = arith.constant 1.000000e+00 : f32
    %max3A_51 = vector.broadcast %max3A_50 : f32 to vector<64xf32>
    %max3A_52 = arith.maximumf %add3A_49, %max3A_51 : vector<64xf32>
    %broadcast_in_dim3A_53 = vector.shape_cast %max3A_52 : vector<64xf32> to vector<64x1xf32>
    %div3A = vector.broadcast %broadcast_in_dim3A_53 : vector<64x1xf32> to vector<64x64xf32>
    %div3A_54 = arith.divf %add3A_45, %div3A : vector<64x64xf32>
    %get3A_55 = arith.constant 0 : index
    %get3A_56 = arith.constant 0 : index
    %get3A_57 = vector.load %arg7[%get3A_55, %get3A_56] : memref<64x32xf32, #tpu.memory_space<vmem>>, vector<64x32xf32>
    %dot_general3A_58 = arith.constant dense<0.000000e+00> : vector<64x32xf32>
    %dot_general3A_59 = tpu.matmul %div3A_54, %get3A_57, %dot_general3A_58 {dimension_numbers = #tpu.dot_dimension_numbers<[1], [0], [0], [1], [0, 0, 1, 1], [], []>, transpose_lhs_hint = false} : vector<64x64xf32>, vector<64x32xf32>, vector<64x32xf32> -> vector<64x32xf32>
    %get3A_60 = arith.constant 0 : index
    %get3A_61 = vector.load %arg8[%get3A_60] : memref<32xf32, #tpu.memory_space<vmem>>, vector<32xf32>
    %broadcast_in_dim3A_62 = vector.shape_cast %get3A_61 : vector<32xf32> to vector<1x32xf32>
    %add3A_63 = vector.broadcast %broadcast_in_dim3A_62 : vector<1x32xf32> to vector<64x32xf32>
    %add3A_64 = arith.addf %dot_general3A_59, %add3A_63 : vector<64x32xf32>
    %max3A_65 = arith.constant 0.000000e+00 : f32
    %max3A_66 = vector.broadcast %max3A_65 : f32 to vector<64x32xf32>
    %max3A_67 = arith.maximumf %add3A_64, %max3A_66 : vector<64x32xf32>
    %get3A_68 = arith.constant 0 : index
    %get3A_69 = arith.constant 0 : index
    %get3A_70 = vector.load %arg9[%get3A_68, %get3A_69] : memref<32x16xf32, #tpu.memory_space<vmem>>, vector<32x16xf32>
    %dot_general3A_71 = arith.constant dense<0.000000e+00> : vector<64x16xf32>
    %dot_general3A_72 = tpu.matmul %max3A_67, %get3A_70, %dot_general3A_71 {dimension_numbers = #tpu.dot_dimension_numbers<[1], [0], [0], [1], [0, 0, 1, 1], [], []>, transpose_lhs_hint = false} : vector<64x32xf32>, vector<32x16xf32>, vector<64x16xf32> -> vector<64x16xf32>
    %get3A_73 = arith.constant 0 : index
    %get3A_74 = vector.load %arg10[%get3A_73] : memref<16xf32, #tpu.memory_space<vmem>>, vector<16xf32>
    %broadcast_in_dim3A_75 = vector.shape_cast %get3A_74 : vector<16xf32> to vector<1x16xf32>
    %add3A_76 = vector.broadcast %broadcast_in_dim3A_75 : vector<1x16xf32> to vector<64x16xf32>
    %add3A_77 = arith.addf %dot_general3A_72, %add3A_76 : vector<64x16xf32>
    %swap3A = arith.constant 0 : index
    %swap3A_78 = arith.constant 0 : index
    %swap3A_79 = vector.load %arg11[%swap3A, %swap3A_78] : memref<64x16xf32, #tpu.memory_space<vmem>>, vector<64x16xf32>
    tpu.vector_store %arg11[%swap3A, %swap3A_78], %add3A_77 {strides = array<i32>} : memref<64x16xf32, #tpu.memory_space<vmem>>, vector<64x16xf32>,
    return
  }
}

</mosaic_0001>

<sc_bundles>
// kernel: kernel.11.cloned.1.call-start
scs
__scs_entry_jumppad:
0x0: {  	(pc) =	sbr.rel $0x88, $3  }
0x1: {  	(tag) =	ssettag $0x0;
	lr =	simm.s32 $0x1  }
0x2: {  	[smem:$0x3F92] =	sst lr;
	_ =	strace $0xD0000000  }
0x3: {  	_ = 	snop  }
0x4: {  	_ = 	snop  }
0x5: {  	_ = 	snop  }
0x6: {  	_ = 	snop  }
0x7: {  	_ = 	snop  }
__scs_overlays_trampoline_lowered:
0x8: {  	[smem:$0x3FA1] =	sst s0  }
0x9: {  	[smem:$0x3FA2] =	sst s1  }
0xa: {  	[smem:$0x3FA3] =	sst s2  }
0xb: {  	[smem:$0x3FA4] =	sst s3  }
0xc: {  	[smem:$0x3FA5] =	sst s4  }
0xd: {  	[smem:$0x3FA6] =	sst s5  }
0xe: {  	[smem:$0x3FA7] =	sst s6  }
0xf: {  	[smem:$0x3FA8] =	sst s7  }
0x10: {  	[smem:$0x3FA9] =	sst s8  }
0x11: {  	[smem:$0x3FAA] =	sst s9;
	s0 =	simm.s32 @!p0 $0x0  }
0x12: {  	s1 =	sld [smem:$0x3F90];
	s0 =	simm.s32 @p0 $0x1  }
0x13: {  	[smem:$0x3FAB] =	sst s0;
	s0 =	simm.s32 @!p1 $0x0  }
0x14: {  	s2 =	sld [smem:$0x3F8F];
	s0 =	simm.s32 @p1 $0x1  }
0x15: {  	[smem:$0x3FAC] =	sst s0;
	s0 =	simm.s32 @!p2 $0x0  }
0x16: {  	s3 =	sld [smem:$0x3FDB];
	s0 =	simm.s32 @p2 $0x1  }
0x17: {  	s4 =	simm.s32 $0x1BF5;
	[smem:$0x3FAE] =	sst s0  }
0x18: {  	s0 =	sld [smem:$0x3F91];
	_ =	swait.ge [sflag:s4], $0x0  }
0x19: {  	s7 =	sld [smem:$0x3F92]  }
0x1a: {  	s8 =	sadd.s32 $0xFFFFE003, lr  }
0x1b: {  	s9 =	sadd.s32 $0xFFFFFEF7, lr;
	s5 =	simm.s32 $0xFFFFFFFF;
	p2 =	slt.u32 s8, $0xFFFFF086  }
0x1c: {  	p1 =	slt.u32 s9, $0xF7A;
	s5 =	simm.s32 @!p2 $0x0  }
0x1d: {  	s5 =	simm.s32 @p1 $0x1;
	p0 =	seq.s32 s7, s2  }
0x1e: {  	s7 =	smul.u32 @!p0 $0xF7A, s2;
	p2 =	seq.s32 @!p0 s5, $0x0  }
0x1f: {  	s9 =	smul.u32 $0xF7A, s1;
	s8 =	simm.s32 @!p0 $0x1BF5;
	p2 =	por !p2, p0  }
0x20: {  	[sflag:s8] =	ssyncset.s32 @!p0 $0xFFFFF086;
	s6 =	sadd.s32 @!p0 s3, s7;
	s7 =	simm.s32 @!p0 $0x108  }
0x21: {  	s3 =	sadd.s32 s3, s9;
	s6 =	sadd.s32 @!p0 $0x88, s6;
	s7 =	simm.s32 @p2 $0x1082  }
0x22: {  	[simem:s7], [sflag:s8] =	dma.local @!p0 [hbm:s6], $0xF7A  }
0x23: {  	s9 =	sor.u32 $0xD0000000, s2;
	s6 =	simm.s32 $0x108;
	_ =	swait.ge @!p0 [sflag:s8], $0x0  }
0x24: {  	s3 =	sadd.s32 $0x88, s3;
	s6 =	simm.s32 @!p1 $0x1082;
	[sflag:s4] =	ssyncset.s32 $0xFFFFF086  }
0x25: {  	[simem:s6], [sflag:s4] =	dma.local [hbm:s3], $0xF7A  }
0x26: {  	[smem:$0x3F92] =	sst s1;
	(tag) =	ssettag s2;
	_ =	strace s9  }
0x27: {  	s1 =	sld [smem:$0x3FA2]  }
0x28: {  	s2 =	sld [smem:$0x3FA3]  }
0x29: {  	s4 =	sld [smem:$0x3FA5]  }
0x2a: {  	p0 =	seq.s32 s5, $0x0;
	s5 =	sld [smem:$0x3FA6]  }
0x2b: {  	s6 =	sld [smem:$0x3FA7]  }
0x2c: {  	s7 =	sld [smem:$0x3FA8]  }
0x2d: {  	s3 =	simm.s32 $0x108;
	s8 =	sld [smem:$0x3FA9]  }
0x2e: {  	s3 =	simm.s32 @!p0 $0x1082;
	s9 =	sld [smem:$0x3FAA]  }
0x2f: {  	lr =	sadd.s32 s0, s3;
	s0 =	sld [smem:$0x3FA1]  }
0x30: {  	s3 =	sld [smem:$0x3FA4]  }
0x31: {  	[smem:$0x3FAD] =	sst s10  }
0x32: {  	s10 =	sld [smem:$0x3FAB];
	_ =	sdelay $0x3  }
0x33: {  	p0 =	seq.s32 s10, $0x1;
	s10 =	sld [smem:$0x3FAD];
	_ =	sdelay $0x3  }
0x34: {  	[smem:$0x3FAD] =	sst s10  }
0x35: {  	s10 =	sld [smem:$0x3FAC];
	_ =	sdelay $0x3  }
0x36: {  	p1 =	seq.s32 s10, $0x1;
	s10 =	sld [smem:$0x3FAD];
	_ =	sdelay $0x3  }
0x37: {  	[smem:$0x3FAD] =	sst s10  }
0x38: {  	s10 =	sld [smem:$0x3FAE]  }
0x39: {  	_ = 	snop;
	(pc) =	sbr.ind lr, $3  }
0x3a: {  	_ = 	snop  }
0x3b: {  	_ = 	snop  }
0x3c: {  	p2 =	seq.s32 s10, $0x1;
	s10 =	sld [smem:$0x3FAD]  }
0x3d: {  	_ =	shalt  }
0x3e: {  	_ =	shalt  }
0x3f: {  	_ =	shalt  }
0x40: {  	_ =	shalt  }
0x41: {  	_ =	shalt  }
0x42: {  	_ =	shalt  }
0x43: {  	_ =	shalt  }
0x44: {  	_ =	shalt  }
0x45: {  	_ =	shalt  }
0x46: {  	_ =	shalt  }
0x47: {  	_ =	shalt  }
0x48: {  	_ =	shalt  }
0x49: {  	_ =	shalt  }
0x4a: {  	_ =	shalt  }
0x4b: {  	_ =	shalt  }
0x4c: {  	_ =	shalt  }
0x4d: {  	_ =	shalt  }
0x4e: {  	_ =	shalt  }
0x4f: {  	_ =	shalt  }
0x50: {  	_ =	shalt  }
0x51: {  	_ =	shalt  }
0x52: {  	_ =	shalt  }
0x53: {  	_ =	shalt  }
0x54: {  	_ =	shalt  }
0x55: {  	_ =	shalt  }
0x56: {  	_ =	shalt  }
0x57: {  	_ =	shalt  }
0x58: {  	_ =	shalt  }
0x59: {  	_ =	shalt  }
0x5a: {  	_ =	shalt  }
0x5b: {  	_ =	shalt  }
0x5c: {  	_ =	shalt  }
0x5d: {  	_ =	shalt  }
0x5e: {  	_ =	shalt  }
0x5f: {  	_ =	shalt  }
0x60: {  	_ =	shalt  }
0x61: {  	_ =	shalt  }
0x62: {  	_ =	shalt  }
0x63: {  	_ =	shalt  }
0x64: {  	_ =	shalt  }
0x65: {  	_ =	shalt  }
0x66: {  	_ =	shalt  }
0x67: {  	_ =	shalt  }
0x68: {  	_ =	shalt  }
0x69: {  	_ =	shalt  }
0x6a: {  	_ =	shalt  }
0x6b: {  	_ =	shalt  }
0x6c: {  	_ =	shalt  }
0x6d: {  	_ =	shalt  }
0x6e: {  	_ =	shalt  }
0x6f: {  	_ =	shalt  }
0x70: {  	_ =	shalt  }
0x71: {  	_ =	shalt  }
0x72: {  	_ =	shalt  }
0x73: {  	_ =	shalt  }
0x74: {  	_ =	shalt  }
0x75: {  	_ =	shalt  }
0x76: {  	_ =	shalt  }
0x77: {  	_ =	shalt  }
0x78: {  	_ =	shalt  }
0x79: {  	_ =	shalt  }
0x7a: {  	_ =	shalt  }
0x7b: {  	_ =	shalt  }
0x7c: {  	_ =	shalt  }
0x7d: {  	_ =	shalt  }
0x7e: {  	_ =	shalt  }
0x7f: {  	_ =	shalt  }
0x80: {  	_ =	shalt  }
0x81: {  	_ =	shalt  }
0x82: {  	_ =	shalt  }
0x83: {  	_ =	shalt  }
0x84: {  	_ =	shalt  }
0x85: {  	_ =	shalt  }
0x86: {  	_ =	shalt  }
0x87: {  	_ =	shalt  }
.Lfunc_end0:
.L_simem_size_0:
called_computation_lowered:
.L_overlay_start_0:
0x88: {  	s2 =	sld [smem:$0x3FD9]  }
0x89: {  	s3 =	sld [smem:$0x3FFE];
	_ =	sdelay $0x1  }
0x8a: {  	s1 =	srdreg.scid  }
0x8b: {  	s0 =	sand.u32 $0x1, s1  }
0x8c: {  	s16 =	sshll.u32 s0, $0xA;
	s2 =	sadd.s32 s3, s2  }
0x8d: {  	s2 =	sadd.s32 s2, s16  }
0x8e: {  	[smem:$0x3FB9] =	sst s2  }
0x8f: {  	_ = 	snop  }
0x90: {  	(tm) =	ssettm $0x1  }
0x91: {  	s17 =	sld [smem:$0x3FFB];
	_ =	sdelay $0x3  }
0x92: {  	_ =	strace s17  }
0x93: {  	s2 =	sld [smem:$0x3FFC];
	_ =	sdelay $0x3  }
0x94: {  	_ =	strace s2  }
0x95: {  	s2 =	sld [smem:$0x3FFD];
	_ =	sdelay $0x3  }
0x96: {  	_ =	strace s2  }
0x97: {  	_ =	strace $0x8FFFFFFF  }
0x98: {  	s18 =	sld [smem:$0x3FDB];
	_ =	sdelay $0x1  }
0x99: {  	s19 =	simm.s32 $_scs_section_size  }
0x9a: {  	s4 =	simm.s32 $_size__tile_overlayer_lowered;
	s5 =	simm.s32 $_tile_overlayer_lowered  }
0x9b: {  	s22 =	simm.s32 $0x1BFF;
	s21 =	sshll.u32 s5, $0x1;
	s2 =	sadd.s32 s19, s18  }
0x9c: {  	s6 =	simm.s32 $0x0;
	s20 =	sshll.u32 s4, $0x1;
	s4 =	sadd.s32 s21, s2  }
0x9d: {  	[timem:s6], [sflag:s22] =	dma.local [hbm:s4], s20  }
0x9e: {  	_ =	swait.ge [sflag:s22], s20  }
0x9f: {  	s3 =	ssub.s32 $0x0, s20;
	[sflag:s22] =	ssyncset.done $0x0  }
0xa0: {  	[sflag:s22] =	ssyncadd.s32 s3;
	_ =	sdelay $0x1  }
0xa1: {  	s23 =	simm.s32 $0x1B8B  }
0xa2: {  	_ =	swait.ge [sflag:s23], $0x1  }
0xa3: {  	[sflag:s23] =	ssyncset.done $0x0  }
0xa4: {  	s25 =	simm.s32 $0x1B8E;
	s24 =	sld [smem:$0x3FFE];
	[sflag:s23] =	ssyncadd.s32 $0xFFFFFFFF  }
0xa5: {  	s26 =	simm.s32 $execute0_lowered;
	[smem:$0x3FD2] =	sst s25  }
0xa6: {  	s4 =	sshll.u32 s26, $0x1;
	_ =	strace $0x80000046;
	[dreg:$0x1] =	wrdreg $0xFFFFFFFF  }
0xa7: {  	s28 =	simm.s32 $_size_execute0_lowered;
	s2 =	sadd.s32 s2, s4;
	[dreg:$0x0] =	wrdreg $0x0  }
0xa8: {  	s4 =	sshll.u32 s28, $0x1;
	[dreg:$0x2] =	wrdreg s2  }
0xa9: {  	[dreg:$0x3] =	wrdreg s4  }
0xaa: {  	[dreg:$0x4] =	wrdreg $0xC0  }
0xab: {  	_ =	task [dreg:s6], $0x5FFFF  }
0xac: {  	[dreg:$0x1] =	wrdreg $0xFFFFFFFF  }
0xad: {  	[dreg:$0x0] =	wrdreg $0x60  }
0xae: {  	[dreg:$0x2] =	wrdreg s24  }
0xaf: {  	[dreg:$0x3] =	wrdreg $0x9  }
0xb0: {  	_ =	task.clear_ibuf [dreg:s6], $0x4FFFF;
	_ =	strace $0x90000046  }
0xb1: {  	s29 =	simm.s32 $0x9;
	_ =	strace $0x80000048  }
0xb2: {  	_ =	swait.ge [sflag:s29], $0x1  }
0xb3: {  	[sflag:s29] =	ssyncadd.s32 $0xFFFFFFFF  }
0xb4: {  	_ =	strace $0x90000048  }
0xb5: {  	_ =	sfence  }
0xb6: {  	s30 =	sld [smem:$0x0];
	_ =	sdelay $0x2  }
0xb7: {  	s31 =	sshll.u32 s1, $0xD;
	s1 =	sshrl.u32 s1, $0x2  }
0xb8: {  	s3 =	sand.u32 $0x4000, s31;
	s1 =	sadd.s32 s1, s30  }
0xb9: {  	s0 =	sor.u32 s3, s0;
	s1 =	sshll.u32 s1, $0x11  }
0xba: {  	s0 =	sor.u32 s1, s0  }
0xbb: {  	s0 =	sadd.s32 $0x8F2B, s0  }
0xbc: {  	[sflag:s0] =	ssyncadd.remote.s32 $0x1  }
0xbd: {  	_ =	sfence.sel $0xFFFF  }
0xbe: {  	[dreg:$0x0] =	wrdreg $0xFFFFFFFF;
	(pc) =	sbr.abs _section_cstart, $3  }
0xbf: {  	[dreg:$0x1] =	wrdreg $0xFFFFFFFF  }
0xc0: {  	_ =	task.clear_ibuf [dreg:s6], $0x2FFFF;
	_ =	strace $0x9FFFFFFF  }
0xc1: {  	(tm) =	ssettm $0x7FFFFFFF  }
tec
execute0_lowered:
.L_overlay_start_1:
0x0: {  	(tag) =	ssettag $0x1  }
0x1: {  	s1 =	srdreg.scid  }
0x2: {  	s0 =	stileid.u32;
	s3 =	rddreg [dreg:$0x0];
	s8 =	simm.s32 $0x80  }
0x3: {  	s9 =	simm.s32 $0x400;
	s10 =	simm.s32 $0x0;
	s4 =	sand.u32 $0x1, s1  }
0x4: {  	s2 =	sshll.u32 s0, $0x1;
	s1 =	rddreg [dreg:$0x1];
	s6 =	sshrl.u32 s0, $0x2  }
0x5: {  	s5 =	sor.u32 s4, s2;
	s2 =	simm.s32 $0x0;
	s6 =	smul.u32 $0x13C00, s6  }
0x6: {  	s4 =	ssub.s32 $0x2, s4;
	s7 =	sshll.u32 s5, $0x7;
	[smem:$0x7FF] =	sst s2  }
0x7: {  	s5 =	smul.u32 $0x3400, s5;
	s30 =	sshrl.u32 s4, $0x1;
	s7 =	sand.u32 $0x380, s7  }
0x8: {  	_ =	strace $0x80000047;
	s31 =	ssub.s32 s4, s30;
	s6 =	sor.u32 s6, s7  }
0x9: {  	s5 =	sshrl.u32 s5, $0x3;
	s7 =	simm.s32 $0x3400;
	s6 =	sshrl.u32 s6, $0x3  }
0xa: {  	s6 =	sadd.s32 s6, s3;
	s3 =	sadd.s32 s3, s5;
	s5 =	smax.u32 s31, $0x1  }
0xb: {  	v0 =	vimm.f32 $0.0e+00;
	v1 =	vimm.f32 $1.000000000e+00;
	vm0 =	vcmask $0x3F30;
	s3 =	sadd.s32 $0x11C00, s3;
	s4 =	sadd.s32 $0x1EC00, s6;
	s6 =	simm.s32 $0x1  }
.LBB2_1:
0xc: {  	[tilespmem:s2], [sflag:$0x1] =	stream.linear.gather [hbm4b:s3+s2], $0x3200, $0x38;
	[tilespmem:$0x5B80] =	vst v63  }
0xd: {  	_ =	swait.ge [sflag:s6], $0x3200  }
0xe: {  	[sflag:s6] =	ssyncset.done $0x0  }
0xf: {  	s11 =	simm.s32 $0x0;
	[sflag:s6] =	ssyncadd.s32 $0xFFFFCE00  }
.LBB2_2:
0x10: {  	p0 =	sne.s32 s11, $0x9C00  }
.Ltmp0:
0x11: {  	_ = 	snop;
	(pc) =	sbr.rel @p0 .LBB2_2-.Ltmp0, $3  }
0x12: {  	_ =	sdelay $0x1  }
0x13: {  	s12 =	sshra.s32 s11, $0x2  }
0x14: {  	s11 =	sadd.s32 $0x40, s11;
	[tilespmem:s12+$0x3400] =	vst v0  }
0x15: {  	s11 =	simm.s32 $0x0  }
.LBB2_4:
0x16: {  	s12 =	sshra.s32 s11, $0x2  }
0x17: {  	v2 =	vld [tilespmem:s12+$0x0];
	_ =	sdelay $0x7  }
0x18: {  	[tilespmem:v2+s7+$0x0] =	vst.idx.add.f32.msk $0xffff, v1  }
0x19: {  	v2 =	vld [tilespmem:s12+$0x10];
	_ =	sdelay $0x7  }
0x1a: {  	[tilespmem:v2+s7+$0x0] =	vst.idx.add.f32.msk $0xffff, v1  }
0x1b: {  	v2 =	vld [tilespmem:s12+$0x20];
	_ =	sdelay $0x7  }
0x1c: {  	[tilespmem:v2+s7+$0x0] =	vst.idx.add.f32.msk $0xffff, v1  }
0x1d: {  	v2 =	vld [tilespmem:s12+$0x30];
	_ =	sdelay $0x7  }
0x1e: {  	[tilespmem:v2+s7+$0x0] =	vst.idx.add.f32.msk $0xffff, v1  }
0x1f: {  	v2 =	vld [tilespmem:s12+$0x40];
	_ =	sdelay $0x7  }
0x20: {  	[tilespmem:v2+s7+$0x0] =	vst.idx.add.f32.msk $0xffff, v1  }
0x21: {  	v2 =	vld [tilespmem:s12+$0x50];
	_ =	sdelay $0x7  }
0x22: {  	[tilespmem:v2+s7+$0x0] =	vst.idx.add.f32.msk $0xffff, v1  }
0x23: {  	v2 =	vld [tilespmem:s12+$0x54];
	_ =	sdelay $0x2  }
0x24: {  	p0 =	sne.s32 s11, $0xC600  }
.Ltmp1:
0x25: {  	_ = 	snop;
	(pc) =	sbr.rel @p0 .LBB2_4-.Ltmp1, $2  }
0x26: {  	_ =	sdelay $0x2  }
0x27: {  	s11 =	sadd.s32 $0x200, s11;
	[tilespmem:v2+s7+$0x0] =	vst.idx.add.f32.msk vm0, v1  }
0x28: {  	s10 =	sadd.s32 $0x1, s10  }
0x29: {  	p0 =	sne.s32 s10, s5  }
.Ltmp2:
0x2a: {  	_ = 	snop;
	(pc) =	sbr.rel @p0 .LBB2_1-.Ltmp2, $4  }
0x2b: {  	[hbm4b:s4+s8] =	stream.strided.scatter [tilespmem:s7], [sflag:$0x1], $0x2780, s9, s8, $0x38;
	[tilespmem:$0x5B80] =	vst v63  }
0x2c: {  	_ =	swait.ge [sflag:s6], $0x2780  }
0x2d: {  	[sflag:s6] =	ssyncset.done $0x0  }
0x2e: {  	[sflag:s6] =	ssyncadd.s32 $0xFFFFD880  }
0x2f: {  	_ =	sfence.sel $0x180000  }
0x30: {  	[bflag:$0x0] =	sbarrier.arrive $0xFFFF  }
0x31: {  	p0 =	sne.s32 s0, $0x0;
	_ =	strace $0x90000047  }
0x32: {  	s0 =	sadd.s32 @!p0 $0x100000, s1;
	[bflag:$0x2] =	sbarrier.arrive $0xFFFF  }
0x33: {  	[sflag:s0] =	ssyncadd.tile.s32 @!p0 $0x1;
	_ =	shalt  }
.Lfunc_end2:
_tile_overlayer_lowered:
.L_overlay_start_2:
0x34: {  	(tag) =	ssettag $0x2  }
0x35: {  	s0 =	rddreg [dreg:$0x0];
	s2 =	stileid.u32  }
0x36: {  	s1 =	rddreg [dreg:$0x1];
	p0 =	sne.s32 s2, $0x0  }
0x37: {  	s3 =	rddreg [dreg:$0x2];
	[bflag:$0x3] =	sbarrier.arrive $0xFFFF;
	s2 =	simm.s32 @!p0 $0x1C01  }
0x38: {  	[timem:s3], [sflag:s2] =	dma.local @!p0 [hbm:s0], s1  }
0x39: {  	s0 =	simm.s32 @!p0 $0x1  }
0x3a: {  	_ =	swait.ge @!p0 [sflag:s0], s1  }
0x3b: {  	s1 =	ssub.s32 @!p0 $0x0, s1;
	[sflag:s0] =	ssyncset.done @!p0 $0x0  }
0x3c: {  	[sflag:s0] =	ssyncadd.s32 @!p0 s1  }
0x3d: {  	[bflag:$0x3] =	sbarrier.arrive $0xFFFF  }
0x3e: {  	_ =	shalt  }

// kernel: kernel.14.cloned.1.call-start
scs
__scs_entry_jumppad:
0x0: {  	(pc) =	sbr.rel $0x88, $3  }
0x1: {  	(tag) =	ssettag $0x0;
	lr =	simm.s32 $0x1  }
0x2: {  	[smem:$0x3F92] =	sst lr;
	_ =	strace $0xD0000000  }
0x3: {  	_ = 	snop  }
0x4: {  	_ = 	snop  }
0x5: {  	_ = 	snop  }
0x6: {  	_ = 	snop  }
0x7: {  	_ = 	snop  }
__scs_overlays_trampoline_lowered:
0x8: {  	[smem:$0x3FA1] =	sst s0  }
0x9: {  	[smem:$0x3FA2] =	sst s1  }
0xa: {  	[smem:$0x3FA3] =	sst s2  }
0xb: {  	[smem:$0x3FA4] =	sst s3  }
0xc: {  	[smem:$0x3FA5] =	sst s4  }
0xd: {  	[smem:$0x3FA6] =	sst s5  }
0xe: {  	[smem:$0x3FA7] =	sst s6  }
0xf: {  	[smem:$0x3FA8] =	sst s7  }
0x10: {  	[smem:$0x3FA9] =	sst s8  }
0x11: {  	[smem:$0x3FAA] =	sst s9;
	s0 =	simm.s32 @!p0 $0x0  }
0x12: {  	s1 =	sld [smem:$0x3F90];
	s0 =	simm.s32 @p0 $0x1  }
0x13: {  	[smem:$0x3FAB] =	sst s0;
	s0 =	simm.s32 @!p1 $0x0  }
0x14: {  	s2 =	sld [smem:$0x3F8F];
	s0 =	simm.s32 @p1 $0x1  }
0x15: {  	[smem:$0x3FAC] =	sst s0;
	s0 =	simm.s32 @!p2 $0x0  }
0x16: {  	s3 =	sld [smem:$0x3FDB];
	s0 =	simm.s32 @p2 $0x1  }
0x17: {  	s4 =	simm.s32 $0x1BF5;
	[smem:$0x3FAE] =	sst s0  }
0x18: {  	s0 =	sld [smem:$0x3F91];
	_ =	swait.ge [sflag:s4], $0x0  }
0x19: {  	s7 =	sld [smem:$0x3F92]  }
0x1a: {  	s8 =	sadd.s32 $0xFFFFE003, lr  }
0x1b: {  	s9 =	sadd.s32 $0xFFFFFEF7, lr;
	s5 =	simm.s32 $0xFFFFFFFF;
	p2 =	slt.u32 s8, $0xFFFFF086  }
0x1c: {  	p1 =	slt.u32 s9, $0xF7A;
	s5 =	simm.s32 @!p2 $0x0  }
0x1d: {  	s5 =	simm.s32 @p1 $0x1;
	p0 =	seq.s32 s7, s2  }
0x1e: {  	s7 =	smul.u32 @!p0 $0xF7A, s2;
	p2 =	seq.s32 @!p0 s5, $0x0  }
0x1f: {  	s9 =	smul.u32 $0xF7A, s1;
	s8 =	simm.s32 @!p0 $0x1BF5;
	p2 =	por !p2, p0  }
0x20: {  	[sflag:s8] =	ssyncset.s32 @!p0 $0xFFFFF086;
	s6 =	sadd.s32 @!p0 s3, s7;
	s7 =	simm.s32 @!p0 $0x108  }
0x21: {  	s3 =	sadd.s32 s3, s9;
	s6 =	sadd.s32 @!p0 $0x88, s6;
	s7 =	simm.s32 @p2 $0x1082  }
0x22: {  	[simem:s7], [sflag:s8] =	dma.local @!p0 [hbm:s6], $0xF7A  }
0x23: {  	s9 =	sor.u32 $0xD0000000, s2;
	s6 =	simm.s32 $0x108;
	_ =	swait.ge @!p0 [sflag:s8], $0x0  }
0x24: {  	s3 =	sadd.s32 $0x88, s3;
	s6 =	simm.s32 @!p1 $0x1082;
	[sflag:s4] =	ssyncset.s32 $0xFFFFF086  }
0x25: {  	[simem:s6], [sflag:s4] =	dma.local [hbm:s3], $0xF7A  }
0x26: {  	[smem:$0x3F92] =	sst s1;
	(tag) =	ssettag s2;
	_ =	strace s9  }
0x27: {  	s1 =	sld [smem:$0x3FA2]  }
0x28: {  	s2 =	sld [smem:$0x3FA3]  }
0x29: {  	s4 =	sld [smem:$0x3FA5]  }
0x2a: {  	p0 =	seq.s32 s5, $0x0;
	s5 =	sld [smem:$0x3FA6]  }
0x2b: {  	s6 =	sld [smem:$0x3FA7]  }
0x2c: {  	s7 =	sld [smem:$0x3FA8]  }
0x2d: {  	s3 =	simm.s32 $0x108;
	s8 =	sld [smem:$0x3FA9]  }
0x2e: {  	s3 =	simm.s32 @!p0 $0x1082;
	s9 =	sld [smem:$0x3FAA]  }
0x2f: {  	lr =	sadd.s32 s0, s3;
	s0 =	sld [smem:$0x3FA1]  }
0x30: {  	s3 =	sld [smem:$0x3FA4]  }
0x31: {  	[smem:$0x3FAD] =	sst s10  }
0x32: {  	s10 =	sld [smem:$0x3FAB];
	_ =	sdelay $0x3  }
0x33: {  	p0 =	seq.s32 s10, $0x1;
	s10 =	sld [smem:$0x3FAD];
	_ =	sdelay $0x3  }
0x34: {  	[smem:$0x3FAD] =	sst s10  }
0x35: {  	s10 =	sld [smem:$0x3FAC];
	_ =	sdelay $0x3  }
0x36: {  	p1 =	seq.s32 s10, $0x1;
	s10 =	sld [smem:$0x3FAD];
	_ =	sdelay $0x3  }
0x37: {  	[smem:$0x3FAD] =	sst s10  }
0x38: {  	s10 =	sld [smem:$0x3FAE]  }
0x39: {  	_ = 	snop;
	(pc) =	sbr.ind lr, $3  }
0x3a: {  	_ = 	snop  }
0x3b: {  	_ = 	snop  }
0x3c: {  	p2 =	seq.s32 s10, $0x1;
	s10 =	sld [smem:$0x3FAD]  }
0x3d: {  	_ =	shalt  }
0x3e: {  	_ =	shalt  }
0x3f: {  	_ =	shalt  }
0x40: {  	_ =	shalt  }
0x41: {  	_ =	shalt  }
0x42: {  	_ =	shalt  }
0x43: {  	_ =	shalt  }
0x44: {  	_ =	shalt  }
0x45: {  	_ =	shalt  }
0x46: {  	_ =	shalt  }
0x47: {  	_ =	shalt  }
0x48: {  	_ =	shalt  }
0x49: {  	_ =	shalt  }
0x4a: {  	_ =	shalt  }
0x4b: {  	_ =	shalt  }
0x4c: {  	_ =	shalt  }
0x4d: {  	_ =	shalt  }
0x4e: {  	_ =	shalt  }
0x4f: {  	_ =	shalt  }
0x50: {  	_ =	shalt  }
0x51: {  	_ =	shalt  }
0x52: {  	_ =	shalt  }
0x53: {  	_ =	shalt  }
0x54: {  	_ =	shalt  }
0x55: {  	_ =	shalt  }
0x56: {  	_ =	shalt  }
0x57: {  	_ =	shalt  }
0x58: {  	_ =	shalt  }
0x59: {  	_ =	shalt  }
0x5a: {  	_ =	shalt  }
0x5b: {  	_ =	shalt  }
0x5c: {  	_ =	shalt  }
0x5d: {  	_ =	shalt  }
0x5e: {  	_ =	shalt  }
0x5f: {  	_ =	shalt  }
0x60: {  	_ =	shalt  }
0x61: {  	_ =	shalt  }
0x62: {  	_ =	shalt  }
0x63: {  	_ =	shalt  }
0x64: {  	_ =	shalt  }
0x65: {  	_ =	shalt  }
0x66: {  	_ =	shalt  }
0x67: {  	_ =	shalt  }
0x68: {  	_ =	shalt  }
0x69: {  	_ =	shalt  }
0x6a: {  	_ =	shalt  }
0x6b: {  	_ =	shalt  }
0x6c: {  	_ =	shalt  }
0x6d: {  	_ =	shalt  }
0x6e: {  	_ =	shalt  }
0x6f: {  	_ =	shalt  }
0x70: {  	_ =	shalt  }
0x71: {  	_ =	shalt  }
0x72: {  	_ =	shalt  }
0x73: {  	_ =	shalt  }
0x74: {  	_ =	shalt  }
0x75: {  	_ =	shalt  }
0x76: {  	_ =	shalt  }
0x77: {  	_ =	shalt  }
0x78: {  	_ =	shalt  }
0x79: {  	_ =	shalt  }
0x7a: {  	_ =	shalt  }
0x7b: {  	_ =	shalt  }
0x7c: {  	_ =	shalt  }
0x7d: {  	_ =	shalt  }
0x7e: {  	_ =	shalt  }
0x7f: {  	_ =	shalt  }
0x80: {  	_ =	shalt  }
0x81: {  	_ =	shalt  }
0x82: {  	_ =	shalt  }
0x83: {  	_ =	shalt  }
0x84: {  	_ =	shalt  }
0x85: {  	_ =	shalt  }
0x86: {  	_ =	shalt  }
0x87: {  	_ =	shalt  }
.Lfunc_end0:
.L_simem_size_0:
called_computation.1_lowered:
.L_overlay_start_0:
0x88: {  	s2 =	sld [smem:$0x3FD9]  }
0x89: {  	s3 =	sld [smem:$0x3FFE];
	_ =	sdelay $0x1  }
0x8a: {  	s1 =	srdreg.scid  }
0x8b: {  	s0 =	sand.u32 $0x1, s1  }
0x8c: {  	s16 =	sshll.u32 s0, $0xA;
	s2 =	sadd.s32 s3, s2  }
0x8d: {  	s2 =	sadd.s32 s2, s16  }
0x8e: {  	[smem:$0x3FB9] =	sst s2  }
0x8f: {  	_ = 	snop  }
0x90: {  	(tm) =	ssettm $0x1  }
0x91: {  	s17 =	sld [smem:$0x3FFB];
	_ =	sdelay $0x3  }
0x92: {  	_ =	strace s17  }
0x93: {  	s2 =	sld [smem:$0x3FFC];
	_ =	sdelay $0x3  }
0x94: {  	_ =	strace s2  }
0x95: {  	s2 =	sld [smem:$0x3FFD];
	_ =	sdelay $0x3  }
0x96: {  	_ =	strace s2  }
0x97: {  	_ =	strace $0x8FFFFFFF  }
0x98: {  	s18 =	sld [smem:$0x3FDB];
	_ =	sdelay $0x1  }
0x99: {  	s19 =	simm.s32 $_scs_section_size  }
0x9a: {  	s4 =	simm.s32 $_size__tile_overlayer_lowered;
	s5 =	simm.s32 $_tile_overlayer_lowered  }
0x9b: {  	s22 =	simm.s32 $0x1BFF;
	s21 =	sshll.u32 s5, $0x1;
	s2 =	sadd.s32 s19, s18  }
0x9c: {  	s6 =	simm.s32 $0x0;
	s20 =	sshll.u32 s4, $0x1;
	s4 =	sadd.s32 s21, s2  }
0x9d: {  	[timem:s6], [sflag:s22] =	dma.local [hbm:s4], s20  }
0x9e: {  	_ =	swait.ge [sflag:s22], s20  }
0x9f: {  	s3 =	ssub.s32 $0x0, s20;
	[sflag:s22] =	ssyncset.done $0x0  }
0xa0: {  	[sflag:s22] =	ssyncadd.s32 s3;
	_ =	sdelay $0x1  }
0xa1: {  	s23 =	simm.s32 $0x1B8B  }
0xa2: {  	_ =	swait.ge [sflag:s23], $0x1  }
0xa3: {  	[sflag:s23] =	ssyncset.done $0x0  }
0xa4: {  	s25 =	simm.s32 $0x1B8E;
	s24 =	sld [smem:$0x3FFE];
	[sflag:s23] =	ssyncadd.s32 $0xFFFFFFFF  }
0xa5: {  	s26 =	simm.s32 $execute0_lowered;
	[smem:$0x3FD2] =	sst s25  }
0xa6: {  	s4 =	sshll.u32 s26, $0x1;
	_ =	strace $0x80000049;
	[dreg:$0x1] =	wrdreg $0xFFFFFFFF  }
0xa7: {  	s28 =	simm.s32 $_size_execute0_lowered;
	s2 =	sadd.s32 s2, s4;
	[dreg:$0x0] =	wrdreg $0x0  }
0xa8: {  	s4 =	sshll.u32 s28, $0x1;
	[dreg:$0x2] =	wrdreg s2  }
0xa9: {  	[dreg:$0x3] =	wrdreg s4  }
0xaa: {  	[dreg:$0x4] =	wrdreg $0xC0  }
0xab: {  	_ =	task [dreg:s6], $0x5FFFF  }
0xac: {  	[dreg:$0x1] =	wrdreg $0xFFFFFFFF  }
0xad: {  	[dreg:$0x0] =	wrdreg $0x60  }
0xae: {  	[dreg:$0x2] =	wrdreg s24  }
0xaf: {  	[dreg:$0x3] =	wrdreg $0xB5400  }
0xb0: {  	[dreg:$0x4] =	wrdreg $0x9  }
0xb1: {  	_ =	task.clear_ibuf [dreg:s6], $0x5FFFF;
	_ =	strace $0x90000049  }
0xb2: {  	s29 =	simm.s32 $0x9;
	_ =	strace $0x8000004B  }
0xb3: {  	_ =	swait.ge [sflag:s29], $0x1  }
0xb4: {  	[sflag:s29] =	ssyncadd.s32 $0xFFFFFFFF  }
0xb5: {  	_ =	strace $0x9000004B  }
0xb6: {  	_ =	sfence  }
0xb7: {  	s30 =	sld [smem:$0x0];
	_ =	sdelay $0x2  }
0xb8: {  	s31 =	sshll.u32 s1, $0xD;
	s1 =	sshrl.u32 s1, $0x2  }
0xb9: {  	s3 =	sand.u32 $0x4000, s31;
	s1 =	sadd.s32 s1, s30  }
0xba: {  	s0 =	sor.u32 s3, s0;
	s1 =	sshll.u32 s1, $0x11  }
0xbb: {  	s0 =	sor.u32 s1, s0  }
0xbc: {  	s0 =	sadd.s32 $0x8F2B, s0  }
0xbd: {  	[sflag:s0] =	ssyncadd.remote.s32 $0x1  }
0xbe: {  	_ =	sfence.sel $0xFFFF  }
0xbf: {  	[dreg:$0x0] =	wrdreg $0xFFFFFFFF;
	(pc) =	sbr.abs _section_cstart, $3  }
0xc0: {  	[dreg:$0x1] =	wrdreg $0xFFFFFFFF  }
0xc1: {  	_ =	task.clear_ibuf [dreg:s6], $0x2FFFF;
	_ =	strace $0x9FFFFFFF  }
0xc2: {  	(tm) =	ssettm $0x7FFFFFFF  }
0xc3: {  	_ =	shalt  }
tec
execute0_lowered:
.L_overlay_start_1:
0x0: {  	(tag) =	ssettag $0x1  }
0x1: {  	s0 =	srdreg.scid;
	s5 =	rddreg [dreg:$0x0]  }
0x2: {  	s9 =	stileid.u32;
	s2 =	rddreg [dreg:$0x1]  }
0x3: {  	s3 =	simm.s32 $0x0;
	s13 =	simm.s32 $0x28A0;
	s14 =	simm.s32 $0x1  }
0x4: {  	s15 =	simm.s32 $0x64;
	s16 =	simm.s32 $0x5140;
	s17 =	simm.s32 $0x68  }
0x5: {  	s18 =	simm.s32 $0x6A40;
	s19 =	simm.s32 $0xD0;
	s20 =	simm.s32 $0x8340  }
0x6: {  	s21 =	simm.s32 $0x2;
	s23 =	simm.s32 $0x9C40;
	s24 =	simm.s32 $0x3  }
0x7: {  	s29 =	simm.s32 $0x4;
	s31 =	simm.s32 $0x7;
	s25 =	simm.s32 $0x8  }
0x8: {  	s30 =	simm.s32 $0x9;
	s22 =	simm.s32 $0x0;
	s0 =	sand.u32 $0x1, s0  }
0x9: {  	s1 =	sshll.u32 s9, $0x1;
	s7 =	smul.u32 $0xA000, s9;
	[smem:$0x7FF] =	sst s3  }
0xa: {  	s4 =	sadd.s32 $0x4C00, s5;
	s8 =	sadd.s32 $0x18600, s5;
	s1 =	sor.u32 s0, s1  }
0xb: {  	s6 =	smul.u32 $0xA0000, s0;
	_ =	strace $0x8000004A;
	s0 =	ssub.s32 $0x2, s0  }
0xc: {  	[dreg:$0x3] =	wrdreg s8;
	s1 =	smul.u32 $0x28A0, s1;
	s26 =	sshrl.u32 s0, $0x1  }
0xd: {  	s12 =	sadd.s32 s7, s2;
	s6 =	sadd.s32 s7, s6;
	s0 =	ssub.s32 s0, s26  }
0xe: {  	s12 =	sshrl.u32 s12, $0x3;
	s26 =	simm.s32 $0x6;
	s1 =	sshrl.u32 s1, $0x3  }
0xf: {  	s6 =	sshrl.u32 s6, $0x3;
	s11 =	smax.u32 s0, $0x1;
	s0 =	simm.s32 $0x5  }
0x10: {  	s1 =	sadd.s32 s1, s5;
	s5 =	sadd.s32 s6, s5;
	s6 =	sshll.u32 s9, $0x6  }
0x11: {  	s28 =	sor.u32 $0x1C01, s6;
	s8 =	sadd.s32 $0x28A00, s1;
	s9 =	sadd.s32 $0x32C80, s1  }
0x12: {  	s10 =	sadd.s32 $0x3D000, s5;
	s1 =	simm.s32 $0xA;
	[dreg:$0x4] =	wrdreg s28  }
.LBB2_1:
0x13: {  	s5 =	rddreg [dreg:$0x3]  }
0x14: {  	s7 =	rddreg [dreg:$0x4]  }
0x15: {  	[spmem:s12], [sflag:s7] =	dma.local [hbm:s5], $0x1400  }
0x16: {  	[tilespmem:s3], [sflag:$0x1] =	stream.linear.gather [hbm4b:s8+s3], $0x28A0, $0x38;
	[tilespmem:$0x15540] =	vst v63  }
0x17: {  	_ = 	snop  }
0x18: {  	[tilespmem:s13], [sflag:$0x1] =	stream.linear.gather [hbm4b:s9+s3], $0x28A0, $0x38;
	[tilespmem:$0x15540] =	vst v63  }
0x19: {  	_ =	swait.ge [sflag:s14], $0x1400  }
0x1a: {  	[sflag:s14] =	ssyncset.done $0x0  }
0x1b: {  	[sflag:s14] =	ssyncadd.s32 $0xFFFFEC00  }
0x1c: {  	_ =	swait.ge [sflag:s14], $0x28A0  }
0x1d: {  	[sflag:s14] =	ssyncset.done $0x0  }
0x1e: {  	[sflag:s14] =	ssyncadd.s32 $0xFFFFD760  }
0x1f: {  	_ =	swait.ge [sflag:s14], $0x28A0  }
0x20: {  	[sflag:s14] =	ssyncset.done $0x0  }
0x21: {  	[sflag:s14] =	ssyncadd.s32 $0xFFFFD760  }
0x22: {  	[bflag:$0x0] =	sbarrier.arrive $0xFFFF  }
0x23: {  	[tilespmem:s16], [sflag:$0x2] =	stream.indirect.gather [hbm4b:s4+s15], $0x40, s3, s15, $0xb8;
	[tilespmem:$0x15540] =	vst v63  }
0x24: {  	_ = 	snop  }
0x25: {  	[tilespmem:s18], [sflag:$0x3] =	stream.indirect.gather [hbm4b:s4+s15], $0x40, s17, s15, $0xb8;
	[tilespmem:$0x15540] =	vst v63  }
0x26: {  	_ = 	snop  }
0x27: {  	[tilespmem:s20], [sflag:$0x4] =	stream.indirect.gather [hbm4b:s4+s15], $0x40, s19, s15, $0xb8;
	[tilespmem:$0x15540] =	vst v63  }
0x28: {  	_ =	swait.ge [sflag:s21], $0x1900  }
0x29: {  	[sflag:s21] =	ssyncset.done $0x0  }
0x2a: {  	[sflag:s21] =	ssyncadd.s32 $0xFFFFE700  }
0x2b: {  	[spmem:s2] =	stream.indirect.scatter.add.f32 [tilespmem:s16], [sflag:$0x6], $0x40, s13, s15, $0xb8;
	[tilespmem:$0x15540] =	vst v63  }
0x2c: {  	s7 =	simm.s32 $0x138  }
0x2d: {  	[tilespmem:s23], [sflag:$0x5] =	stream.indirect.gather [hbm4b:s4+s15], $0x40, s7, s15, $0xb8;
	[tilespmem:$0x15540] =	vst v63  }
0x2e: {  	_ =	swait.ge [sflag:s24], $0x1900  }
0x2f: {  	[sflag:s24] =	ssyncset.done $0x0  }
0x30: {  	s7 =	simm.s32 $0x2908;
	[sflag:s24] =	ssyncadd.s32 $0xFFFFE700  }
0x31: {  	[spmem:s2] =	stream.indirect.scatter.add.f32 [tilespmem:s18], [sflag:$0x7], $0x40, s7, s15, $0xb8;
	[tilespmem:$0x15540] =	vst v63  }
0x32: {  	_ =	swait.ge [sflag:s26], $0x1900  }
0x33: {  	[sflag:s26] =	ssyncset.done $0x0  }
0x34: {  	s7 =	simm.s32 $0x1A0;
	[sflag:s26] =	ssyncadd.s32 $0xFFFFE700  }
0x35: {  	[tilespmem:s16], [sflag:$0x2] =	stream.indirect.gather [hbm4b:s4+s15], $0x40, s7, s15, $0xb8;
	[tilespmem:$0x15540] =	vst v63  }
0x36: {  	_ =	swait.ge [sflag:s29], $0x1900  }
0x37: {  	[sflag:s29] =	ssyncset.done $0x0  }
0x38: {  	s7 =	simm.s32 $0x2970;
	[sflag:s29] =	ssyncadd.s32 $0xFFFFE700  }
0x39: {  	[spmem:s2] =	stream.indirect.scatter.add.f32 [tilespmem:s20], [sflag:$0x8], $0x40, s7, s15, $0xb8;
	[tilespmem:$0x15540] =	vst v63  }
0x3a: {  	_ =	swait.ge [sflag:s31], $0x1900  }
0x3b: {  	[sflag:s31] =	ssyncset.done $0x0  }
0x3c: {  	s7 =	simm.s32 $0x208;
	[sflag:s31] =	ssyncadd.s32 $0xFFFFE700  }
0x3d: {  	[tilespmem:s18], [sflag:$0x3] =	stream.indirect.gather [hbm4b:s4+s15], $0x40, s7, s15, $0xb8;
	[tilespmem:$0x15540] =	vst v63  }
0x3e: {  	_ =	swait.ge [sflag:s0], $0x1900  }
0x3f: {  	[sflag:s0] =	ssyncset.done $0x0  }
0x40: {  	s7 =	simm.s32 $0x29D8;
	[sflag:s0] =	ssyncadd.s32 $0xFFFFE700  }
0x41: {  	[spmem:s2] =	stream.indirect.scatter.add.f32 [tilespmem:s23], [sflag:$0x9], $0x40, s7, s15, $0xb8;
	[tilespmem:$0x15540] =	vst v63  }
0x42: {  	_ =	swait.ge [sflag:s25], $0x1900  }
0x43: {  	[sflag:s25] =	ssyncset.done $0x0  }
0x44: {  	s7 =	simm.s32 $0x270;
	[sflag:s25] =	ssyncadd.s32 $0xFFFFE700  }
0x45: {  	[tilespmem:s20], [sflag:$0x4] =	stream.indirect.gather [hbm4b:s4+s15], $0x40, s7, s15, $0xb8;
	[tilespmem:$0x15540] =	vst v63  }
0x46: {  	_ =	swait.ge [sflag:s21], $0x1900  }
0x47: {  	[sflag:s21] =	ssyncset.done $0x0  }
0x48: {  	s7 =	simm.s32 $0x2A40;
	[sflag:s21] =	ssyncadd.s32 $0xFFFFE700  }
0x49: {  	[spmem:s2] =	stream.indirect.scatter.add.f32 [tilespmem:s16], [sflag:$0x6], $0x40, s7, s15, $0xb8;
	[tilespmem:$0x15540] =	vst v63  }
0x4a: {  	_ =	swait.ge [sflag:s30], $0x1900  }
0x4b: {  	[sflag:s30] =	ssyncset.done $0x0  }
0x4c: {  	s7 =	simm.s32 $0x2D8;
	[sflag:s30] =	ssyncadd.s32 $0xFFFFE700  }
0x4d: {  	[tilespmem:s23], [sflag:$0x5] =	stream.indirect.gather [hbm4b:s4+s15], $0x40, s7, s15, $0xb8;
	[tilespmem:$0x15540] =	vst v63  }
0x4e: {  	_ =	swait.ge [sflag:s24], $0x1900  }
0x4f: {  	[sflag:s24] =	ssyncset.done $0x0  }
0x50: {  	s7 =	simm.s32 $0x2AA8;
	[sflag:s24] =	ssyncadd.s32 $0xFFFFE700  }
0x51: {  	[spmem:s2] =	stream.indirect.scatter.add.f32 [tilespmem:s18], [sflag:$0x7], $0x40, s7, s15, $0xb8;
	[tilespmem:$0x15540] =	vst v63  }
0x52: {  	_ =	swait.ge [sflag:s26], $0x1900  }
0x53: {  	[sflag:s26] =	ssyncset.done $0x0  }
0x54: {  	s7 =	simm.s32 $0x340;
	[sflag:s26] =	ssyncadd.s32 $0xFFFFE700  }
0x55: {  	[tilespmem:s16], [sflag:$0x2] =	stream.indirect.gather [hbm4b:s4+s15], $0x40, s7, s15, $0xb8;
	[tilespmem:$0x15540] =	vst v63  }
0x56: {  	_ =	swait.ge [sflag:s29], $0x1900  }
0x57: {  	[sflag:s29] =	ssyncset.done $0x0  }
0x58: {  	s7 =	simm.s32 $0x2B10;
	[sflag:s29] =	ssyncadd.s32 $0xFFFFE700  }
0x59: {  	[spmem:s2] =	stream.indirect.scatter.add.f32 [tilespmem:s20], [sflag:$0x8], $0x40, s7, s15, $0xb8;
	[tilespmem:$0x15540] =	vst v63  }
0x5a: {  	_ =	swait.ge [sflag:s31], $0x1900  }
0x5b: {  	[sflag:s31] =	ssyncset.done $0x0  }
0x5c: {  	s7 =	simm.s32 $0x3A8;
	[sflag:s31] =	ssyncadd.s32 $0xFFFFE700  }
0x5d: {  	[tilespmem:s18], [sflag:$0x3] =	stream.indirect.gather [hbm4b:s4+s15], $0x40, s7, s15, $0xb8;
	[tilespmem:$0x15540] =	vst v63  }
0x5e: {  	_ =	swait.ge [sflag:s0], $0x1900  }
0x5f: {  	[sflag:s0] =	ssyncset.done $0x0  }
0x60: {  	s7 =	simm.s32 $0x2B78;
	[sflag:s0] =	ssyncadd.s32 $0xFFFFE700  }
0x61: {  	[spmem:s2] =	stream.indirect.scatter.add.f32 [tilespmem:s23], [sflag:$0x9], $0x40, s7, s15, $0xb8;
	[tilespmem:$0x15540] =	vst v63  }
0x62: {  	_ =	swait.ge [sflag:s25], $0x1900  }
0x63: {  	[sflag:s25] =	ssyncset.done $0x0  }
0x64: {  	s28 =	simm.s32 $0x680;
	s5 =	simm.s32 $0x410;
	[sflag:s25] =	ssyncadd.s32 $0xFFFFE700  }
.LBB2_2:
0x65: {  	[tilespmem:s20], [sflag:$0x4] =	stream.indirect.gather [hbm4b:s4+s15], $0x40, s5, s15, $0xb8;
	[tilespmem:$0x15540] =	vst v63  }
0x66: {  	s5 =	smov.u32 s28;
	s28 =	sadd.s32 $0x680, s28;
	_ =	swait.ge [sflag:s21], $0x1900  }
0x67: {  	s5 =	sshra.s32 s5, $0x2;
	p0 =	sne.s32 s28, $0x9580;
	[sflag:s21] =	ssyncset.done $0x0  }
0x68: {  	s7 =	sadd.s32 $0x2A40, s5;
	[sflag:s21] =	ssyncadd.s32 $0xFFFFE700  }
0x69: {  	[spmem:s2] =	stream.indirect.scatter.add.f32 [tilespmem:s16], [sflag:$0x6], $0x40, s7, s15, $0xb8;
	[tilespmem:$0x15540] =	vst v63  }
0x6a: {  	_ =	swait.ge [sflag:s30], $0x1900  }
0x6b: {  	[sflag:s30] =	ssyncset.done $0x0  }
0x6c: {  	s7 =	sadd.s32 $0x2D8, s5;
	[sflag:s30] =	ssyncadd.s32 $0xFFFFE700  }
0x6d: {  	[tilespmem:s23], [sflag:$0x5] =	stream.indirect.gather [hbm4b:s4+s15], $0x40, s7, s15, $0xb8;
	[tilespmem:$0x15540] =	vst v63  }
0x6e: {  	_ =	swait.ge [sflag:s24], $0x1900  }
0x6f: {  	[sflag:s24] =	ssyncset.done $0x0  }
0x70: {  	s7 =	sadd.s32 $0x2AA8, s5;
	[sflag:s24] =	ssyncadd.s32 $0xFFFFE700  }
0x71: {  	[spmem:s2] =	stream.indirect.scatter.add.f32 [tilespmem:s18], [sflag:$0x7], $0x40, s7, s15, $0xb8;
	[tilespmem:$0x15540] =	vst v63  }
0x72: {  	_ =	swait.ge [sflag:s26], $0x1900  }
0x73: {  	[sflag:s26] =	ssyncset.done $0x0  }
0x74: {  	s7 =	sadd.s32 $0x340, s5;
	[sflag:s26] =	ssyncadd.s32 $0xFFFFE700  }
0x75: {  	[tilespmem:s16], [sflag:$0x2] =	stream.indirect.gather [hbm4b:s4+s15], $0x40, s7, s15, $0xb8;
	[tilespmem:$0x15540] =	vst v63  }
0x76: {  	_ =	swait.ge [sflag:s29], $0x1900  }
0x77: {  	[sflag:s29] =	ssyncset.done $0x0  }
0x78: {  	s7 =	sadd.s32 $0x2B10, s5;
	[sflag:s29] =	ssyncadd.s32 $0xFFFFE700  }
0x79: {  	[spmem:s2] =	stream.indirect.scatter.add.f32 [tilespmem:s20], [sflag:$0x8], $0x40, s7, s15, $0xb8;
	[tilespmem:$0x15540] =	vst v63  }
0x7a: {  	_ =	swait.ge [sflag:s31], $0x1900  }
0x7b: {  	[sflag:s31] =	ssyncset.done $0x0  }
0x7c: {  	s7 =	sadd.s32 $0x3A8, s5;
	[sflag:s31] =	ssyncadd.s32 $0xFFFFE700  }
0x7d: {  	[tilespmem:s18], [sflag:$0x3] =	stream.indirect.gather [hbm4b:s4+s15], $0x40, s7, s15, $0xb8;
	[tilespmem:$0x15540] =	vst v63  }
0x7e: {  	_ =	swait.ge [sflag:s0], $0x1900  }
0x7f: {  	[sflag:s0] =	ssyncset.done $0x0  }
.Ltmp0:
0x80: {  	s7 =	sadd.s32 $0x2B78, s5;
	[sflag:s0] =	ssyncadd.s32 $0xFFFFE700;
	(pc) =	sbr.rel @p0 .LBB2_2-.Ltmp0, $4  }
0x81: {  	[spmem:s2] =	stream.indirect.scatter.add.f32 [tilespmem:s23], [sflag:$0x9], $0x40, s7, s15, $0xb8;
	[tilespmem:$0x15540] =	vst v63  }
0x82: {  	_ =	swait.ge [sflag:s25], $0x1900  }
0x83: {  	[sflag:s25] =	ssyncset.done $0x0  }
0x84: {  	s5 =	sadd.s32 $0x410, s5;
	[sflag:s25] =	ssyncadd.s32 $0xFFFFE700  }
0x85: {  	[tilespmem:s20], [sflag:$0x4] =	stream.indirect.gather [hbm4b:s4+s15], $0x40, s5, s15, $0xb8;
	[tilespmem:$0x15540] =	vst v63  }
0x86: {  	_ =	swait.ge [sflag:s21], $0x1900  }
0x87: {  	s5 =	sshra.s32 s28, $0x2;
	[sflag:s21] =	ssyncset.done $0x0  }
0x88: {  	s7 =	sadd.s32 $0x2A40, s5;
	[sflag:s21] =	ssyncadd.s32 $0xFFFFE700  }
0x89: {  	[spmem:s2] =	stream.indirect.scatter.add.f32 [tilespmem:s16], [sflag:$0x6], $0x40, s7, s15, $0xb8;
	[tilespmem:$0x15540] =	vst v63  }
0x8a: {  	_ =	swait.ge [sflag:s30], $0x1900  }
0x8b: {  	[sflag:s30] =	ssyncset.done $0x0  }
0x8c: {  	s28 =	sadd.s32 $0x2D8, s5;
	[sflag:s30] =	ssyncadd.s32 $0xFFFFE700  }
0x8d: {  	[tilespmem:s23], [sflag:$0x5] =	stream.indirect.gather [hbm4b:s4+s15], $0x40, s28, s15, $0xb8;
	[tilespmem:$0x15540] =	vst v63  }
0x8e: {  	_ =	swait.ge [sflag:s24], $0x1900  }
0x8f: {  	[sflag:s24] =	ssyncset.done $0x0  }
0x90: {  	s28 =	sadd.s32 $0x2AA8, s5;
	[sflag:s24] =	ssyncadd.s32 $0xFFFFE700  }
0x91: {  	[spmem:s2] =	stream.indirect.scatter.add.f32 [tilespmem:s18], [sflag:$0x7], $0x40, s28, s15, $0xb8;
	[tilespmem:$0x15540] =	vst v63  }
0x92: {  	_ =	swait.ge [sflag:s26], $0x1900  }
0x93: {  	[sflag:s26] =	ssyncset.done $0x0  }
0x94: {  	[sflag:s26] =	ssyncadd.s32 $0xFFFFE700  }
0x95: {  	[tilespmem:s16], [sflag:$0x2] =	stream.indirect.gather [hbm4b:s4+s15], $0x40, s3, s15, $0xb8;
	[tilespmem:$0x15540] =	vst v63  }
0x96: {  	_ =	swait.ge [sflag:s29], $0x1900  }
0x97: {  	[sflag:s29] =	ssyncset.done $0x0  }
0x98: {  	s28 =	sadd.s32 $0x2B10, s5;
	[sflag:s29] =	ssyncadd.s32 $0xFFFFE700  }
0x99: {  	[spmem:s2] =	stream.indirect.scatter.add.f32 [tilespmem:s20], [sflag:$0x8], $0x40, s28, s15, $0xb8;
	[tilespmem:$0x15540] =	vst v63  }
0x9a: {  	_ =	swait.ge [sflag:s31], $0x1900  }
0x9b: {  	[sflag:s31] =	ssyncset.done $0x0  }
0x9c: {  	[sflag:s31] =	ssyncadd.s32 $0xFFFFE700  }
0x9d: {  	[tilespmem:s18], [sflag:$0x3] =	stream.indirect.gather [hbm4b:s4+s15], $0x40, s17, s15, $0xb8;
	[tilespmem:$0x15540] =	vst v63  }
0x9e: {  	_ =	swait.ge [sflag:s0], $0x1900  }
0x9f: {  	[sflag:s0] =	ssyncset.done $0x0  }
0xa0: {  	s5 =	sadd.s32 $0x2B78, s5;
	[sflag:s0] =	ssyncadd.s32 $0xFFFFE700  }
0xa1: {  	[spmem:s2] =	stream.indirect.scatter.add.f32 [tilespmem:s23], [sflag:$0x9], $0x40, s5, s15, $0xb8;
	[tilespmem:$0x15540] =	vst v63  }
0xa2: {  	_ =	swait.ge [sflag:s25], $0x1900  }
0xa3: {  	[sflag:s25] =	ssyncset.done $0x0  }
0xa4: {  	[sflag:s25] =	ssyncadd.s32 $0xFFFFE700  }
0xa5: {  	[tilespmem:s20], [sflag:$0x4] =	stream.indirect.gather [hbm4b:s4+s15], $0x40, s19, s15, $0xb8;
	[tilespmem:$0x15540] =	vst v63  }
0xa6: {  	_ =	swait.ge [sflag:s30], $0x1900  }
0xa7: {  	[sflag:s30] =	ssyncset.done $0x0  }
0xa8: {  	[sflag:s30] =	ssyncadd.s32 $0xFFFFE700  }
0xa9: {  	_ =	swait.ge [sflag:s21], $0x1900  }
0xaa: {  	[sflag:s21] =	ssyncset.done $0x0  }
0xab: {  	[sflag:s21] =	ssyncadd.s32 $0xFFFFE700  }
0xac: {  	_ =	swait.ge [sflag:s24], $0x1900  }
0xad: {  	[sflag:s24] =	ssyncset.done $0x0  }
0xae: {  	[sflag:s24] =	ssyncadd.s32 $0xFFFFE700  }
0xaf: {  	_ =	swait.ge [sflag:s29], $0x1900  }
0xb0: {  	s22 =	sadd.s32 $0x1, s22;
	[sflag:s29] =	ssyncset.done $0x0  }
0xb1: {  	p0 =	sne.s32 s22, s11;
	[sflag:s29] =	ssyncadd.s32 $0xFFFFE700  }
.Ltmp1:
0xb2: {  	s28 =	sor.u32 $0x1C0A, s6;
	[bflag:$0x0] =	sbarrier.arrive $0xFFFF;
	(pc) =	sbr.rel @p0 .LBB2_1-.Ltmp1, $4  }
0xb3: {  	[hbm:s10], [sflag:s28] =	dma.local [spmem:s12], $0x1400  }
0xb4: {  	_ =	swait.ge [sflag:s1], $0x1400  }
0xb5: {  	[sflag:s1] =	ssyncset.done $0x0  }
0xb6: {  	[sflag:s1] =	ssyncadd.s32 $0xFFFFEC00  }
0xb7: {  	_ =	sfence.sel $0x180000  }
0xb8: {  	[bflag:$0x0] =	sbarrier.arrive $0xFFFF  }
0xb9: {  	_ =	strace $0x9000004A  }
0xba: {  	s0 =	stileid.u32;
	[bflag:$0x2] =	sbarrier.arrive $0xFFFF  }
0xbb: {  	p0 =	sne.s32 s0, $0x0;
	s0 =	rddreg [dreg:$0x2]  }
0xbc: {  	s0 =	sadd.s32 @!p0 $0x100000, s0  }
0xbd: {  	[sflag:s0] =	ssyncadd.tile.s32 @!p0 $0x1;
	_ =	shalt  }
.Lfunc_end2:
_tile_overlayer_lowered:
.L_overlay_start_2:
0xbe: {  	(tag) =	ssettag $0x2  }
0xbf: {  	s0 =	rddreg [dreg:$0x0];
	s2 =	stileid.u32  }
0xc0: {  	s1 =	rddreg [dreg:$0x1];
	p0 =	sne.s32 s2, $0x0  }
0xc1: {  	s3 =	rddreg [dreg:$0x2];
	[bflag:$0x3] =	sbarrier.arrive $0xFFFF;
	s2 =	simm.s32 @!p0 $0x1C0A  }
0xc2: {  	[timem:s3], [sflag:s2] =	dma.local @!p0 [hbm:s0], s1  }
0xc3: {  	s0 =	simm.s32 @!p0 $0xA  }
0xc4: {  	_ =	swait.ge @!p0 [sflag:s0], s1  }
0xc5: {  	s1 =	ssub.s32 @!p0 $0x0, s1;
	[sflag:s0] =	ssyncset.done @!p0 $0x0  }
0xc6: {  	[sflag:s0] =	ssyncadd.s32 @!p0 s1  }
0xc7: {  	[bflag:$0x3] =	sbarrier.arrive $0xFFFF  }
0xc8: {  	_ =	shalt  }

// kernel: kernel.17.cloned.1.call-start
scs
__scs_entry_jumppad:
0x0: {  	(pc) =	sbr.rel $0x88, $3  }
0x1: {  	(tag) =	ssettag $0x0;
	lr =	simm.s32 $0x1  }
0x2: {  	[smem:$0x3F92] =	sst lr;
	_ =	strace $0xD0000000  }
0x3: {  	_ = 	snop  }
0x4: {  	_ = 	snop  }
0x5: {  	_ = 	snop  }
0x6: {  	_ = 	snop  }
0x7: {  	_ = 	snop  }
__scs_overlays_trampoline_lowered:
0x8: {  	[smem:$0x3FA1] =	sst s0  }
0x9: {  	[smem:$0x3FA2] =	sst s1  }
0xa: {  	[smem:$0x3FA3] =	sst s2  }
0xb: {  	[smem:$0x3FA4] =	sst s3  }
0xc: {  	[smem:$0x3FA5] =	sst s4  }
0xd: {  	[smem:$0x3FA6] =	sst s5  }
0xe: {  	[smem:$0x3FA7] =	sst s6  }
0xf: {  	[smem:$0x3FA8] =	sst s7  }
0x10: {  	[smem:$0x3FA9] =	sst s8  }
0x11: {  	[smem:$0x3FAA] =	sst s9;
	s0 =	simm.s32 @!p0 $0x0  }
0x12: {  	s1 =	sld [smem:$0x3F90];
	s0 =	simm.s32 @p0 $0x1  }
0x13: {  	[smem:$0x3FAB] =	sst s0;
	s0 =	simm.s32 @!p1 $0x0  }
0x14: {  	s2 =	sld [smem:$0x3F8F];
	s0 =	simm.s32 @p1 $0x1  }
0x15: {  	[smem:$0x3FAC] =	sst s0;
	s0 =	simm.s32 @!p2 $0x0  }
0x16: {  	s3 =	sld [smem:$0x3FDB];
	s0 =	simm.s32 @p2 $0x1  }
0x17: {  	s4 =	simm.s32 $0x1BF5;
	[smem:$0x3FAE] =	sst s0  }
0x18: {  	s0 =	sld [smem:$0x3F91];
	_ =	swait.ge [sflag:s4], $0x0  }
0x19: {  	s7 =	sld [smem:$0x3F92]  }
0x1a: {  	s8 =	sadd.s32 $0xFFFFE003, lr  }
0x1b: {  	s9 =	sadd.s32 $0xFFFFFEF7, lr;
	s5 =	simm.s32 $0xFFFFFFFF;
	p2 =	slt.u32 s8, $0xFFFFF086  }
0x1c: {  	p1 =	slt.u32 s9, $0xF7A;
	s5 =	simm.s32 @!p2 $0x0  }
0x1d: {  	s5 =	simm.s32 @p1 $0x1;
	p0 =	seq.s32 s7, s2  }
0x1e: {  	s7 =	smul.u32 @!p0 $0xF7A, s2;
	p2 =	seq.s32 @!p0 s5, $0x0  }
0x1f: {  	s9 =	smul.u32 $0xF7A, s1;
	s8 =	simm.s32 @!p0 $0x1BF5;
	p2 =	por !p2, p0  }
0x20: {  	[sflag:s8] =	ssyncset.s32 @!p0 $0xFFFFF086;
	s6 =	sadd.s32 @!p0 s3, s7;
	s7 =	simm.s32 @!p0 $0x108  }
0x21: {  	s3 =	sadd.s32 s3, s9;
	s6 =	sadd.s32 @!p0 $0x88, s6;
	s7 =	simm.s32 @p2 $0x1082  }
0x22: {  	[simem:s7], [sflag:s8] =	dma.local @!p0 [hbm:s6], $0xF7A  }
0x23: {  	s9 =	sor.u32 $0xD0000000, s2;
	s6 =	simm.s32 $0x108;
	_ =	swait.ge @!p0 [sflag:s8], $0x0  }
0x24: {  	s3 =	sadd.s32 $0x88, s3;
	s6 =	simm.s32 @!p1 $0x1082;
	[sflag:s4] =	ssyncset.s32 $0xFFFFF086  }
0x25: {  	[simem:s6], [sflag:s4] =	dma.local [hbm:s3], $0xF7A  }
0x26: {  	[smem:$0x3F92] =	sst s1;
	(tag) =	ssettag s2;
	_ =	strace s9  }
0x27: {  	s1 =	sld [smem:$0x3FA2]  }
0x28: {  	s2 =	sld [smem:$0x3FA3]  }
0x29: {  	s4 =	sld [smem:$0x3FA5]  }
0x2a: {  	p0 =	seq.s32 s5, $0x0;
	s5 =	sld [smem:$0x3FA6]  }
0x2b: {  	s6 =	sld [smem:$0x3FA7]  }
0x2c: {  	s7 =	sld [smem:$0x3FA8]  }
0x2d: {  	s3 =	simm.s32 $0x108;
	s8 =	sld [smem:$0x3FA9]  }
0x2e: {  	s3 =	simm.s32 @!p0 $0x1082;
	s9 =	sld [smem:$0x3FAA]  }
0x2f: {  	lr =	sadd.s32 s0, s3;
	s0 =	sld [smem:$0x3FA1]  }
0x30: {  	s3 =	sld [smem:$0x3FA4]  }
0x31: {  	[smem:$0x3FAD] =	sst s10  }
0x32: {  	s10 =	sld [smem:$0x3FAB];
	_ =	sdelay $0x3  }
0x33: {  	p0 =	seq.s32 s10, $0x1;
	s10 =	sld [smem:$0x3FAD];
	_ =	sdelay $0x3  }
0x34: {  	[smem:$0x3FAD] =	sst s10  }
0x35: {  	s10 =	sld [smem:$0x3FAC];
	_ =	sdelay $0x3  }
0x36: {  	p1 =	seq.s32 s10, $0x1;
	s10 =	sld [smem:$0x3FAD];
	_ =	sdelay $0x3  }
0x37: {  	[smem:$0x3FAD] =	sst s10  }
0x38: {  	s10 =	sld [smem:$0x3FAE]  }
0x39: {  	_ = 	snop;
	(pc) =	sbr.ind lr, $3  }
0x3a: {  	_ = 	snop  }
0x3b: {  	_ = 	snop  }
0x3c: {  	p2 =	seq.s32 s10, $0x1;
	s10 =	sld [smem:$0x3FAD]  }
0x3d: {  	_ =	shalt  }
0x3e: {  	_ =	shalt  }
0x3f: {  	_ =	shalt  }
0x40: {  	_ =	shalt  }
0x41: {  	_ =	shalt  }
0x42: {  	_ =	shalt  }
0x43: {  	_ =	shalt  }
0x44: {  	_ =	shalt  }
0x45: {  	_ =	shalt  }
0x46: {  	_ =	shalt  }
0x47: {  	_ =	shalt  }
0x48: {  	_ =	shalt  }
0x49: {  	_ =	shalt  }
0x4a: {  	_ =	shalt  }
0x4b: {  	_ =	shalt  }
0x4c: {  	_ =	shalt  }
0x4d: {  	_ =	shalt  }
0x4e: {  	_ =	shalt  }
0x4f: {  	_ =	shalt  }
0x50: {  	_ =	shalt  }
0x51: {  	_ =	shalt  }
0x52: {  	_ =	shalt  }
0x53: {  	_ =	shalt  }
0x54: {  	_ =	shalt  }
0x55: {  	_ =	shalt  }
0x56: {  	_ =	shalt  }
0x57: {  	_ =	shalt  }
0x58: {  	_ =	shalt  }
0x59: {  	_ =	shalt  }
0x5a: {  	_ =	shalt  }
0x5b: {  	_ =	shalt  }
0x5c: {  	_ =	shalt  }
0x5d: {  	_ =	shalt  }
0x5e: {  	_ =	shalt  }
0x5f: {  	_ =	shalt  }
0x60: {  	_ =	shalt  }
0x61: {  	_ =	shalt  }
0x62: {  	_ =	shalt  }
0x63: {  	_ =	shalt  }
0x64: {  	_ =	shalt  }
0x65: {  	_ =	shalt  }
0x66: {  	_ =	shalt  }
0x67: {  	_ =	shalt  }
0x68: {  	_ =	shalt  }
0x69: {  	_ =	shalt  }
0x6a: {  	_ =	shalt  }
0x6b: {  	_ =	shalt  }
0x6c: {  	_ =	shalt  }
0x6d: {  	_ =	shalt  }
0x6e: {  	_ =	shalt  }
0x6f: {  	_ =	shalt  }
0x70: {  	_ =	shalt  }
0x71: {  	_ =	shalt  }
0x72: {  	_ =	shalt  }
0x73: {  	_ =	shalt  }
0x74: {  	_ =	shalt  }
0x75: {  	_ =	shalt  }
0x76: {  	_ =	shalt  }
0x77: {  	_ =	shalt  }
0x78: {  	_ =	shalt  }
0x79: {  	_ =	shalt  }
0x7a: {  	_ =	shalt  }
0x7b: {  	_ =	shalt  }
0x7c: {  	_ =	shalt  }
0x7d: {  	_ =	shalt  }
0x7e: {  	_ =	shalt  }
0x7f: {  	_ =	shalt  }
0x80: {  	_ =	shalt  }
0x81: {  	_ =	shalt  }
0x82: {  	_ =	shalt  }
0x83: {  	_ =	shalt  }
0x84: {  	_ =	shalt  }
0x85: {  	_ =	shalt  }
0x86: {  	_ =	shalt  }
0x87: {  	_ =	shalt  }
.Lfunc_end0:
.L_simem_size_0:
called_computation.2_lowered:
.L_overlay_start_0:
0x88: {  	s2 =	sld [smem:$0x3FD9]  }
0x89: {  	s3 =	sld [smem:$0x3FFE];
	_ =	sdelay $0x1  }
0x8a: {  	s1 =	srdreg.scid  }
0x8b: {  	s0 =	sand.u32 $0x1, s1  }
0x8c: {  	s16 =	sshll.u32 s0, $0xA;
	s2 =	sadd.s32 s3, s2  }
0x8d: {  	s2 =	sadd.s32 s2, s16  }
0x8e: {  	[smem:$0x3FB9] =	sst s2  }
0x8f: {  	_ = 	snop  }
0x90: {  	(tm) =	ssettm $0x1  }
0x91: {  	s17 =	sld [smem:$0x3FFB];
	_ =	sdelay $0x3  }
0x92: {  	_ =	strace s17  }
0x93: {  	s2 =	sld [smem:$0x3FFC];
	_ =	sdelay $0x3  }
0x94: {  	_ =	strace s2  }
0x95: {  	s2 =	sld [smem:$0x3FFD];
	_ =	sdelay $0x3  }
0x96: {  	_ =	strace s2  }
0x97: {  	_ =	strace $0x8FFFFFFF  }
0x98: {  	s18 =	sld [smem:$0x3FDB];
	_ =	sdelay $0x1  }
0x99: {  	s19 =	simm.s32 $_scs_section_size  }
0x9a: {  	s4 =	simm.s32 $_size__tile_overlayer_lowered;
	s5 =	simm.s32 $_tile_overlayer_lowered  }
0x9b: {  	s22 =	simm.s32 $0x1BFF;
	s21 =	sshll.u32 s5, $0x1;
	s2 =	sadd.s32 s19, s18  }
0x9c: {  	s6 =	simm.s32 $0x0;
	s20 =	sshll.u32 s4, $0x1;
	s4 =	sadd.s32 s21, s2  }
0x9d: {  	[timem:s6], [sflag:s22] =	dma.local [hbm:s4], s20  }
0x9e: {  	_ =	swait.ge [sflag:s22], s20  }
0x9f: {  	s3 =	ssub.s32 $0x0, s20;
	[sflag:s22] =	ssyncset.done $0x0  }
0xa0: {  	[sflag:s22] =	ssyncadd.s32 s3;
	_ =	sdelay $0x1  }
0xa1: {  	s23 =	simm.s32 $0x1B8B  }
0xa2: {  	_ =	swait.ge [sflag:s23], $0x1  }
0xa3: {  	[sflag:s23] =	ssyncset.done $0x0  }
0xa4: {  	s25 =	simm.s32 $0x1B8E;
	s24 =	sld [smem:$0x3FFE];
	[sflag:s23] =	ssyncadd.s32 $0xFFFFFFFF  }
0xa5: {  	s26 =	simm.s32 $execute0_lowered;
	[smem:$0x3FD2] =	sst s25  }
0xa6: {  	s4 =	sshll.u32 s26, $0x1;
	_ =	strace $0x8000004C;
	[dreg:$0x1] =	wrdreg $0xFFFFFFFF  }
0xa7: {  	s28 =	simm.s32 $_size_execute0_lowered;
	s2 =	sadd.s32 s2, s4;
	[dreg:$0x0] =	wrdreg $0x0  }
0xa8: {  	s4 =	sshll.u32 s28, $0x1;
	[dreg:$0x2] =	wrdreg s2  }
0xa9: {  	[dreg:$0x3] =	wrdreg s4  }
0xaa: {  	[dreg:$0x4] =	wrdreg $0xC0  }
0xab: {  	_ =	task [dreg:s6], $0x5FFFF  }
0xac: {  	[dreg:$0x1] =	wrdreg $0xFFFFFFFF  }
0xad: {  	[dreg:$0x0] =	wrdreg $0x60  }
0xae: {  	[dreg:$0x2] =	wrdreg s24  }
0xaf: {  	[dreg:$0x3] =	wrdreg $0xB5400  }
0xb0: {  	[dreg:$0x4] =	wrdreg $0x9  }
0xb1: {  	_ =	task.clear_ibuf [dreg:s6], $0x5FFFF;
	_ =	strace $0x9000004C  }
0xb2: {  	s29 =	simm.s32 $0x9;
	_ =	strace $0x8000004E  }
0xb3: {  	_ =	swait.ge [sflag:s29], $0x1  }
0xb4: {  	[sflag:s29] =	ssyncadd.s32 $0xFFFFFFFF  }
0xb5: {  	_ =	strace $0x9000004E  }
0xb6: {  	_ =	sfence  }
0xb7: {  	s30 =	sld [smem:$0x0];
	_ =	sdelay $0x2  }
0xb8: {  	s31 =	sshll.u32 s1, $0xD;
	s1 =	sshrl.u32 s1, $0x2  }
0xb9: {  	s3 =	sand.u32 $0x4000, s31;
	s1 =	sadd.s32 s1, s30  }
0xba: {  	s0 =	sor.u32 s3, s0;
	s1 =	sshll.u32 s1, $0x11  }
0xbb: {  	s0 =	sor.u32 s1, s0  }
0xbc: {  	s0 =	sadd.s32 $0x8F2B, s0  }
0xbd: {  	[sflag:s0] =	ssyncadd.remote.s32 $0x1  }
0xbe: {  	_ =	sfence.sel $0xFFFF  }
0xbf: {  	[dreg:$0x0] =	wrdreg $0xFFFFFFFF;
	(pc) =	sbr.abs _section_cstart, $3  }
0xc0: {  	[dreg:$0x1] =	wrdreg $0xFFFFFFFF  }
0xc1: {  	_ =	task.clear_ibuf [dreg:s6], $0x2FFFF;
	_ =	strace $0x9FFFFFFF  }
0xc2: {  	(tm) =	ssettm $0x7FFFFFFF  }
0xc3: {  	_ =	shalt  }
tec
execute0_lowered:
.L_overlay_start_1:
0x0: {  	(tag) =	ssettag $0x1  }
0x1: {  	s0 =	srdreg.scid;
	s5 =	rddreg [dreg:$0x0]  }
0x2: {  	s9 =	stileid.u32;
	s2 =	rddreg [dreg:$0x1]  }
0x3: {  	s3 =	simm.s32 $0x0;
	s13 =	simm.s32 $0x28A0;
	s14 =	simm.s32 $0x1  }
0x4: {  	s15 =	simm.s32 $0x64;
	s16 =	simm.s32 $0x5140;
	s17 =	simm.s32 $0x68  }
0x5: {  	s18 =	simm.s32 $0x6A40;
	s19 =	simm.s32 $0xD0;
	s20 =	simm.s32 $0x8340  }
0x6: {  	s21 =	simm.s32 $0x2;
	s23 =	simm.s32 $0x9C40;
	s24 =	simm.s32 $0x3  }
0x7: {  	s29 =	simm.s32 $0x4;
	s31 =	simm.s32 $0x7;
	s25 =	simm.s32 $0x8  }
0x8: {  	s30 =	simm.s32 $0x9;
	s22 =	simm.s32 $0x0;
	s0 =	sand.u32 $0x1, s0  }
0x9: {  	s1 =	sshll.u32 s9, $0x1;
	s7 =	smul.u32 $0xA000, s9;
	[smem:$0x7FF] =	sst s3  }
0xa: {  	s4 =	sadd.s32 $0x4C00, s5;
	s8 =	sadd.s32 $0x18600, s5;
	s1 =	sor.u32 s0, s1  }
0xb: {  	s6 =	smul.u32 $0xA0000, s0;
	_ =	strace $0x8000004D;
	s0 =	ssub.s32 $0x2, s0  }
0xc: {  	[dreg:$0x3] =	wrdreg s8;
	s1 =	smul.u32 $0x28A0, s1;
	s26 =	sshrl.u32 s0, $0x1  }
0xd: {  	s12 =	sadd.s32 s7, s2;
	s6 =	sadd.s32 s7, s6;
	s0 =	ssub.s32 s0, s26  }
0xe: {  	s12 =	sshrl.u32 s12, $0x3;
	s26 =	simm.s32 $0x6;
	s1 =	sshrl.u32 s1, $0x3  }
0xf: {  	s6 =	sshrl.u32 s6, $0x3;
	s11 =	smax.u32 s0, $0x1;
	s0 =	simm.s32 $0x5  }
0x10: {  	s1 =	sadd.s32 s1, s5;
	s5 =	sadd.s32 s6, s5;
	s6 =	sshll.u32 s9, $0x6  }
0x11: {  	s28 =	sor.u32 $0x1C01, s6;
	s8 =	sadd.s32 $0x28A00, s1;
	s9 =	sadd.s32 $0x32C80, s1  }
0x12: {  	s10 =	sadd.s32 $0x3D000, s5;
	s1 =	simm.s32 $0xA;
	[dreg:$0x4] =	wrdreg s28  }
.LBB2_1:
0x13: {  	s5 =	rddreg [dreg:$0x3]  }
0x14: {  	s7 =	rddreg [dreg:$0x4]  }
0x15: {  	[spmem:s12], [sflag:s7] =	dma.local [hbm:s5], $0x1400  }
0x16: {  	[tilespmem:s3], [sflag:$0x1] =	stream.linear.gather [hbm4b:s8+s3], $0x28A0, $0x38;
	[tilespmem:$0x15540] =	vst v63  }
0x17: {  	_ = 	snop  }
0x18: {  	[tilespmem:s13], [sflag:$0x1] =	stream.linear.gather [hbm4b:s9+s3], $0x28A0, $0x38;
	[tilespmem:$0x15540] =	vst v63  }
0x19: {  	_ =	swait.ge [sflag:s14], $0x1400  }
0x1a: {  	[sflag:s14] =	ssyncset.done $0x0  }
0x1b: {  	[sflag:s14] =	ssyncadd.s32 $0xFFFFEC00  }
0x1c: {  	_ =	swait.ge [sflag:s14], $0x28A0  }
0x1d: {  	[sflag:s14] =	ssyncset.done $0x0  }
0x1e: {  	[sflag:s14] =	ssyncadd.s32 $0xFFFFD760  }
0x1f: {  	_ =	swait.ge [sflag:s14], $0x28A0  }
0x20: {  	[sflag:s14] =	ssyncset.done $0x0  }
0x21: {  	[sflag:s14] =	ssyncadd.s32 $0xFFFFD760  }
0x22: {  	[bflag:$0x0] =	sbarrier.arrive $0xFFFF  }
0x23: {  	[tilespmem:s16], [sflag:$0x2] =	stream.indirect.gather [hbm4b:s4+s15], $0x40, s3, s15, $0xb8;
	[tilespmem:$0x15540] =	vst v63  }
0x24: {  	_ = 	snop  }
0x25: {  	[tilespmem:s18], [sflag:$0x3] =	stream.indirect.gather [hbm4b:s4+s15], $0x40, s17, s15, $0xb8;
	[tilespmem:$0x15540] =	vst v63  }
0x26: {  	_ = 	snop  }
0x27: {  	[tilespmem:s20], [sflag:$0x4] =	stream.indirect.gather [hbm4b:s4+s15], $0x40, s19, s15, $0xb8;
	[tilespmem:$0x15540] =	vst v63  }
0x28: {  	_ =	swait.ge [sflag:s21], $0x1900  }
0x29: {  	[sflag:s21] =	ssyncset.done $0x0  }
0x2a: {  	[sflag:s21] =	ssyncadd.s32 $0xFFFFE700  }
0x2b: {  	[spmem:s2] =	stream.indirect.scatter.add.f32 [tilespmem:s16], [sflag:$0x6], $0x40, s13, s15, $0xb8;
	[tilespmem:$0x15540] =	vst v63  }
0x2c: {  	s7 =	simm.s32 $0x138  }
0x2d: {  	[tilespmem:s23], [sflag:$0x5] =	stream.indirect.gather [hbm4b:s4+s15], $0x40, s7, s15, $0xb8;
	[tilespmem:$0x15540] =	vst v63  }
0x2e: {  	_ =	swait.ge [sflag:s24], $0x1900  }
0x2f: {  	[sflag:s24] =	ssyncset.done $0x0  }
0x30: {  	s7 =	simm.s32 $0x2908;
	[sflag:s24] =	ssyncadd.s32 $0xFFFFE700  }
0x31: {  	[spmem:s2] =	stream.indirect.scatter.add.f32 [tilespmem:s18], [sflag:$0x7], $0x40, s7, s15, $0xb8;
	[tilespmem:$0x15540] =	vst v63  }
0x32: {  	_ =	swait.ge [sflag:s26], $0x1900  }
0x33: {  	[sflag:s26] =	ssyncset.done $0x0  }
0x34: {  	s7 =	simm.s32 $0x1A0;
	[sflag:s26] =	ssyncadd.s32 $0xFFFFE700  }
0x35: {  	[tilespmem:s16], [sflag:$0x2] =	stream.indirect.gather [hbm4b:s4+s15], $0x40, s7, s15, $0xb8;
	[tilespmem:$0x15540] =	vst v63  }
0x36: {  	_ =	swait.ge [sflag:s29], $0x1900  }
0x37: {  	[sflag:s29] =	ssyncset.done $0x0  }
0x38: {  	s7 =	simm.s32 $0x2970;
	[sflag:s29] =	ssyncadd.s32 $0xFFFFE700  }
0x39: {  	[spmem:s2] =	stream.indirect.scatter.add.f32 [tilespmem:s20], [sflag:$0x8], $0x40, s7, s15, $0xb8;
	[tilespmem:$0x15540] =	vst v63  }
0x3a: {  	_ =	swait.ge [sflag:s31], $0x1900  }
0x3b: {  	[sflag:s31] =	ssyncset.done $0x0  }
0x3c: {  	s7 =	simm.s32 $0x208;
	[sflag:s31] =	ssyncadd.s32 $0xFFFFE700  }
0x3d: {  	[tilespmem:s18], [sflag:$0x3] =	stream.indirect.gather [hbm4b:s4+s15], $0x40, s7, s15, $0xb8;
	[tilespmem:$0x15540] =	vst v63  }
0x3e: {  	_ =	swait.ge [sflag:s0], $0x1900  }
0x3f: {  	[sflag:s0] =	ssyncset.done $0x0  }
0x40: {  	s7 =	simm.s32 $0x29D8;
	[sflag:s0] =	ssyncadd.s32 $0xFFFFE700  }
0x41: {  	[spmem:s2] =	stream.indirect.scatter.add.f32 [tilespmem:s23], [sflag:$0x9], $0x40, s7, s15, $0xb8;
	[tilespmem:$0x15540] =	vst v63  }
0x42: {  	_ =	swait.ge [sflag:s25], $0x1900  }
0x43: {  	[sflag:s25] =	ssyncset.done $0x0  }
0x44: {  	s7 =	simm.s32 $0x270;
	[sflag:s25] =	ssyncadd.s32 $0xFFFFE700  }
0x45: {  	[tilespmem:s20], [sflag:$0x4] =	stream.indirect.gather [hbm4b:s4+s15], $0x40, s7, s15, $0xb8;
	[tilespmem:$0x15540] =	vst v63  }
0x46: {  	_ =	swait.ge [sflag:s21], $0x1900  }
0x47: {  	[sflag:s21] =	ssyncset.done $0x0  }
0x48: {  	s7 =	simm.s32 $0x2A40;
	[sflag:s21] =	ssyncadd.s32 $0xFFFFE700  }
0x49: {  	[spmem:s2] =	stream.indirect.scatter.add.f32 [tilespmem:s16], [sflag:$0x6], $0x40, s7, s15, $0xb8;
	[tilespmem:$0x15540] =	vst v63  }
0x4a: {  	_ =	swait.ge [sflag:s30], $0x1900  }
0x4b: {  	[sflag:s30] =	ssyncset.done $0x0  }
0x4c: {  	s7 =	simm.s32 $0x2D8;
	[sflag:s30] =	ssyncadd.s32 $0xFFFFE700  }
0x4d: {  	[tilespmem:s23], [sflag:$0x5] =	stream.indirect.gather [hbm4b:s4+s15], $0x40, s7, s15, $0xb8;
	[tilespmem:$0x15540] =	vst v63  }
0x4e: {  	_ =	swait.ge [sflag:s24], $0x1900  }
0x4f: {  	[sflag:s24] =	ssyncset.done $0x0  }
0x50: {  	s7 =	simm.s32 $0x2AA8;
	[sflag:s24] =	ssyncadd.s32 $0xFFFFE700  }
0x51: {  	[spmem:s2] =	stream.indirect.scatter.add.f32 [tilespmem:s18], [sflag:$0x7], $0x40, s7, s15, $0xb8;
	[tilespmem:$0x15540] =	vst v63  }
0x52: {  	_ =	swait.ge [sflag:s26], $0x1900  }
0x53: {  	[sflag:s26] =	ssyncset.done $0x0  }
0x54: {  	s7 =	simm.s32 $0x340;
	[sflag:s26] =	ssyncadd.s32 $0xFFFFE700  }
0x55: {  	[tilespmem:s16], [sflag:$0x2] =	stream.indirect.gather [hbm4b:s4+s15], $0x40, s7, s15, $0xb8;
	[tilespmem:$0x15540] =	vst v63  }
0x56: {  	_ =	swait.ge [sflag:s29], $0x1900  }
0x57: {  	[sflag:s29] =	ssyncset.done $0x0  }
0x58: {  	s7 =	simm.s32 $0x2B10;
	[sflag:s29] =	ssyncadd.s32 $0xFFFFE700  }
0x59: {  	[spmem:s2] =	stream.indirect.scatter.add.f32 [tilespmem:s20], [sflag:$0x8], $0x40, s7, s15, $0xb8;
	[tilespmem:$0x15540] =	vst v63  }
0x5a: {  	_ =	swait.ge [sflag:s31], $0x1900  }
0x5b: {  	[sflag:s31] =	ssyncset.done $0x0  }
0x5c: {  	s7 =	simm.s32 $0x3A8;
	[sflag:s31] =	ssyncadd.s32 $0xFFFFE700  }
0x5d: {  	[tilespmem:s18], [sflag:$0x3] =	stream.indirect.gather [hbm4b:s4+s15], $0x40, s7, s15, $0xb8;
	[tilespmem:$0x15540] =	vst v63  }
0x5e: {  	_ =	swait.ge [sflag:s0], $0x1900  }
0x5f: {  	[sflag:s0] =	ssyncset.done $0x0  }
0x60: {  	s7 =	simm.s32 $0x2B78;
	[sflag:s0] =	ssyncadd.s32 $0xFFFFE700  }
0x61: {  	[spmem:s2] =	stream.indirect.scatter.add.f32 [tilespmem:s23], [sflag:$0x9], $0x40, s7, s15, $0xb8;
	[tilespmem:$0x15540] =	vst v63  }
0x62: {  	_ =	swait.ge [sflag:s25], $0x1900  }
0x63: {  	[sflag:s25] =	ssyncset.done $0x0  }
0x64: {  	s28 =	simm.s32 $0x680;
	s5 =	simm.s32 $0x410;
	[sflag:s25] =	ssyncadd.s32 $0xFFFFE700  }
.LBB2_2:
0x65: {  	[tilespmem:s20], [sflag:$0x4] =	stream.indirect.gather [hbm4b:s4+s15], $0x40, s5, s15, $0xb8;
	[tilespmem:$0x15540] =	vst v63  }
0x66: {  	s5 =	smov.u32 s28;
	s28 =	sadd.s32 $0x680, s28;
	_ =	swait.ge [sflag:s21], $0x1900  }
0x67: {  	s5 =	sshra.s32 s5, $0x2;
	p0 =	sne.s32 s28, $0x9580;
	[sflag:s21] =	ssyncset.done $0x0  }
0x68: {  	s7 =	sadd.s32 $0x2A40, s5;
	[sflag:s21] =	ssyncadd.s32 $0xFFFFE700  }
0x69: {  	[spmem:s2] =	stream.indirect.scatter.add.f32 [tilespmem:s16], [sflag:$0x6], $0x40, s7, s15, $0xb8;
	[tilespmem:$0x15540] =	vst v63  }
0x6a: {  	_ =	swait.ge [sflag:s30], $0x1900  }
0x6b: {  	[sflag:s30] =	ssyncset.done $0x0  }
0x6c: {  	s7 =	sadd.s32 $0x2D8, s5;
	[sflag:s30] =	ssyncadd.s32 $0xFFFFE700  }
0x6d: {  	[tilespmem:s23], [sflag:$0x5] =	stream.indirect.gather [hbm4b:s4+s15], $0x40, s7, s15, $0xb8;
	[tilespmem:$0x15540] =	vst v63  }
0x6e: {  	_ =	swait.ge [sflag:s24], $0x1900  }
0x6f: {  	[sflag:s24] =	ssyncset.done $0x0  }
0x70: {  	s7 =	sadd.s32 $0x2AA8, s5;
	[sflag:s24] =	ssyncadd.s32 $0xFFFFE700  }
0x71: {  	[spmem:s2] =	stream.indirect.scatter.add.f32 [tilespmem:s18], [sflag:$0x7], $0x40, s7, s15, $0xb8;
	[tilespmem:$0x15540] =	vst v63  }
0x72: {  	_ =	swait.ge [sflag:s26], $0x1900  }
0x73: {  	[sflag:s26] =	ssyncset.done $0x0  }
0x74: {  	s7 =	sadd.s32 $0x340, s5;
	[sflag:s26] =	ssyncadd.s32 $0xFFFFE700  }
0x75: {  	[tilespmem:s16], [sflag:$0x2] =	stream.indirect.gather [hbm4b:s4+s15], $0x40, s7, s15, $0xb8;
	[tilespmem:$0x15540] =	vst v63  }
0x76: {  	_ =	swait.ge [sflag:s29], $0x1900  }
0x77: {  	[sflag:s29] =	ssyncset.done $0x0  }
0x78: {  	s7 =	sadd.s32 $0x2B10, s5;
	[sflag:s29] =	ssyncadd.s32 $0xFFFFE700  }
0x79: {  	[spmem:s2] =	stream.indirect.scatter.add.f32 [tilespmem:s20], [sflag:$0x8], $0x40, s7, s15, $0xb8;
	[tilespmem:$0x15540] =	vst v63  }
0x7a: {  	_ =	swait.ge [sflag:s31], $0x1900  }
0x7b: {  	[sflag:s31] =	ssyncset.done $0x0  }
0x7c: {  	s7 =	sadd.s32 $0x3A8, s5;
	[sflag:s31] =	ssyncadd.s32 $0xFFFFE700  }
0x7d: {  	[tilespmem:s18], [sflag:$0x3] =	stream.indirect.gather [hbm4b:s4+s15], $0x40, s7, s15, $0xb8;
	[tilespmem:$0x15540] =	vst v63  }
0x7e: {  	_ =	swait.ge [sflag:s0], $0x1900  }
0x7f: {  	[sflag:s0] =	ssyncset.done $0x0  }
.Ltmp0:
0x80: {  	s7 =	sadd.s32 $0x2B78, s5;
	[sflag:s0] =	ssyncadd.s32 $0xFFFFE700;
	(pc) =	sbr.rel @p0 .LBB2_2-.Ltmp0, $4  }
0x81: {  	[spmem:s2] =	stream.indirect.scatter.add.f32 [tilespmem:s23], [sflag:$0x9], $0x40, s7, s15, $0xb8;
	[tilespmem:$0x15540] =	vst v63  }
0x82: {  	_ =	swait.ge [sflag:s25], $0x1900  }
0x83: {  	[sflag:s25] =	ssyncset.done $0x0  }
0x84: {  	s5 =	sadd.s32 $0x410, s5;
	[sflag:s25] =	ssyncadd.s32 $0xFFFFE700  }
0x85: {  	[tilespmem:s20], [sflag:$0x4] =	stream.indirect.gather [hbm4b:s4+s15], $0x40, s5, s15, $0xb8;
	[tilespmem:$0x15540] =	vst v63  }
0x86: {  	_ =	swait.ge [sflag:s21], $0x1900  }
0x87: {  	s5 =	sshra.s32 s28, $0x2;
	[sflag:s21] =	ssyncset.done $0x0  }
0x88: {  	s7 =	sadd.s32 $0x2A40, s5;
	[sflag:s21] =	ssyncadd.s32 $0xFFFFE700  }
0x89: {  	[spmem:s2] =	stream.indirect.scatter.add.f32 [tilespmem:s16], [sflag:$0x6], $0x40, s7, s15, $0xb8;
	[tilespmem:$0x15540] =	vst v63  }
0x8a: {  	_ =	swait.ge [sflag:s30], $0x1900  }
0x8b: {  	[sflag:s30] =	ssyncset.done $0x0  }
0x8c: {  	s28 =	sadd.s32 $0x2D8, s5;
	[sflag:s30] =	ssyncadd.s32 $0xFFFFE700  }
0x8d: {  	[tilespmem:s23], [sflag:$0x5] =	stream.indirect.gather [hbm4b:s4+s15], $0x40, s28, s15, $0xb8;
	[tilespmem:$0x15540] =	vst v63  }
0x8e: {  	_ =	swait.ge [sflag:s24], $0x1900  }
0x8f: {  	[sflag:s24] =	ssyncset.done $0x0  }
0x90: {  	s28 =	sadd.s32 $0x2AA8, s5;
	[sflag:s24] =	ssyncadd.s32 $0xFFFFE700  }
0x91: {  	[spmem:s2] =	stream.indirect.scatter.add.f32 [tilespmem:s18], [sflag:$0x7], $0x40, s28, s15, $0xb8;
	[tilespmem:$0x15540] =	vst v63  }
0x92: {  	_ =	swait.ge [sflag:s26], $0x1900  }
0x93: {  	[sflag:s26] =	ssyncset.done $0x0  }
0x94: {  	[sflag:s26] =	ssyncadd.s32 $0xFFFFE700  }
0x95: {  	[tilespmem:s16], [sflag:$0x2] =	stream.indirect.gather [hbm4b:s4+s15], $0x40, s3, s15, $0xb8;
	[tilespmem:$0x15540] =	vst v63  }
0x96: {  	_ =	swait.ge [sflag:s29], $0x1900  }
0x97: {  	[sflag:s29] =	ssyncset.done $0x0  }
0x98: {  	s28 =	sadd.s32 $0x2B10, s5;
	[sflag:s29] =	ssyncadd.s32 $0xFFFFE700  }
0x99: {  	[spmem:s2] =	stream.indirect.scatter.add.f32 [tilespmem:s20], [sflag:$0x8], $0x40, s28, s15, $0xb8;
	[tilespmem:$0x15540] =	vst v63  }
0x9a: {  	_ =	swait.ge [sflag:s31], $0x1900  }
0x9b: {  	[sflag:s31] =	ssyncset.done $0x0  }
0x9c: {  	[sflag:s31] =	ssyncadd.s32 $0xFFFFE700  }
0x9d: {  	[tilespmem:s18], [sflag:$0x3] =	stream.indirect.gather [hbm4b:s4+s15], $0x40, s17, s15, $0xb8;
	[tilespmem:$0x15540] =	vst v63  }
0x9e: {  	_ =	swait.ge [sflag:s0], $0x1900  }
0x9f: {  	[sflag:s0] =	ssyncset.done $0x0  }
0xa0: {  	s5 =	sadd.s32 $0x2B78, s5;
	[sflag:s0] =	ssyncadd.s32 $0xFFFFE700  }
0xa1: {  	[spmem:s2] =	stream.indirect.scatter.add.f32 [tilespmem:s23], [sflag:$0x9], $0x40, s5, s15, $0xb8;
	[tilespmem:$0x15540] =	vst v63  }
0xa2: {  	_ =	swait.ge [sflag:s25], $0x1900  }
0xa3: {  	[sflag:s25] =	ssyncset.done $0x0  }
0xa4: {  	[sflag:s25] =	ssyncadd.s32 $0xFFFFE700  }
0xa5: {  	[tilespmem:s20], [sflag:$0x4] =	stream.indirect.gather [hbm4b:s4+s15], $0x40, s19, s15, $0xb8;
	[tilespmem:$0x15540] =	vst v63  }
0xa6: {  	_ =	swait.ge [sflag:s30], $0x1900  }
0xa7: {  	[sflag:s30] =	ssyncset.done $0x0  }
0xa8: {  	[sflag:s30] =	ssyncadd.s32 $0xFFFFE700  }
0xa9: {  	_ =	swait.ge [sflag:s21], $0x1900  }
0xaa: {  	[sflag:s21] =	ssyncset.done $0x0  }
0xab: {  	[sflag:s21] =	ssyncadd.s32 $0xFFFFE700  }
0xac: {  	_ =	swait.ge [sflag:s24], $0x1900  }
0xad: {  	[sflag:s24] =	ssyncset.done $0x0  }
0xae: {  	[sflag:s24] =	ssyncadd.s32 $0xFFFFE700  }
0xaf: {  	_ =	swait.ge [sflag:s29], $0x1900  }
0xb0: {  	s22 =	sadd.s32 $0x1, s22;
	[sflag:s29] =	ssyncset.done $0x0  }
0xb1: {  	p0 =	sne.s32 s22, s11;
	[sflag:s29] =	ssyncadd.s32 $0xFFFFE700  }
.Ltmp1:
0xb2: {  	s28 =	sor.u32 $0x1C0A, s6;
	[bflag:$0x0] =	sbarrier.arrive $0xFFFF;
	(pc) =	sbr.rel @p0 .LBB2_1-.Ltmp1, $4  }
0xb3: {  	[hbm:s10], [sflag:s28] =	dma.local [spmem:s12], $0x1400  }
0xb4: {  	_ =	swait.ge [sflag:s1], $0x1400  }
0xb5: {  	[sflag:s1] =	ssyncset.done $0x0  }
0xb6: {  	[sflag:s1] =	ssyncadd.s32 $0xFFFFEC00  }
0xb7: {  	_ =	sfence.sel $0x180000  }
0xb8: {  	[bflag:$0x0] =	sbarrier.arrive $0xFFFF  }
0xb9: {  	_ =	strace $0x9000004D  }
0xba: {  	s0 =	stileid.u32;
	[bflag:$0x2] =	sbarrier.arrive $0xFFFF  }
0xbb: {  	p0 =	sne.s32 s0, $0x0;
	s0 =	rddreg [dreg:$0x2]  }
0xbc: {  	s0 =	sadd.s32 @!p0 $0x100000, s0  }
0xbd: {  	[sflag:s0] =	ssyncadd.tile.s32 @!p0 $0x1;
	_ =	shalt  }
.Lfunc_end2:
_tile_overlayer_lowered:
.L_overlay_start_2:
0xbe: {  	(tag) =	ssettag $0x2  }
0xbf: {  	s0 =	rddreg [dreg:$0x0];
	s2 =	stileid.u32  }
0xc0: {  	s1 =	rddreg [dreg:$0x1];
	p0 =	sne.s32 s2, $0x0  }
0xc1: {  	s3 =	rddreg [dreg:$0x2];
	[bflag:$0x3] =	sbarrier.arrive $0xFFFF;
	s2 =	simm.s32 @!p0 $0x1C0A  }
0xc2: {  	[timem:s3], [sflag:s2] =	dma.local @!p0 [hbm:s0], s1  }
0xc3: {  	s0 =	simm.s32 @!p0 $0xA  }
0xc4: {  	_ =	swait.ge @!p0 [sflag:s0], s1  }
0xc5: {  	s1 =	ssub.s32 @!p0 $0x0, s1;
	[sflag:s0] =	ssyncset.done @!p0 $0x0  }
0xc6: {  	[sflag:s0] =	ssyncadd.s32 @!p0 s1  }
0xc7: {  	[bflag:$0x3] =	sbarrier.arrive $0xFFFF  }
0xc8: {  	_ =	shalt  }

// kernel: kernel.20.cloned.1.call-start
scs
__scs_entry_jumppad:
0x0: {  	(pc) =	sbr.rel $0x88, $3  }
0x1: {  	(tag) =	ssettag $0x0;
	lr =	simm.s32 $0x1  }
0x2: {  	[smem:$0x3F92] =	sst lr;
	_ =	strace $0xD0000000  }
0x3: {  	_ = 	snop  }
0x4: {  	_ = 	snop  }
0x5: {  	_ = 	snop  }
0x6: {  	_ = 	snop  }
0x7: {  	_ = 	snop  }
__scs_overlays_trampoline_lowered:
0x8: {  	[smem:$0x3FA1] =	sst s0  }
0x9: {  	[smem:$0x3FA2] =	sst s1  }
0xa: {  	[smem:$0x3FA3] =	sst s2  }
0xb: {  	[smem:$0x3FA4] =	sst s3  }
0xc: {  	[smem:$0x3FA5] =	sst s4  }
0xd: {  	[smem:$0x3FA6] =	sst s5  }
0xe: {  	[smem:$0x3FA7] =	sst s6  }
0xf: {  	[smem:$0x3FA8] =	sst s7  }
0x10: {  	[smem:$0x3FA9] =	sst s8  }
0x11: {  	[smem:$0x3FAA] =	sst s9;
	s0 =	simm.s32 @!p0 $0x0  }
0x12: {  	s1 =	sld [smem:$0x3F90];
	s0 =	simm.s32 @p0 $0x1  }
0x13: {  	[smem:$0x3FAB] =	sst s0;
	s0 =	simm.s32 @!p1 $0x0  }
0x14: {  	s2 =	sld [smem:$0x3F8F];
	s0 =	simm.s32 @p1 $0x1  }
0x15: {  	[smem:$0x3FAC] =	sst s0;
	s0 =	simm.s32 @!p2 $0x0  }
0x16: {  	s3 =	sld [smem:$0x3FDB];
	s0 =	simm.s32 @p2 $0x1  }
0x17: {  	s4 =	simm.s32 $0x1BF5;
	[smem:$0x3FAE] =	sst s0  }
0x18: {  	s0 =	sld [smem:$0x3F91];
	_ =	swait.ge [sflag:s4], $0x0  }
0x19: {  	s7 =	sld [smem:$0x3F92]  }
0x1a: {  	s8 =	sadd.s32 $0xFFFFE003, lr  }
0x1b: {  	s9 =	sadd.s32 $0xFFFFFEF7, lr;
	s5 =	simm.s32 $0xFFFFFFFF;
	p2 =	slt.u32 s8, $0xFFFFF086  }
0x1c: {  	p1 =	slt.u32 s9, $0xF7A;
	s5 =	simm.s32 @!p2 $0x0  }
0x1d: {  	s5 =	simm.s32 @p1 $0x1;
	p0 =	seq.s32 s7, s2  }
0x1e: {  	s7 =	smul.u32 @!p0 $0xF7A, s2;
	p2 =	seq.s32 @!p0 s5, $0x0  }
0x1f: {  	s9 =	smul.u32 $0xF7A, s1;
	s8 =	simm.s32 @!p0 $0x1BF5;
	p2 =	por !p2, p0  }
0x20: {  	[sflag:s8] =	ssyncset.s32 @!p0 $0xFFFFF086;
	s6 =	sadd.s32 @!p0 s3, s7;
	s7 =	simm.s32 @!p0 $0x108  }
0x21: {  	s3 =	sadd.s32 s3, s9;
	s6 =	sadd.s32 @!p0 $0x88, s6;
	s7 =	simm.s32 @p2 $0x1082  }
0x22: {  	[simem:s7], [sflag:s8] =	dma.local @!p0 [hbm:s6], $0xF7A  }
0x23: {  	s9 =	sor.u32 $0xD0000000, s2;
	s6 =	simm.s32 $0x108;
	_ =	swait.ge @!p0 [sflag:s8], $0x0  }
0x24: {  	s3 =	sadd.s32 $0x88, s3;
	s6 =	simm.s32 @!p1 $0x1082;
	[sflag:s4] =	ssyncset.s32 $0xFFFFF086  }
0x25: {  	[simem:s6], [sflag:s4] =	dma.local [hbm:s3], $0xF7A  }
0x26: {  	[smem:$0x3F92] =	sst s1;
	(tag) =	ssettag s2;
	_ =	strace s9  }
0x27: {  	s1 =	sld [smem:$0x3FA2]  }
0x28: {  	s2 =	sld [smem:$0x3FA3]  }
0x29: {  	s4 =	sld [smem:$0x3FA5]  }
0x2a: {  	p0 =	seq.s32 s5, $0x0;
	s5 =	sld [smem:$0x3FA6]  }
0x2b: {  	s6 =	sld [smem:$0x3FA7]  }
0x2c: {  	s7 =	sld [smem:$0x3FA8]  }
0x2d: {  	s3 =	simm.s32 $0x108;
	s8 =	sld [smem:$0x3FA9]  }
0x2e: {  	s3 =	simm.s32 @!p0 $0x1082;
	s9 =	sld [smem:$0x3FAA]  }
0x2f: {  	lr =	sadd.s32 s0, s3;
	s0 =	sld [smem:$0x3FA1]  }
0x30: {  	s3 =	sld [smem:$0x3FA4]  }
0x31: {  	[smem:$0x3FAD] =	sst s10  }
0x32: {  	s10 =	sld [smem:$0x3FAB];
	_ =	sdelay $0x3  }
0x33: {  	p0 =	seq.s32 s10, $0x1;
	s10 =	sld [smem:$0x3FAD];
	_ =	sdelay $0x3  }
0x34: {  	[smem:$0x3FAD] =	sst s10  }
0x35: {  	s10 =	sld [smem:$0x3FAC];
	_ =	sdelay $0x3  }
0x36: {  	p1 =	seq.s32 s10, $0x1;
	s10 =	sld [smem:$0x3FAD];
	_ =	sdelay $0x3  }
0x37: {  	[smem:$0x3FAD] =	sst s10  }
0x38: {  	s10 =	sld [smem:$0x3FAE]  }
0x39: {  	_ = 	snop;
	(pc) =	sbr.ind lr, $3  }
0x3a: {  	_ = 	snop  }
0x3b: {  	_ = 	snop  }
0x3c: {  	p2 =	seq.s32 s10, $0x1;
	s10 =	sld [smem:$0x3FAD]  }
0x3d: {  	_ =	shalt  }
0x3e: {  	_ =	shalt  }
0x3f: {  	_ =	shalt  }
0x40: {  	_ =	shalt  }
0x41: {  	_ =	shalt  }
0x42: {  	_ =	shalt  }
0x43: {  	_ =	shalt  }
0x44: {  	_ =	shalt  }
0x45: {  	_ =	shalt  }
0x46: {  	_ =	shalt  }
0x47: {  	_ =	shalt  }
0x48: {  	_ =	shalt  }
0x49: {  	_ =	shalt  }
0x4a: {  	_ =	shalt  }
0x4b: {  	_ =	shalt  }
0x4c: {  	_ =	shalt  }
0x4d: {  	_ =	shalt  }
0x4e: {  	_ =	shalt  }
0x4f: {  	_ =	shalt  }
0x50: {  	_ =	shalt  }
0x51: {  	_ =	shalt  }
0x52: {  	_ =	shalt  }
0x53: {  	_ =	shalt  }
0x54: {  	_ =	shalt  }
0x55: {  	_ =	shalt  }
0x56: {  	_ =	shalt  }
0x57: {  	_ =	shalt  }
0x58: {  	_ =	shalt  }
0x59: {  	_ =	shalt  }
0x5a: {  	_ =	shalt  }
0x5b: {  	_ =	shalt  }
0x5c: {  	_ =	shalt  }
0x5d: {  	_ =	shalt  }
0x5e: {  	_ =	shalt  }
0x5f: {  	_ =	shalt  }
0x60: {  	_ =	shalt  }
0x61: {  	_ =	shalt  }
0x62: {  	_ =	shalt  }
0x63: {  	_ =	shalt  }
0x64: {  	_ =	shalt  }
0x65: {  	_ =	shalt  }
0x66: {  	_ =	shalt  }
0x67: {  	_ =	shalt  }
0x68: {  	_ =	shalt  }
0x69: {  	_ =	shalt  }
0x6a: {  	_ =	shalt  }
0x6b: {  	_ =	shalt  }
0x6c: {  	_ =	shalt  }
0x6d: {  	_ =	shalt  }
0x6e: {  	_ =	shalt  }
0x6f: {  	_ =	shalt  }
0x70: {  	_ =	shalt  }
0x71: {  	_ =	shalt  }
0x72: {  	_ =	shalt  }
0x73: {  	_ =	shalt  }
0x74: {  	_ =	shalt  }
0x75: {  	_ =	shalt  }
0x76: {  	_ =	shalt  }
0x77: {  	_ =	shalt  }
0x78: {  	_ =	shalt  }
0x79: {  	_ =	shalt  }
0x7a: {  	_ =	shalt  }
0x7b: {  	_ =	shalt  }
0x7c: {  	_ =	shalt  }
0x7d: {  	_ =	shalt  }
0x7e: {  	_ =	shalt  }
0x7f: {  	_ =	shalt  }
0x80: {  	_ =	shalt  }
0x81: {  	_ =	shalt  }
0x82: {  	_ =	shalt  }
0x83: {  	_ =	shalt  }
0x84: {  	_ =	shalt  }
0x85: {  	_ =	shalt  }
0x86: {  	_ =	shalt  }
0x87: {  	_ =	shalt  }
.Lfunc_end0:
.L_simem_size_0:
called_computation.3_lowered:
.L_overlay_start_0:
0x88: {  	s2 =	sld [smem:$0x3FD9]  }
0x89: {  	s3 =	sld [smem:$0x3FFE];
	_ =	sdelay $0x1  }
0x8a: {  	s1 =	srdreg.scid  }
0x8b: {  	s0 =	sand.u32 $0x1, s1  }
0x8c: {  	s16 =	sshll.u32 s0, $0xA;
	s2 =	sadd.s32 s3, s2  }
0x8d: {  	s2 =	sadd.s32 s2, s16  }
0x8e: {  	[smem:$0x3FB9] =	sst s2  }
0x8f: {  	_ = 	snop  }
0x90: {  	(tm) =	ssettm $0x1  }
0x91: {  	s17 =	sld [smem:$0x3FFB];
	_ =	sdelay $0x3  }
0x92: {  	_ =	strace s17  }
0x93: {  	s2 =	sld [smem:$0x3FFC];
	_ =	sdelay $0x3  }
0x94: {  	_ =	strace s2  }
0x95: {  	s2 =	sld [smem:$0x3FFD];
	_ =	sdelay $0x3  }
0x96: {  	_ =	strace s2  }
0x97: {  	_ =	strace $0x8FFFFFFF  }
0x98: {  	s18 =	sld [smem:$0x3FDB];
	_ =	sdelay $0x1  }
0x99: {  	s19 =	simm.s32 $_scs_section_size  }
0x9a: {  	s4 =	simm.s32 $_size__tile_overlayer_lowered;
	s5 =	simm.s32 $_tile_overlayer_lowered  }
0x9b: {  	s22 =	simm.s32 $0x1BFF;
	s21 =	sshll.u32 s5, $0x1;
	s2 =	sadd.s32 s19, s18  }
0x9c: {  	s6 =	simm.s32 $0x0;
	s20 =	sshll.u32 s4, $0x1;
	s4 =	sadd.s32 s21, s2  }
0x9d: {  	[timem:s6], [sflag:s22] =	dma.local [hbm:s4], s20  }
0x9e: {  	_ =	swait.ge [sflag:s22], s20  }
0x9f: {  	s3 =	ssub.s32 $0x0, s20;
	[sflag:s22] =	ssyncset.done $0x0  }
0xa0: {  	[sflag:s22] =	ssyncadd.s32 s3;
	_ =	sdelay $0x1  }
0xa1: {  	s23 =	simm.s32 $0x1B8B  }
0xa2: {  	_ =	swait.ge [sflag:s23], $0x1  }
0xa3: {  	[sflag:s23] =	ssyncset.done $0x0  }
0xa4: {  	s25 =	simm.s32 $0x1B8E;
	s24 =	sld [smem:$0x3FFE];
	[sflag:s23] =	ssyncadd.s32 $0xFFFFFFFF  }
0xa5: {  	s26 =	simm.s32 $execute0_lowered;
	[smem:$0x3FD2] =	sst s25  }
0xa6: {  	s4 =	sshll.u32 s26, $0x1;
	_ =	strace $0x8000004F;
	[dreg:$0x1] =	wrdreg $0xFFFFFFFF  }
0xa7: {  	s28 =	simm.s32 $_size_execute0_lowered;
	s2 =	sadd.s32 s2, s4;
	[dreg:$0x0] =	wrdreg $0x0  }
0xa8: {  	s4 =	sshll.u32 s28, $0x1;
	[dreg:$0x2] =	wrdreg s2  }
0xa9: {  	[dreg:$0x3] =	wrdreg s4  }
0xaa: {  	[dreg:$0x4] =	wrdreg $0xC0  }
0xab: {  	_ =	task [dreg:s6], $0x5FFFF  }
0xac: {  	[dreg:$0x1] =	wrdreg $0xFFFFFFFF  }
0xad: {  	[dreg:$0x0] =	wrdreg $0x60  }
0xae: {  	[dreg:$0x2] =	wrdreg s24  }
0xaf: {  	[dreg:$0x3] =	wrdreg $0xB5400  }
0xb0: {  	[dreg:$0x4] =	wrdreg $0x9  }
0xb1: {  	_ =	task.clear_ibuf [dreg:s6], $0x5FFFF;
	_ =	strace $0x9000004F  }
0xb2: {  	s29 =	simm.s32 $0x9;
	_ =	strace $0x80000051  }
0xb3: {  	_ =	swait.ge [sflag:s29], $0x1  }
0xb4: {  	[sflag:s29] =	ssyncadd.s32 $0xFFFFFFFF  }
0xb5: {  	_ =	strace $0x90000051  }
0xb6: {  	_ =	sfence  }
0xb7: {  	s30 =	sld [smem:$0x0];
	_ =	sdelay $0x2  }
0xb8: {  	s31 =	sshll.u32 s1, $0xD;
	s1 =	sshrl.u32 s1, $0x2  }
0xb9: {  	s3 =	sand.u32 $0x4000, s31;
	s1 =	sadd.s32 s1, s30  }
0xba: {  	s0 =	sor.u32 s3, s0;
	s1 =	sshll.u32 s1, $0x11  }
0xbb: {  	s0 =	sor.u32 s1, s0  }
0xbc: {  	s0 =	sadd.s32 $0x8F2B, s0  }
0xbd: {  	[sflag:s0] =	ssyncadd.remote.s32 $0x1  }
0xbe: {  	_ =	sfence.sel $0xFFFF  }
0xbf: {  	[dreg:$0x0] =	wrdreg $0xFFFFFFFF;
	(pc) =	sbr.abs _section_cstart, $3  }
0xc0: {  	[dreg:$0x1] =	wrdreg $0xFFFFFFFF  }
0xc1: {  	_ =	task.clear_ibuf [dreg:s6], $0x2FFFF;
	_ =	strace $0x9FFFFFFF  }
0xc2: {  	(tm) =	ssettm $0x7FFFFFFF  }
0xc3: {  	_ =	shalt  }
tec
execute0_lowered:
.L_overlay_start_1:
0x0: {  	(tag) =	ssettag $0x1  }
0x1: {  	s0 =	srdreg.scid;
	s5 =	rddreg [dreg:$0x0]  }
0x2: {  	s9 =	stileid.u32;
	s2 =	rddreg [dreg:$0x1]  }
0x3: {  	s3 =	simm.s32 $0x0;
	s13 =	simm.s32 $0x28A0;
	s14 =	simm.s32 $0x1  }
0x4: {  	s15 =	simm.s32 $0x64;
	s16 =	simm.s32 $0x5140;
	s17 =	simm.s32 $0x68  }
0x5: {  	s18 =	simm.s32 $0x6A40;
	s19 =	simm.s32 $0xD0;
	s20 =	simm.s32 $0x8340  }
0x6: {  	s21 =	simm.s32 $0x2;
	s23 =	simm.s32 $0x9C40;
	s24 =	simm.s32 $0x3  }
0x7: {  	s29 =	simm.s32 $0x4;
	s31 =	simm.s32 $0x7;
	s25 =	simm.s32 $0x8  }
0x8: {  	s30 =	simm.s32 $0x9;
	s22 =	simm.s32 $0x0;
	s0 =	sand.u32 $0x1, s0  }
0x9: {  	s1 =	sshll.u32 s9, $0x1;
	s7 =	smul.u32 $0xA000, s9;
	[smem:$0x7FF] =	sst s3  }
0xa: {  	s4 =	sadd.s32 $0x4C00, s5;
	s8 =	sadd.s32 $0x18600, s5;
	s1 =	sor.u32 s0, s1  }
0xb: {  	s6 =	smul.u32 $0xA0000, s0;
	_ =	strace $0x80000050;
	s0 =	ssub.s32 $0x2, s0  }
0xc: {  	[dreg:$0x3] =	wrdreg s8;
	s1 =	smul.u32 $0x28A0, s1;
	s26 =	sshrl.u32 s0, $0x1  }
0xd: {  	s12 =	sadd.s32 s7, s2;
	s6 =	sadd.s32 s7, s6;
	s0 =	ssub.s32 s0, s26  }
0xe: {  	s12 =	sshrl.u32 s12, $0x3;
	s26 =	simm.s32 $0x6;
	s1 =	sshrl.u32 s1, $0x3  }
0xf: {  	s6 =	sshrl.u32 s6, $0x3;
	s11 =	smax.u32 s0, $0x1;
	s0 =	simm.s32 $0x5  }
0x10: {  	s1 =	sadd.s32 s1, s5;
	s5 =	sadd.s32 s6, s5;
	s6 =	sshll.u32 s9, $0x6  }
0x11: {  	s28 =	sor.u32 $0x1C01, s6;
	s8 =	sadd.s32 $0x28A00, s1;
	s9 =	sadd.s32 $0x32C80, s1  }
0x12: {  	s10 =	sadd.s32 $0x3D000, s5;
	s1 =	simm.s32 $0xA;
	[dreg:$0x4] =	wrdreg s28  }
.LBB2_1:
0x13: {  	s5 =	rddreg [dreg:$0x3]  }
0x14: {  	s7 =	rddreg [dreg:$0x4]  }
0x15: {  	[spmem:s12], [sflag:s7] =	dma.local [hbm:s5], $0x1400  }
0x16: {  	[tilespmem:s3], [sflag:$0x1] =	stream.linear.gather [hbm4b:s8+s3], $0x28A0, $0x38;
	[tilespmem:$0x15540] =	vst v63  }
0x17: {  	_ = 	snop  }
0x18: {  	[tilespmem:s13], [sflag:$0x1] =	stream.linear.gather [hbm4b:s9+s3], $0x28A0, $0x38;
	[tilespmem:$0x15540] =	vst v63  }
0x19: {  	_ =	swait.ge [sflag:s14], $0x1400  }
0x1a: {  	[sflag:s14] =	ssyncset.done $0x0  }
0x1b: {  	[sflag:s14] =	ssyncadd.s32 $0xFFFFEC00  }
0x1c: {  	_ =	swait.ge [sflag:s14], $0x28A0  }
0x1d: {  	[sflag:s14] =	ssyncset.done $0x0  }
0x1e: {  	[sflag:s14] =	ssyncadd.s32 $0xFFFFD760  }
0x1f: {  	_ =	swait.ge [sflag:s14], $0x28A0  }
0x20: {  	[sflag:s14] =	ssyncset.done $0x0  }
0x21: {  	[sflag:s14] =	ssyncadd.s32 $0xFFFFD760  }
0x22: {  	[bflag:$0x0] =	sbarrier.arrive $0xFFFF  }
0x23: {  	[tilespmem:s16], [sflag:$0x2] =	stream.indirect.gather [hbm4b:s4+s15], $0x40, s3, s15, $0xb8;
	[tilespmem:$0x15540] =	vst v63  }
0x24: {  	_ = 	snop  }
0x25: {  	[tilespmem:s18], [sflag:$0x3] =	stream.indirect.gather [hbm4b:s4+s15], $0x40, s17, s15, $0xb8;
	[tilespmem:$0x15540] =	vst v63  }
0x26: {  	_ = 	snop  }
0x27: {  	[tilespmem:s20], [sflag:$0x4] =	stream.indirect.gather [hbm4b:s4+s15], $0x40, s19, s15, $0xb8;
	[tilespmem:$0x15540] =	vst v63  }
0x28: {  	_ =	swait.ge [sflag:s21], $0x1900  }
0x29: {  	[sflag:s21] =	ssyncset.done $0x0  }
0x2a: {  	[sflag:s21] =	ssyncadd.s32 $0xFFFFE700  }
0x2b: {  	[spmem:s2] =	stream.indirect.scatter.add.f32 [tilespmem:s16], [sflag:$0x6], $0x40, s13, s15, $0xb8;
	[tilespmem:$0x15540] =	vst v63  }
0x2c: {  	s7 =	simm.s32 $0x138  }
0x2d: {  	[tilespmem:s23], [sflag:$0x5] =	stream.indirect.gather [hbm4b:s4+s15], $0x40, s7, s15, $0xb8;
	[tilespmem:$0x15540] =	vst v63  }
0x2e: {  	_ =	swait.ge [sflag:s24], $0x1900  }
0x2f: {  	[sflag:s24] =	ssyncset.done $0x0  }
0x30: {  	s7 =	simm.s32 $0x2908;
	[sflag:s24] =	ssyncadd.s32 $0xFFFFE700  }
0x31: {  	[spmem:s2] =	stream.indirect.scatter.add.f32 [tilespmem:s18], [sflag:$0x7], $0x40, s7, s15, $0xb8;
	[tilespmem:$0x15540] =	vst v63  }
0x32: {  	_ =	swait.ge [sflag:s26], $0x1900  }
0x33: {  	[sflag:s26] =	ssyncset.done $0x0  }
0x34: {  	s7 =	simm.s32 $0x1A0;
	[sflag:s26] =	ssyncadd.s32 $0xFFFFE700  }
0x35: {  	[tilespmem:s16], [sflag:$0x2] =	stream.indirect.gather [hbm4b:s4+s15], $0x40, s7, s15, $0xb8;
	[tilespmem:$0x15540] =	vst v63  }
0x36: {  	_ =	swait.ge [sflag:s29], $0x1900  }
0x37: {  	[sflag:s29] =	ssyncset.done $0x0  }
0x38: {  	s7 =	simm.s32 $0x2970;
	[sflag:s29] =	ssyncadd.s32 $0xFFFFE700  }
0x39: {  	[spmem:s2] =	stream.indirect.scatter.add.f32 [tilespmem:s20], [sflag:$0x8], $0x40, s7, s15, $0xb8;
	[tilespmem:$0x15540] =	vst v63  }
0x3a: {  	_ =	swait.ge [sflag:s31], $0x1900  }
0x3b: {  	[sflag:s31] =	ssyncset.done $0x0  }
0x3c: {  	s7 =	simm.s32 $0x208;
	[sflag:s31] =	ssyncadd.s32 $0xFFFFE700  }
0x3d: {  	[tilespmem:s18], [sflag:$0x3] =	stream.indirect.gather [hbm4b:s4+s15], $0x40, s7, s15, $0xb8;
	[tilespmem:$0x15540] =	vst v63  }
0x3e: {  	_ =	swait.ge [sflag:s0], $0x1900  }
0x3f: {  	[sflag:s0] =	ssyncset.done $0x0  }
0x40: {  	s7 =	simm.s32 $0x29D8;
	[sflag:s0] =	ssyncadd.s32 $0xFFFFE700  }
0x41: {  	[spmem:s2] =	stream.indirect.scatter.add.f32 [tilespmem:s23], [sflag:$0x9], $0x40, s7, s15, $0xb8;
	[tilespmem:$0x15540] =	vst v63  }
0x42: {  	_ =	swait.ge [sflag:s25], $0x1900  }
0x43: {  	[sflag:s25] =	ssyncset.done $0x0  }
0x44: {  	s7 =	simm.s32 $0x270;
	[sflag:s25] =	ssyncadd.s32 $0xFFFFE700  }
0x45: {  	[tilespmem:s20], [sflag:$0x4] =	stream.indirect.gather [hbm4b:s4+s15], $0x40, s7, s15, $0xb8;
	[tilespmem:$0x15540] =	vst v63  }
0x46: {  	_ =	swait.ge [sflag:s21], $0x1900  }
0x47: {  	[sflag:s21] =	ssyncset.done $0x0  }
0x48: {  	s7 =	simm.s32 $0x2A40;
	[sflag:s21] =	ssyncadd.s32 $0xFFFFE700  }
0x49: {  	[spmem:s2] =	stream.indirect.scatter.add.f32 [tilespmem:s16], [sflag:$0x6], $0x40, s7, s15, $0xb8;
	[tilespmem:$0x15540] =	vst v63  }
0x4a: {  	_ =	swait.ge [sflag:s30], $0x1900  }
0x4b: {  	[sflag:s30] =	ssyncset.done $0x0  }
0x4c: {  	s7 =	simm.s32 $0x2D8;
	[sflag:s30] =	ssyncadd.s32 $0xFFFFE700  }
0x4d: {  	[tilespmem:s23], [sflag:$0x5] =	stream.indirect.gather [hbm4b:s4+s15], $0x40, s7, s15, $0xb8;
	[tilespmem:$0x15540] =	vst v63  }
0x4e: {  	_ =	swait.ge [sflag:s24], $0x1900  }
0x4f: {  	[sflag:s24] =	ssyncset.done $0x0  }
0x50: {  	s7 =	simm.s32 $0x2AA8;
	[sflag:s24] =	ssyncadd.s32 $0xFFFFE700  }
0x51: {  	[spmem:s2] =	stream.indirect.scatter.add.f32 [tilespmem:s18], [sflag:$0x7], $0x40, s7, s15, $0xb8;
	[tilespmem:$0x15540] =	vst v63  }
0x52: {  	_ =	swait.ge [sflag:s26], $0x1900  }
0x53: {  	[sflag:s26] =	ssyncset.done $0x0  }
0x54: {  	s7 =	simm.s32 $0x340;
	[sflag:s26] =	ssyncadd.s32 $0xFFFFE700  }
0x55: {  	[tilespmem:s16], [sflag:$0x2] =	stream.indirect.gather [hbm4b:s4+s15], $0x40, s7, s15, $0xb8;
	[tilespmem:$0x15540] =	vst v63  }
0x56: {  	_ =	swait.ge [sflag:s29], $0x1900  }
0x57: {  	[sflag:s29] =	ssyncset.done $0x0  }
0x58: {  	s7 =	simm.s32 $0x2B10;
	[sflag:s29] =	ssyncadd.s32 $0xFFFFE700  }
0x59: {  	[spmem:s2] =	stream.indirect.scatter.add.f32 [tilespmem:s20], [sflag:$0x8], $0x40, s7, s15, $0xb8;
	[tilespmem:$0x15540] =	vst v63  }
0x5a: {  	_ =	swait.ge [sflag:s31], $0x1900  }
0x5b: {  	[sflag:s31] =	ssyncset.done $0x0  }
0x5c: {  	s7 =	simm.s32 $0x3A8;
	[sflag:s31] =	ssyncadd.s32 $0xFFFFE700  }
0x5d: {  	[tilespmem:s18], [sflag:$0x3] =	stream.indirect.gather [hbm4b:s4+s15], $0x40, s7, s15, $0xb8;
	[tilespmem:$0x15540] =	vst v63  }
0x5e: {  	_ =	swait.ge [sflag:s0], $0x1900  }
0x5f: {  	[sflag:s0] =	ssyncset.done $0x0  }
0x60: {  	s7 =	simm.s32 $0x2B78;
	[sflag:s0] =	ssyncadd.s32 $0xFFFFE700  }
0x61: {  	[spmem:s2] =	stream.indirect.scatter.add.f32 [tilespmem:s23], [sflag:$0x9], $0x40, s7, s15, $0xb8;
	[tilespmem:$0x15540] =	vst v63  }
0x62: {  	_ =	swait.ge [sflag:s25], $0x1900  }
0x63: {  	[sflag:s25] =	ssyncset.done $0x0  }
0x64: {  	s28 =	simm.s32 $0x680;
	s5 =	simm.s32 $0x410;
	[sflag:s25] =	ssyncadd.s32 $0xFFFFE700  }
.LBB2_2:
0x65: {  	[tilespmem:s20], [sflag:$0x4] =	stream.indirect.gather [hbm4b:s4+s15], $0x40, s5, s15, $0xb8;
	[tilespmem:$0x15540] =	vst v63  }
0x66: {  	s5 =	smov.u32 s28;
	s28 =	sadd.s32 $0x680, s28;
	_ =	swait.ge [sflag:s21], $0x1900  }
0x67: {  	s5 =	sshra.s32 s5, $0x2;
	p0 =	sne.s32 s28, $0x9580;
	[sflag:s21] =	ssyncset.done $0x0  }
0x68: {  	s7 =	sadd.s32 $0x2A40, s5;
	[sflag:s21] =	ssyncadd.s32 $0xFFFFE700  }
0x69: {  	[spmem:s2] =	stream.indirect.scatter.add.f32 [tilespmem:s16], [sflag:$0x6], $0x40, s7, s15, $0xb8;
	[tilespmem:$0x15540] =	vst v63  }
0x6a: {  	_ =	swait.ge [sflag:s30], $0x1900  }
0x6b: {  	[sflag:s30] =	ssyncset.done $0x0  }
0x6c: {  	s7 =	sadd.s32 $0x2D8, s5;
	[sflag:s30] =	ssyncadd.s32 $0xFFFFE700  }
0x6d: {  	[tilespmem:s23], [sflag:$0x5] =	stream.indirect.gather [hbm4b:s4+s15], $0x40, s7, s15, $0xb8;
	[tilespmem:$0x15540] =	vst v63  }
0x6e: {  	_ =	swait.ge [sflag:s24], $0x1900  }
0x6f: {  	[sflag:s24] =	ssyncset.done $0x0  }
0x70: {  	s7 =	sadd.s32 $0x2AA8, s5;
	[sflag:s24] =	ssyncadd.s32 $0xFFFFE700  }
0x71: {  	[spmem:s2] =	stream.indirect.scatter.add.f32 [tilespmem:s18], [sflag:$0x7], $0x40, s7, s15, $0xb8;
	[tilespmem:$0x15540] =	vst v63  }
0x72: {  	_ =	swait.ge [sflag:s26], $0x1900  }
0x73: {  	[sflag:s26] =	ssyncset.done $0x0  }
0x74: {  	s7 =	sadd.s32 $0x340, s5;
	[sflag:s26] =	ssyncadd.s32 $0xFFFFE700  }
0x75: {  	[tilespmem:s16], [sflag:$0x2] =	stream.indirect.gather [hbm4b:s4+s15], $0x40, s7, s15, $0xb8;
	[tilespmem:$0x15540] =	vst v63  }
0x76: {  	_ =	swait.ge [sflag:s29], $0x1900  }
0x77: {  	[sflag:s29] =	ssyncset.done $0x0  }
0x78: {  	s7 =	sadd.s32 $0x2B10, s5;
	[sflag:s29] =	ssyncadd.s32 $0xFFFFE700  }
0x79: {  	[spmem:s2] =	stream.indirect.scatter.add.f32 [tilespmem:s20], [sflag:$0x8], $0x40, s7, s15, $0xb8;
	[tilespmem:$0x15540] =	vst v63  }
0x7a: {  	_ =	swait.ge [sflag:s31], $0x1900  }
0x7b: {  	[sflag:s31] =	ssyncset.done $0x0  }
0x7c: {  	s7 =	sadd.s32 $0x3A8, s5;
	[sflag:s31] =	ssyncadd.s32 $0xFFFFE700  }
0x7d: {  	[tilespmem:s18], [sflag:$0x3] =	stream.indirect.gather [hbm4b:s4+s15], $0x40, s7, s15, $0xb8;
	[tilespmem:$0x15540] =	vst v63  }
0x7e: {  	_ =	swait.ge [sflag:s0], $0x1900  }
0x7f: {  	[sflag:s0] =	ssyncset.done $0x0  }
.Ltmp0:
0x80: {  	s7 =	sadd.s32 $0x2B78, s5;
	[sflag:s0] =	ssyncadd.s32 $0xFFFFE700;
	(pc) =	sbr.rel @p0 .LBB2_2-.Ltmp0, $4  }
0x81: {  	[spmem:s2] =	stream.indirect.scatter.add.f32 [tilespmem:s23], [sflag:$0x9], $0x40, s7, s15, $0xb8;
	[tilespmem:$0x15540] =	vst v63  }
0x82: {  	_ =	swait.ge [sflag:s25], $0x1900  }
0x83: {  	[sflag:s25] =	ssyncset.done $0x0  }
0x84: {  	s5 =	sadd.s32 $0x410, s5;
	[sflag:s25] =	ssyncadd.s32 $0xFFFFE700  }
0x85: {  	[tilespmem:s20], [sflag:$0x4] =	stream.indirect.gather [hbm4b:s4+s15], $0x40, s5, s15, $0xb8;
	[tilespmem:$0x15540] =	vst v63  }
0x86: {  	_ =	swait.ge [sflag:s21], $0x1900  }
0x87: {  	s5 =	sshra.s32 s28, $0x2;
	[sflag:s21] =	ssyncset.done $0x0  }
0x88: {  	s7 =	sadd.s32 $0x2A40, s5;
	[sflag:s21] =	ssyncadd.s32 $0xFFFFE700  }
0x89: {  	[spmem:s2] =	stream.indirect.scatter.add.f32 [tilespmem:s16], [sflag:$0x6], $0x40, s7, s15, $0xb8;
	[tilespmem:$0x15540] =	vst v63  }
0x8a: {  	_ =	swait.ge [sflag:s30], $0x1900  }
0x8b: {  	[sflag:s30] =	ssyncset.done $0x0  }
0x8c: {  	s28 =	sadd.s32 $0x2D8, s5;
	[sflag:s30] =	ssyncadd.s32 $0xFFFFE700  }
0x8d: {  	[tilespmem:s23], [sflag:$0x5] =	stream.indirect.gather [hbm4b:s4+s15], $0x40, s28, s15, $0xb8;
	[tilespmem:$0x15540] =	vst v63  }
0x8e: {  	_ =	swait.ge [sflag:s24], $0x1900  }
0x8f: {  	[sflag:s24] =	ssyncset.done $0x0  }
0x90: {  	s28 =	sadd.s32 $0x2AA8, s5;
	[sflag:s24] =	ssyncadd.s32 $0xFFFFE700  }
0x91: {  	[spmem:s2] =	stream.indirect.scatter.add.f32 [tilespmem:s18], [sflag:$0x7], $0x40, s28, s15, $0xb8;
	[tilespmem:$0x15540] =	vst v63  }
0x92: {  	_ =	swait.ge [sflag:s26], $0x1900  }
0x93: {  	[sflag:s26] =	ssyncset.done $0x0  }
0x94: {  	[sflag:s26] =	ssyncadd.s32 $0xFFFFE700  }
0x95: {  	[tilespmem:s16], [sflag:$0x2] =	stream.indirect.gather [hbm4b:s4+s15], $0x40, s3, s15, $0xb8;
	[tilespmem:$0x15540] =	vst v63  }
0x96: {  	_ =	swait.ge [sflag:s29], $0x1900  }
0x97: {  	[sflag:s29] =	ssyncset.done $0x0  }
0x98: {  	s28 =	sadd.s32 $0x2B10, s5;
	[sflag:s29] =	ssyncadd.s32 $0xFFFFE700  }
0x99: {  	[spmem:s2] =	stream.indirect.scatter.add.f32 [tilespmem:s20], [sflag:$0x8], $0x40, s28, s15, $0xb8;
	[tilespmem:$0x15540] =	vst v63  }
0x9a: {  	_ =	swait.ge [sflag:s31], $0x1900  }
0x9b: {  	[sflag:s31] =	ssyncset.done $0x0  }
0x9c: {  	[sflag:s31] =	ssyncadd.s32 $0xFFFFE700  }
0x9d: {  	[tilespmem:s18], [sflag:$0x3] =	stream.indirect.gather [hbm4b:s4+s15], $0x40, s17, s15, $0xb8;
	[tilespmem:$0x15540] =	vst v63  }
0x9e: {  	_ =	swait.ge [sflag:s0], $0x1900  }
0x9f: {  	[sflag:s0] =	ssyncset.done $0x0  }
0xa0: {  	s5 =	sadd.s32 $0x2B78, s5;
	[sflag:s0] =	ssyncadd.s32 $0xFFFFE700  }
0xa1: {  	[spmem:s2] =	stream.indirect.scatter.add.f32 [tilespmem:s23], [sflag:$0x9], $0x40, s5, s15, $0xb8;
	[tilespmem:$0x15540] =	vst v63  }
0xa2: {  	_ =	swait.ge [sflag:s25], $0x1900  }
0xa3: {  	[sflag:s25] =	ssyncset.done $0x0  }
0xa4: {  	[sflag:s25] =	ssyncadd.s32 $0xFFFFE700  }
0xa5: {  	[tilespmem:s20], [sflag:$0x4] =	stream.indirect.gather [hbm4b:s4+s15], $0x40, s19, s15, $0xb8;
	[tilespmem:$0x15540] =	vst v63  }
0xa6: {  	_ =	swait.ge [sflag:s30], $0x1900  }
0xa7: {  	[sflag:s30] =	ssyncset.done $0x0  }
0xa8: {  	[sflag:s30] =	ssyncadd.s32 $0xFFFFE700  }
0xa9: {  	_ =	swait.ge [sflag:s21], $0x1900  }
0xaa: {  	[sflag:s21] =	ssyncset.done $0x0  }
0xab: {  	[sflag:s21] =	ssyncadd.s32 $0xFFFFE700  }
0xac: {  	_ =	swait.ge [sflag:s24], $0x1900  }
0xad: {  	[sflag:s24] =	ssyncset.done $0x0  }
0xae: {  	[sflag:s24] =	ssyncadd.s32 $0xFFFFE700  }
0xaf: {  	_ =	swait.ge [sflag:s29], $0x1900  }
0xb0: {  	s22 =	sadd.s32 $0x1, s22;
	[sflag:s29] =	ssyncset.done $0x0  }
0xb1: {  	p0 =	sne.s32 s22, s11;
	[sflag:s29] =	ssyncadd.s32 $0xFFFFE700  }
.Ltmp1:
0xb2: {  	s28 =	sor.u32 $0x1C0A, s6;
	[bflag:$0x0] =	sbarrier.arrive $0xFFFF;
	(pc) =	sbr.rel @p0 .LBB2_1-.Ltmp1, $4  }
0xb3: {  	[hbm:s10], [sflag:s28] =	dma.local [spmem:s12], $0x1400  }
0xb4: {  	_ =	swait.ge [sflag:s1], $0x1400  }
0xb5: {  	[sflag:s1] =	ssyncset.done $0x0  }
0xb6: {  	[sflag:s1] =	ssyncadd.s32 $0xFFFFEC00  }
0xb7: {  	_ =	sfence.sel $0x180000  }
0xb8: {  	[bflag:$0x0] =	sbarrier.arrive $0xFFFF  }
0xb9: {  	_ =	strace $0x90000050  }
0xba: {  	s0 =	stileid.u32;
	[bflag:$0x2] =	sbarrier.arrive $0xFFFF  }
0xbb: {  	p0 =	sne.s32 s0, $0x0;
	s0 =	rddreg [dreg:$0x2]  }
0xbc: {  	s0 =	sadd.s32 @!p0 $0x100000, s0  }
0xbd: {  	[sflag:s0] =	ssyncadd.tile.s32 @!p0 $0x1;
	_ =	shalt  }
.Lfunc_end2:
_tile_overlayer_lowered:
.L_overlay_start_2:
0xbe: {  	(tag) =	ssettag $0x2  }
0xbf: {  	s0 =	rddreg [dreg:$0x0];
	s2 =	stileid.u32  }
0xc0: {  	s1 =	rddreg [dreg:$0x1];
	p0 =	sne.s32 s2, $0x0  }
0xc1: {  	s3 =	rddreg [dreg:$0x2];
	[bflag:$0x3] =	sbarrier.arrive $0xFFFF;
	s2 =	simm.s32 @!p0 $0x1C0A  }
0xc2: {  	[timem:s3], [sflag:s2] =	dma.local @!p0 [hbm:s0], s1  }
0xc3: {  	s0 =	simm.s32 @!p0 $0xA  }
0xc4: {  	_ =	swait.ge @!p0 [sflag:s0], s1  }
0xc5: {  	s1 =	ssub.s32 @!p0 $0x0, s1;
	[sflag:s0] =	ssyncset.done @!p0 $0x0  }
0xc6: {  	[sflag:s0] =	ssyncadd.s32 @!p0 s1  }
0xc7: {  	[bflag:$0x3] =	sbarrier.arrive $0xFFFF  }
0xc8: {  	_ =	shalt  }

</sc_bundles>
